<compile_context>
chip_gen: v7x
topology: tpu7x:2x2x1
jax: 0.10.2.dev20260603
libtpu: 0.0.44.dev20260713+nightly
codegen_flags: <defaults>
</compile_context>

<pallas_src>
import functools

import jax
import jax.numpy as jnp
from jax import lax
from jax.experimental import pallas as pl
from jax.experimental.pallas import tpu as pltpu
from jax.experimental.pallas import tpu_sc as plsc

_MASK_ID = 103
_NC, _NS = 2, 16
_NW = _NC * _NS


def kernel(inputs_embeds, word_emb, prompt_emb):
    B, S, H = inputs_embeds.shape
    P = prompt_emb.shape[0]
    T = 1 + P + S
    dt = inputs_embeds.dtype
    RB = S // _NW
    CH = RB // 2
    RP = P // 8
    mal, mof = divmod(_MASK_ID, 8)
    mal *= 8

    mesh = plsc.VectorSubcoreMesh(core_axis_name="c", subcore_axis_name="s")

    @functools.partial(
        pl.kernel,
        out_type=jax.ShapeDtypeStruct((T, B, H), dt),
        mesh=mesh,
        scratch_types=[
            pltpu.VMEM((CH, H), dt),
            pltpu.VMEM((CH, H), dt),
            pltpu.VMEM((RP, H), dt),
            pltpu.VMEM((8, H), dt),
            pltpu.VMEM((1, H), dt),
            pltpu.SemaphoreType.DMA,
            pltpu.SemaphoreType.DMA,
            pltpu.SemaphoreType.DMA,
        ],
    )
    def body(in_hbm, word_hbm, prompt_hbm, out_hbm,
             va, vb, vp, vw, vw1, g_sem, s_sem, p_sem):
        wid = lax.axis_index("s") * _NC + lax.axis_index("c")

        @pl.when(wid < 8)
        def _prompt():
            p0 = pl.multiple_of(wid * RP, 8)
            pltpu.async_copy(prompt_hbm.at[pl.ds(p0, RP)], vp, p_sem).wait()
            for b in range(B):
                pltpu.async_copy(vp, out_hbm.at[pl.ds(1 + p0, RP), b], p_sem)

        @pl.when(wid == 8)
        def _mask():
            pltpu.async_copy(word_hbm.at[pl.ds(mal, 8)], vw, p_sem).wait()
            for c in range(0, H, 16):
                vw1[0, pl.ds(c, 16)] = vw[mof, pl.ds(c, 16)]
            for b in range(B):
                pltpu.async_copy(vw1, out_hbm.at[pl.ds(0, 1), b], p_sem)

        s0 = pl.multiple_of(wid * RB, 8)
        t0 = 1 + P + wid * RB
        bufs = (va, vb)
        chunks = [(b, h) for b in range(B) for h in range(RB // CH)]
        prev_s = None
        cur_g = pltpu.async_copy(
            in_hbm.at[chunks[0][0], pl.ds(s0 + chunks[0][1] * CH, CH)],
            bufs[0], g_sem,
        )
        for i, (b, h) in enumerate(chunks):
            cur_g.wait()
            if prev_s is not None:
                prev_s.wait()
            if i + 1 < len(chunks):
                nb, nh = chunks[i + 1]
                cur_g = pltpu.async_copy(
                    in_hbm.at[nb, pl.ds(s0 + nh * CH, CH)],
                    bufs[(i + 1) % 2], g_sem,
                )
            prev_s = pltpu.async_copy(
                bufs[i % 2], out_hbm.at[pl.ds(t0 + h * CH, CH), b], s_sem
            )
        prev_s.wait()

        @pl.when(wid < 8)
        def _drain_prompt():
            p0 = pl.multiple_of(wid * RP, 8)
            for b in range(B):
                pltpu.make_async_copy(
                    vp, out_hbm.at[pl.ds(1 + p0, RP), b], p_sem
                ).wait()

        @pl.when(wid == 8)
        def _drain_mask():
            for b in range(B):
                pltpu.make_async_copy(
                    vw1, out_hbm.at[pl.ds(0, 1), b], p_sem
                ).wait()

    res = body(inputs_embeds, word_emb, prompt_emb)
    return jnp.transpose(res, (1, 0, 2))

# --- scband reference (transcript-rebuilt; emitter-appended) ---
"""Pipeline reference for scband-prompt-embeddings-70446053589242 (READ-ONLY COPY).

The authoritative reference and input builder live on the scoring server;
editing this copy changes nothing except your own understanding.
"""

import jax, jax.numpy as jnp
import numpy as np

PROMPT_LEN = 128
HIDDEN = 1024
MASK_TOKEN_ID = 103
VOCAB = 100000
BATCH = 4
SEQ = 2048


def setup_inputs(seed: int = 0) -> dict:
    key = jax.random.key(seed)
    k1, k2, k3 = jax.random.split(key, 3)
    inputs_embeds = jax.random.normal(k1, (BATCH, SEQ, HIDDEN), dtype=jnp.float32)
    word_emb = jax.random.normal(k2, (VOCAB, HIDDEN), dtype=jnp.float32)
    # prompt embeddings initialized uniform(-0.5, 0.5) as in the torch module
    prompt_emb = jax.random.uniform(k3, (PROMPT_LEN, HIDDEN), dtype=jnp.float32, minval=-0.5, maxval=0.5)
    return {"inputs_embeds": inputs_embeds, "word_emb": word_emb, "prompt_emb": prompt_emb}


def reference(inputs_embeds, word_emb, prompt_emb):
    # Faithful translation of PromptEmbeddings.prepend_prompt_embeddings
    batch_size, seq_length, hidden = inputs_embeds.shape
    # mask_embed = word_embeddings([mask_token_id].repeat(batch, 1))
    mask_ids = jnp.full((batch_size, 1), MASK_TOKEN_ID, dtype=jnp.int64)
    mask_embed = jnp.take(word_emb, mask_ids, axis=0)  # [B, 1, H]
    # prompt_ids = arange(prompt_len).repeat(batch, 1)
    prompt_ids = jnp.tile(jnp.arange(PROMPT_LEN, dtype=jnp.int64)[None, :], (batch_size, 1))
    prompt_embed = jnp.take(prompt_emb, prompt_ids, axis=0)  # [B, P, H]
    out = jnp.concatenate([mask_embed, prompt_embed, inputs_embeds], axis=1)
    return out

if __name__ == "__main__":
    import jax
    _d = setup_inputs()
    print(jax.jit(kernel)(*tuple(_d.values())))

</pallas_src>

<mosaic_0001>
#map = affine_map<(d0, d1) -> (0, 0, 0)>
#map1 = affine_map<(d0, d1) -> (0, 0)>
module attributes {stable_mosaic.version = 14 : i64} {
  func.func @body(%arg0: i32, %arg1: i32, %arg2: memref<4x2048x1024xf32, #tpu.memory_space<hbm>>, %arg3: memref<100000x1024xf32, #tpu.memory_space<hbm>>, %arg4: memref<128x1024xf32, #tpu.memory_space<hbm>>, %arg5: memref<2177x4x1024xf32, #tpu.memory_space<hbm>>, %arg6: memref<32x1024xf32, #tpu.memory_space<vmem>>, %arg7: memref<32x1024xf32, #tpu.memory_space<vmem>>, %arg8: memref<16x1024xf32, #tpu.memory_space<vmem>>, %arg9: memref<8x1024xf32, #tpu.memory_space<vmem>>, %arg10: memref<1x1024xf32, #tpu.memory_space<vmem>>, %arg11: memref<!tpu.dma_semaphore, #tpu.memory_space<semaphore_mem>>, %arg12: memref<!tpu.dma_semaphore, #tpu.memory_space<semaphore_mem>>, %arg13: memref<!tpu.dma_semaphore, #tpu.memory_space<semaphore_mem>>) attributes {dimension_semantics = [#tpu.dimension_semantics<core_parallel>, #tpu.dimension_semantics<subcore_parallel>], iteration_bounds = array<i64: 2, 16>, scalar_prefetch = 0 : i64, scratch_operands = 8 : i64, tpu.core_type = #tpu.core_type<sc_vector_subcore>, window_params = [{transform_indices = #map}, {transform_indices = #map1}, {transform_indices = #map1}, {transform_indices = #map}]} {
    %mul3A = arith.constant 2 : i32
    %mul3A_0 = arith.muli %arg1, %mul3A : i32
    %add3A = arith.addi %mul3A_0, %arg0 : i32
    %lt3A = arith.constant 8 : i32
    %lt3A_1 = arith.cmpi slt, %add3A, %lt3A : i32
    %convert_element_type3A = arith.extui %lt3A_1 : i1 to i32
    %cond3A = arith.constant 0 : i32
    %cond3A_2 = arith.cmpi ne, %convert_element_type3A, %cond3A : i32
    scf.if %cond3A_2 {
      %mul3A_277 = arith.constant 16 : i32
      %mul3A_278 = arith.muli %add3A, %mul3A_277 : i32
      %multiple_of3A_279 = tpu.assume_multiple %mul3A_278, 8 : i32
      %dma_start3A_280 = arith.constant 0 : i32
      %dma_start3A_281 = tpu.memref_slice %arg4[%multiple_of3A_279, %dma_start3A_280] : memref<128x1024xf32, #tpu.memory_space<hbm>> -> memref<16x1024xf32, #tpu.memory_space<hbm>>
      %dma_start3A_282 = arith.constant 0 : i32
      %dma_start3A_283 = tpu.memref_slice %arg4[%multiple_of3A_279, %dma_start3A_282] : memref<128x1024xf32, #tpu.memory_space<hbm>> -> memref<16x1024xf32, #tpu.memory_space<hbm>>
      tpu.enqueue_dma source(%dma_start3A_283 : memref<16x1024xf32, #tpu.memory_space<hbm>>) target(%arg8 : memref<16x1024xf32, #tpu.memory_space<vmem>>) target_semaphore(%arg13 : memref<!tpu.dma_semaphore, #tpu.memory_space<semaphore_mem>>)
      %dma_wait3A_284 = arith.constant 0 : i32
      %dma_wait3A_285 = tpu.memref_slice %arg4[%multiple_of3A_279, %dma_wait3A_284] : memref<128x1024xf32, #tpu.memory_space<hbm>> -> memref<16x1024xf32, #tpu.memory_space<hbm>>
      %dma_wait3A_286 = arith.constant 0 : i32
      %dma_wait3A_287 = tpu.memref_slice %arg4[%multiple_of3A_279, %dma_wait3A_286] : memref<128x1024xf32, #tpu.memory_space<hbm>> -> memref<16x1024xf32, #tpu.memory_space<hbm>>
      tpu.wait_dma2 semaphore(%arg13 : memref<!tpu.dma_semaphore, #tpu.memory_space<semaphore_mem>>) src(%dma_wait3A_287 : memref<16x1024xf32, #tpu.memory_space<hbm>>) dst(%arg8 : memref<16x1024xf32, #tpu.memory_space<vmem>>)
      %add3A_288 = arith.constant 1 : i32
      %add3A_289 = arith.addi %add3A_288, %multiple_of3A_279 : i32
      %dma_start3A_290 = arith.constant 0 : i32
      %dma_start3A_291 = arith.constant 0 : i32
      %dma_start3A_292 = tpu.memref_slice %arg5[%add3A_289, %dma_start3A_290, %dma_start3A_291] : memref<2177x4x1024xf32, #tpu.memory_space<hbm>> -> memref<16x1x1024xf32, #tpu.memory_space<hbm>>
      %dma_start3A_293 = tpu.memref_squeeze %dma_start3A_292 : memref<16x1x1024xf32, #tpu.memory_space<hbm>> -> memref<16x1024xf32, #tpu.memory_space<hbm>>
      %dma_start3A_294 = arith.constant 0 : i32
      %dma_start3A_295 = tpu.memref_slice %arg5[%add3A_289, %dma_start3A_290, %dma_start3A_294] : memref<2177x4x1024xf32, #tpu.memory_space<hbm>> -> memref<16x1x1024xf32, #tpu.memory_space<hbm>>
      %dma_start3A_296 = tpu.memref_squeeze %dma_start3A_295 : memref<16x1x1024xf32, #tpu.memory_space<hbm>> -> memref<16x1024xf32, #tpu.memory_space<hbm>>
      tpu.enqueue_dma source(%arg8 : memref<16x1024xf32, #tpu.memory_space<vmem>>) target(%dma_start3A_296 : memref<16x1024xf32, #tpu.memory_space<hbm>>) target_semaphore(%arg13 : memref<!tpu.dma_semaphore, #tpu.memory_space<semaphore_mem>>)
      %add3A_297 = arith.constant 1 : i32
      %add3A_298 = arith.addi %add3A_297, %multiple_of3A_279 : i32
      %dma_start3A_299 = arith.constant 1 : i32
      %dma_start3A_300 = arith.constant 0 : i32
      %dma_start3A_301 = tpu.memref_slice %arg5[%add3A_298, %dma_start3A_299, %dma_start3A_300] : memref<2177x4x1024xf32, #tpu.memory_space<hbm>> -> memref<16x1x1024xf32, #tpu.memory_space<hbm>>
      %dma_start3A_302 = tpu.memref_squeeze %dma_start3A_301 : memref<16x1x1024xf32, #tpu.memory_space<hbm>> -> memref<16x1024xf32, #tpu.memory_space<hbm>>
      %dma_start3A_303 = arith.constant 0 : i32
      %dma_start3A_304 = tpu.memref_slice %arg5[%add3A_298, %dma_start3A_299, %dma_start3A_303] : memref<2177x4x1024xf32, #tpu.memory_space<hbm>> -> memref<16x1x1024xf32, #tpu.memory_space<hbm>>
      %dma_start3A_305 = tpu.memref_squeeze %dma_start3A_304 : memref<16x1x1024xf32, #tpu.memory_space<hbm>> -> memref<16x1024xf32, #tpu.memory_space<hbm>>
      tpu.enqueue_dma source(%arg8 : memref<16x1024xf32, #tpu.memory_space<vmem>>) target(%dma_start3A_305 : memref<16x1024xf32, #tpu.memory_space<hbm>>) target_semaphore(%arg13 : memref<!tpu.dma_semaphore, #tpu.memory_space<semaphore_mem>>)
      %add3A_306 = arith.constant 1 : i32
      %add3A_307 = arith.addi %add3A_306, %multiple_of3A_279 : i32
      %dma_start3A_308 = arith.constant 2 : i32
      %dma_start3A_309 = arith.constant 0 : i32
      %dma_start3A_310 = tpu.memref_slice %arg5[%add3A_307, %dma_start3A_308, %dma_start3A_309] : memref<2177x4x1024xf32, #tpu.memory_space<hbm>> -> memref<16x1x1024xf32, #tpu.memory_space<hbm>>
      %dma_start3A_311 = tpu.memref_squeeze %dma_start3A_310 : memref<16x1x1024xf32, #tpu.memory_space<hbm>> -> memref<16x1024xf32, #tpu.memory_space<hbm>>
      %dma_start3A_312 = arith.constant 0 : i32
      %dma_start3A_313 = tpu.memref_slice %arg5[%add3A_307, %dma_start3A_308, %dma_start3A_312] : memref<2177x4x1024xf32, #tpu.memory_space<hbm>> -> memref<16x1x1024xf32, #tpu.memory_space<hbm>>
      %dma_start3A_314 = tpu.memref_squeeze %dma_start3A_313 : memref<16x1x1024xf32, #tpu.memory_space<hbm>> -> memref<16x1024xf32, #tpu.memory_space<hbm>>
      tpu.enqueue_dma source(%arg8 : memref<16x1024xf32, #tpu.memory_space<vmem>>) target(%dma_start3A_314 : memref<16x1024xf32, #tpu.memory_space<hbm>>) target_semaphore(%arg13 : memref<!tpu.dma_semaphore, #tpu.memory_space<semaphore_mem>>)
      %add3A_315 = arith.constant 1 : i32
      %add3A_316 = arith.addi %add3A_315, %multiple_of3A_279 : i32
      %dma_start3A_317 = arith.constant 3 : i32
      %dma_start3A_318 = arith.constant 0 : i32
      %dma_start3A_319 = tpu.memref_slice %arg5[%add3A_316, %dma_start3A_317, %dma_start3A_318] : memref<2177x4x1024xf32, #tpu.memory_space<hbm>> -> memref<16x1x1024xf32, #tpu.memory_space<hbm>>
      %dma_start3A_320 = tpu.memref_squeeze %dma_start3A_319 : memref<16x1x1024xf32, #tpu.memory_space<hbm>> -> memref<16x1024xf32, #tpu.memory_space<hbm>>
      %dma_start3A_321 = arith.constant 0 : i32
      %dma_start3A_322 = tpu.memref_slice %arg5[%add3A_316, %dma_start3A_317, %dma_start3A_321] : memref<2177x4x1024xf32, #tpu.memory_space<hbm>> -> memref<16x1x1024xf32, #tpu.memory_space<hbm>>
      %dma_start3A_323 = tpu.memref_squeeze %dma_start3A_322 : memref<16x1x1024xf32, #tpu.memory_space<hbm>> -> memref<16x1024xf32, #tpu.memory_space<hbm>>
      tpu.enqueue_dma source(%arg8 : memref<16x1024xf32, #tpu.memory_space<vmem>>) target(%dma_start3A_323 : memref<16x1024xf32, #tpu.memory_space<hbm>>) target_semaphore(%arg13 : memref<!tpu.dma_semaphore, #tpu.memory_space<semaphore_mem>>)
    } else {
    }
    %eq3A = arith.constant 8 : i32
    %eq3A_3 = arith.cmpi eq, %add3A, %eq3A : i32
    %convert_element_type3A_4 = arith.extui %eq3A_3 : i1 to i32
    %cond3A_5 = arith.constant 0 : i32
    %cond3A_6 = arith.cmpi ne, %convert_element_type3A_4, %cond3A_5 : i32
    scf.if %cond3A_6 {
      %dma_start3A_277 = arith.constant 96 : i32
      %dma_start3A_278 = arith.constant 0 : i32
      %dma_start3A_279 = tpu.memref_slice %arg3[%dma_start3A_277, %dma_start3A_278] : memref<100000x1024xf32, #tpu.memory_space<hbm>> -> memref<8x1024xf32, #tpu.memory_space<hbm>>
      %dma_start3A_280 = arith.constant 96 : i32
      %dma_start3A_281 = arith.constant 0 : i32
      %dma_start3A_282 = tpu.memref_slice %arg3[%dma_start3A_280, %dma_start3A_281] : memref<100000x1024xf32, #tpu.memory_space<hbm>> -> memref<8x1024xf32, #tpu.memory_space<hbm>>
      tpu.enqueue_dma source(%dma_start3A_282 : memref<8x1024xf32, #tpu.memory_space<hbm>>) target(%arg9 : memref<8x1024xf32, #tpu.memory_space<vmem>>) target_semaphore(%arg13 : memref<!tpu.dma_semaphore, #tpu.memory_space<semaphore_mem>>)
      %dma_wait3A_283 = arith.constant 96 : i32
      %dma_wait3A_284 = arith.constant 0 : i32
      %dma_wait3A_285 = tpu.memref_slice %arg3[%dma_wait3A_283, %dma_wait3A_284] : memref<100000x1024xf32, #tpu.memory_space<hbm>> -> memref<8x1024xf32, #tpu.memory_space<hbm>>
      %dma_wait3A_286 = arith.constant 96 : i32
      %dma_wait3A_287 = arith.constant 0 : i32
      %dma_wait3A_288 = tpu.memref_slice %arg3[%dma_wait3A_286, %dma_wait3A_287] : memref<100000x1024xf32, #tpu.memory_space<hbm>> -> memref<8x1024xf32, #tpu.memory_space<hbm>>
      tpu.wait_dma2 semaphore(%arg13 : memref<!tpu.dma_semaphore, #tpu.memory_space<semaphore_mem>>) src(%dma_wait3A_288 : memref<8x1024xf32, #tpu.memory_space<hbm>>) dst(%arg9 : memref<8x1024xf32, #tpu.memory_space<vmem>>)
      %get3A = arith.constant 7 : i32
      %get3A_289 = arith.index_cast %get3A : i32 to index
      %get3A_290 = arith.constant 0 : index
      %get3A_291 = tpu.vector_load %arg9[%get3A_289, %get3A_290] {strides = array<i32>} : memref<8x1024xf32, #tpu.memory_space<vmem>>, vector<1x16xf32>,
      %get3A_292 = vector.shape_cast %get3A_291 : vector<1x16xf32> to vector<16xf32>
      %swap3A = arith.constant 0 : i32
      %swap3A_293 = arith.index_cast %swap3A : i32 to index
      %swap3A_294 = arith.constant 0 : index
      %swap3A_295 = tpu.vector_load %arg10[%swap3A_293, %swap3A_294] {strides = array<i32>} : memref<1x1024xf32, #tpu.memory_space<vmem>>, vector<1x16xf32>,
      %swap3A_296 = vector.shape_cast %swap3A_295 : vector<1x16xf32> to vector<16xf32>
      %swap3A_297 = vector.shape_cast %get3A_292 : vector<16xf32> to vector<1x16xf32>
      tpu.vector_store %arg10[%swap3A_293, %swap3A_294], %swap3A_297 {strides = array<i32>} : memref<1x1024xf32, #tpu.memory_space<vmem>>, vector<1x16xf32>,
      %get3A_298 = arith.constant 7 : i32
      %get3A_299 = arith.index_cast %get3A_298 : i32 to index
      %get3A_300 = arith.constant 16 : index
      %get3A_301 = tpu.vector_load %arg9[%get3A_299, %get3A_300] {strides = array<i32>} : memref<8x1024xf32, #tpu.memory_space<vmem>>, vector<1x16xf32>,
      %get3A_302 = vector.shape_cast %get3A_301 : vector<1x16xf32> to vector<16xf32>
      %swap3A_303 = arith.constant 0 : i32
      %swap3A_304 = arith.index_cast %swap3A_303 : i32 to index
      %swap3A_305 = arith.constant 16 : index
      %swap3A_306 = tpu.vector_load %arg10[%swap3A_304, %swap3A_305] {strides = array<i32>} : memref<1x1024xf32, #tpu.memory_space<vmem>>, vector<1x16xf32>,
      %swap3A_307 = vector.shape_cast %swap3A_306 : vector<1x16xf32> to vector<16xf32>
      %swap3A_308 = vector.shape_cast %get3A_302 : vector<16xf32> to vector<1x16xf32>
      tpu.vector_store %arg10[%swap3A_304, %swap3A_305], %swap3A_308 {strides = array<i32>} : memref<1x1024xf32, #tpu.memory_space<vmem>>, vector<1x16xf32>,
      %get3A_309 = arith.constant 7 : i32
      %get3A_310 = arith.index_cast %get3A_309 : i32 to index
      %get3A_311 = arith.constant 32 : index
      %get3A_312 = tpu.vector_load %arg9[%get3A_310, %get3A_311] {strides = array<i32>} : memref<8x1024xf32, #tpu.memory_space<vmem>>, vector<1x16xf32>,
      %get3A_313 = vector.shape_cast %get3A_312 : vector<1x16xf32> to vector<16xf32>
      %swap3A_314 = arith.constant 0 : i32
      %swap3A_315 = arith.index_cast %swap3A_314 : i32 to index
      %swap3A_316 = arith.constant 32 : index
      %swap3A_317 = tpu.vector_load %arg10[%swap3A_315, %swap3A_316] {strides = array<i32>} : memref<1x1024xf32, #tpu.memory_space<vmem>>, vector<1x16xf32>,
      %swap3A_318 = vector.shape_cast %swap3A_317 : vector<1x16xf32> to vector<16xf32>
      %swap3A_319 = vector.shape_cast %get3A_313 : vector<16xf32> to vector<1x16xf32>
      tpu.vector_store %arg10[%swap3A_315, %swap3A_316], %swap3A_319 {strides = array<i32>} : memref<1x1024xf32, #tpu.memory_space<vmem>>, vector<1x16xf32>,
      %get3A_320 = arith.constant 7 : i32
      %get3A_321 = arith.index_cast %get3A_320 : i32 to index
      %get3A_322 = arith.constant 48 : index
      %get3A_323 = tpu.vector_load %arg9[%get3A_321, %get3A_322] {strides = array<i32>} : memref<8x1024xf32, #tpu.memory_space<vmem>>, vector<1x16xf32>,
      %get3A_324 = vector.shape_cast %get3A_323 : vector<1x16xf32> to vector<16xf32>
      %swap3A_325 = arith.constant 0 : i32
      %swap3A_326 = arith.index_cast %swap3A_325 : i32 to index
      %swap3A_327 = arith.constant 48 : index
      %swap3A_328 = tpu.vector_load %arg10[%swap3A_326, %swap3A_327] {strides = array<i32>} : memref<1x1024xf32, #tpu.memory_space<vmem>>, vector<1x16xf32>,
      %swap3A_329 = vector.shape_cast %swap3A_328 : vector<1x16xf32> to vector<16xf32>
      %swap3A_330 = vector.shape_cast %get3A_324 : vector<16xf32> to vector<1x16xf32>
      tpu.vector_store %arg10[%swap3A_326, %swap3A_327], %swap3A_330 {strides = array<i32>} : memref<1x1024xf32, #tpu.memory_space<vmem>>, vector<1x16xf32>,
      %get3A_331 = arith.constant 7 : i32
      %get3A_332 = arith.index_cast %get3A_331 : i32 to index
      %get3A_333 = arith.constant 64 : index
      %get3A_334 = tpu.vector_load %arg9[%get3A_332, %get3A_333] {strides = array<i32>} : memref<8x1024xf32, #tpu.memory_space<vmem>>, vector<1x16xf32>,
      %get3A_335 = vector.shape_cast %get3A_334 : vector<1x16xf32> to vector<16xf32>
      %swap3A_336 = arith.constant 0 : i32
      %swap3A_337 = arith.index_cast %swap3A_336 : i32 to index
      %swap3A_338 = arith.constant 64 : index
      %swap3A_339 = tpu.vector_load %arg10[%swap3A_337, %swap3A_338] {strides = array<i32>} : memref<1x1024xf32, #tpu.memory_space<vmem>>, vector<1x16xf32>,
      %swap3A_340 = vector.shape_cast %swap3A_339 : vector<1x16xf32> to vector<16xf32>
      %swap3A_341 = vector.shape_cast %get3A_335 : vector<16xf32> to vector<1x16xf32>
      tpu.vector_store %arg10[%swap3A_337, %swap3A_338], %swap3A_341 {strides = array<i32>} : memref<1x1024xf32, #tpu.memory_space<vmem>>, vector<1x16xf32>,
      %get3A_342 = arith.constant 7 : i32
      %get3A_343 = arith.index_cast %get3A_342 : i32 to index
      %get3A_344 = arith.constant 80 : index
      %get3A_345 = tpu.vector_load %arg9[%get3A_343, %get3A_344] {strides = array<i32>} : memref<8x1024xf32, #tpu.memory_space<vmem>>, vector<1x16xf32>,
      %get3A_346 = vector.shape_cast %get3A_345 : vector<1x16xf32> to vector<16xf32>
      %swap3A_347 = arith.constant 0 : i32
      %swap3A_348 = arith.index_cast %swap3A_347 : i32 to index
      %swap3A_349 = arith.constant 80 : index
      %swap3A_350 = tpu.vector_load %arg10[%swap3A_348, %swap3A_349] {strides = array<i32>} : memref<1x1024xf32, #tpu.memory_space<vmem>>, vector<1x16xf32>,
      %swap3A_351 = vector.shape_cast %swap3A_350 : vector<1x16xf32> to vector<16xf32>
      %swap3A_352 = vector.shape_cast %get3A_346 : vector<16xf32> to vector<1x16xf32>
      tpu.vector_store %arg10[%swap3A_348, %swap3A_349], %swap3A_352 {strides = array<i32>} : memref<1x1024xf32, #tpu.memory_space<vmem>>, vector<1x16xf32>,
      %get3A_353 = arith.constant 7 : i32
      %get3A_354 = arith.index_cast %get3A_353 : i32 to index
      %get3A_355 = arith.constant 96 : index
      %get3A_356 = tpu.vector_load %arg9[%get3A_354, %get3A_355] {strides = array<i32>} : memref<8x1024xf32, #tpu.memory_space<vmem>>, vector<1x16xf32>,
      %get3A_357 = vector.shape_cast %get3A_356 : vector<1x16xf32> to vector<16xf32>
      %swap3A_358 = arith.constant 0 : i32
      %swap3A_359 = arith.index_cast %swap3A_358 : i32 to index
      %swap3A_360 = arith.constant 96 : index
      %swap3A_361 = tpu.vector_load %arg10[%swap3A_359, %swap3A_360] {strides = array<i32>} : memref<1x1024xf32, #tpu.memory_space<vmem>>, vector<1x16xf32>,
      %swap3A_362 = vector.shape_cast %swap3A_361 : vector<1x16xf32> to vector<16xf32>
      %swap3A_363 = vector.shape_cast %get3A_357 : vector<16xf32> to vector<1x16xf32>
      tpu.vector_store %arg10[%swap3A_359, %swap3A_360], %swap3A_363 {strides = array<i32>} : memref<1x1024xf32, #tpu.memory_space<vmem>>, vector<1x16xf32>,
      %get3A_364 = arith.constant 7 : i32
      %get3A_365 = arith.index_cast %get3A_364 : i32 to index
      %get3A_366 = arith.constant 112 : index
      %get3A_367 = tpu.vector_load %arg9[%get3A_365, %get3A_366] {strides = array<i32>} : memref<8x1024xf32, #tpu.memory_space<vmem>>, vector<1x16xf32>,
      %get3A_368 = vector.shape_cast %get3A_367 : vector<1x16xf32> to vector<16xf32>
      %swap3A_369 = arith.constant 0 : i32
      %swap3A_370 = arith.index_cast %swap3A_369 : i32 to index
      %swap3A_371 = arith.constant 112 : index
      %swap3A_372 = tpu.vector_load %arg10[%swap3A_370, %swap3A_371] {strides = array<i32>} : memref<1x1024xf32, #tpu.memory_space<vmem>>, vector<1x16xf32>,
      %swap3A_373 = vector.shape_cast %swap3A_372 : vector<1x16xf32> to vector<16xf32>
      %swap3A_374 = vector.shape_cast %get3A_368 : vector<16xf32> to vector<1x16xf32>
      tpu.vector_store %arg10[%swap3A_370, %swap3A_371], %swap3A_374 {strides = array<i32>} : memref<1x1024xf32, #tpu.memory_space<vmem>>, vector<1x16xf32>,
      %get3A_375 = arith.constant 7 : i32
      %get3A_376 = arith.index_cast %get3A_375 : i32 to index
      %get3A_377 = arith.constant 128 : index
      %get3A_378 = tpu.vector_load %arg9[%get3A_376, %get3A_377] {strides = array<i32>} : memref<8x1024xf32, #tpu.memory_space<vmem>>, vector<1x16xf32>,
      %get3A_379 = vector.shape_cast %get3A_378 : vector<1x16xf32> to vector<16xf32>
      %swap3A_380 = arith.constant 0 : i32
      %swap3A_381 = arith.index_cast %swap3A_380 : i32 to index
      %swap3A_382 = arith.constant 128 : index
      %swap3A_383 = tpu.vector_load %arg10[%swap3A_381, %swap3A_382] {strides = array<i32>} : memref<1x1024xf32, #tpu.memory_space<vmem>>, vector<1x16xf32>,
      %swap3A_384 = vector.shape_cast %swap3A_383 : vector<1x16xf32> to vector<16xf32>
      %swap3A_385 = vector.shape_cast %get3A_379 : vector<16xf32> to vector<1x16xf32>
      tpu.vector_store %arg10[%swap3A_381, %swap3A_382], %swap3A_385 {strides = array<i32>} : memref<1x1024xf32, #tpu.memory_space<vmem>>, vector<1x16xf32>,
      %get3A_386 = arith.constant 7 : i32
      %get3A_387 = arith.index_cast %get3A_386 : i32 to index
      %get3A_388 = arith.constant 144 : index
      %get3A_389 = tpu.vector_load %arg9[%get3A_387, %get3A_388] {strides = array<i32>} : memref<8x1024xf32, #tpu.memory_space<vmem>>, vector<1x16xf32>,
      %get3A_390 = vector.shape_cast %get3A_389 : vector<1x16xf32> to vector<16xf32>
      %swap3A_391 = arith.constant 0 : i32
      %swap3A_392 = arith.index_cast %swap3A_391 : i32 to index
      %swap3A_393 = arith.constant 144 : index
      %swap3A_394 = tpu.vector_load %arg10[%swap3A_392, %swap3A_393] {strides = array<i32>} : memref<1x1024xf32, #tpu.memory_space<vmem>>, vector<1x16xf32>,
      %swap3A_395 = vector.shape_cast %swap3A_394 : vector<1x16xf32> to vector<16xf32>
      %swap3A_396 = vector.shape_cast %get3A_390 : vector<16xf32> to vector<1x16xf32>
      tpu.vector_store %arg10[%swap3A_392, %swap3A_393], %swap3A_396 {strides = array<i32>} : memref<1x1024xf32, #tpu.memory_space<vmem>>, vector<1x16xf32>,
      %get3A_397 = arith.constant 7 : i32
      %get3A_398 = arith.index_cast %get3A_397 : i32 to index
      %get3A_399 = arith.constant 160 : index
      %get3A_400 = tpu.vector_load %arg9[%get3A_398, %get3A_399] {strides = array<i32>} : memref<8x1024xf32, #tpu.memory_space<vmem>>, vector<1x16xf32>,
      %get3A_401 = vector.shape_cast %get3A_400 : vector<1x16xf32> to vector<16xf32>
      %swap3A_402 = arith.constant 0 : i32
      %swap3A_403 = arith.index_cast %swap3A_402 : i32 to index
      %swap3A_404 = arith.constant 160 : index
      %swap3A_405 = tpu.vector_load %arg10[%swap3A_403, %swap3A_404] {strides = array<i32>} : memref<1x1024xf32, #tpu.memory_space<vmem>>, vector<1x16xf32>,
      %swap3A_406 = vector.shape_cast %swap3A_405 : vector<1x16xf32> to vector<16xf32>
      %swap3A_407 = vector.shape_cast %get3A_401 : vector<16xf32> to vector<1x16xf32>
      tpu.vector_store %arg10[%swap3A_403, %swap3A_404], %swap3A_407 {strides = array<i32>} : memref<1x1024xf32, #tpu.memory_space<vmem>>, vector<1x16xf32>,
      %get3A_408 = arith.constant 7 : i32
      %get3A_409 = arith.index_cast %get3A_408 : i32 to index
      %get3A_410 = arith.constant 176 : index
      %get3A_411 = tpu.vector_load %arg9[%get3A_409, %get3A_410] {strides = array<i32>} : memref<8x1024xf32, #tpu.memory_space<vmem>>, vector<1x16xf32>,
      %get3A_412 = vector.shape_cast %get3A_411 : vector<1x16xf32> to vector<16xf32>
      %swap3A_413 = arith.constant 0 : i32
      %swap3A_414 = arith.index_cast %swap3A_413 : i32 to index
      %swap3A_415 = arith.constant 176 : index
      %swap3A_416 = tpu.vector_load %arg10[%swap3A_414, %swap3A_415] {strides = array<i32>} : memref<1x1024xf32, #tpu.memory_space<vmem>>, vector<1x16xf32>,
      %swap3A_417 = vector.shape_cast %swap3A_416 : vector<1x16xf32> to vector<16xf32>
      %swap3A_418 = vector.shape_cast %get3A_412 : vector<16xf32> to vector<1x16xf32>
      tpu.vector_store %arg10[%swap3A_414, %swap3A_415], %swap3A_418 {strides = array<i32>} : memref<1x1024xf32, #tpu.memory_space<vmem>>, vector<1x16xf32>,
      %get3A_419 = arith.constant 7 : i32
      %get3A_420 = arith.index_cast %get3A_419 : i32 to index
      %get3A_421 = arith.constant 192 : index
      %get3A_422 = tpu.vector_load %arg9[%get3A_420, %get3A_421] {strides = array<i32>} : memref<8x1024xf32, #tpu.memory_space<vmem>>, vector<1x16xf32>,
      %get3A_423 = vector.shape_cast %get3A_422 : vector<1x16xf32> to vector<16xf32>
      %swap3A_424 = arith.constant 0 : i32
      %swap3A_425 = arith.index_cast %swap3A_424 : i32 to index
      %swap3A_426 = arith.constant 192 : index
      %swap3A_427 = tpu.vector_load %arg10[%swap3A_425, %swap3A_426] {strides = array<i32>} : memref<1x1024xf32, #tpu.memory_space<vmem>>, vector<1x16xf32>,
      %swap3A_428 = vector.shape_cast %swap3A_427 : vector<1x16xf32> to vector<16xf32>
      %swap3A_429 = vector.shape_cast %get3A_423 : vector<16xf32> to vector<1x16xf32>
      tpu.vector_store %arg10[%swap3A_425, %swap3A_426], %swap3A_429 {strides = array<i32>} : memref<1x1024xf32, #tpu.memory_space<vmem>>, vector<1x16xf32>,
      %get3A_430 = arith.constant 7 : i32
      %get3A_431 = arith.index_cast %get3A_430 : i32 to index
      %get3A_432 = arith.constant 208 : index
      %get3A_433 = tpu.vector_load %arg9[%get3A_431, %get3A_432] {strides = array<i32>} : memref<8x1024xf32, #tpu.memory_space<vmem>>, vector<1x16xf32>,
      %get3A_434 = vector.shape_cast %get3A_433 : vector<1x16xf32> to vector<16xf32>
      %swap3A_435 = arith.constant 0 : i32
      %swap3A_436 = arith.index_cast %swap3A_435 : i32 to index
      %swap3A_437 = arith.constant 208 : index
      %swap3A_438 = tpu.vector_load %arg10[%swap3A_436, %swap3A_437] {strides = array<i32>} : memref<1x1024xf32, #tpu.memory_space<vmem>>, vector<1x16xf32>,
      %swap3A_439 = vector.shape_cast %swap3A_438 : vector<1x16xf32> to vector<16xf32>
      %swap3A_440 = vector.shape_cast %get3A_434 : vector<16xf32> to vector<1x16xf32>
      tpu.vector_store %arg10[%swap3A_436, %swap3A_437], %swap3A_440 {strides = array<i32>} : memref<1x1024xf32, #tpu.memory_space<vmem>>, vector<1x16xf32>,
      %get3A_441 = arith.constant 7 : i32
      %get3A_442 = arith.index_cast %get3A_441 : i32 to index
      %get3A_443 = arith.constant 224 : index
      %get3A_444 = tpu.vector_load %arg9[%get3A_442, %get3A_443] {strides = array<i32>} : memref<8x1024xf32, #tpu.memory_space<vmem>>, vector<1x16xf32>,
      %get3A_445 = vector.shape_cast %get3A_444 : vector<1x16xf32> to vector<16xf32>
      %swap3A_446 = arith.constant 0 : i32
      %swap3A_447 = arith.index_cast %swap3A_446 : i32 to index
      %swap3A_448 = arith.constant 224 : index
      %swap3A_449 = tpu.vector_load %arg10[%swap3A_447, %swap3A_448] {strides = array<i32>} : memref<1x1024xf32, #tpu.memory_space<vmem>>, vector<1x16xf32>,
      %swap3A_450 = vector.shape_cast %swap3A_449 : vector<1x16xf32> to vector<16xf32>
      %swap3A_451 = vector.shape_cast %get3A_445 : vector<16xf32> to vector<1x16xf32>
      tpu.vector_store %arg10[%swap3A_447, %swap3A_448], %swap3A_451 {strides = array<i32>} : memref<1x1024xf32, #tpu.memory_space<vmem>>, vector<1x16xf32>,
      %get3A_452 = arith.constant 7 : i32
      %get3A_453 = arith.index_cast %get3A_452 : i32 to index
      %get3A_454 = arith.constant 240 : index
      %get3A_455 = tpu.vector_load %arg9[%get3A_453, %get3A_454] {strides = array<i32>} : memref<8x1024xf32, #tpu.memory_space<vmem>>, vector<1x16xf32>,
      %get3A_456 = vector.shape_cast %get3A_455 : vector<1x16xf32> to vector<16xf32>
      %swap3A_457 = arith.constant 0 : i32
      %swap3A_458 = arith.index_cast %swap3A_457 : i32 to index
      %swap3A_459 = arith.constant 240 : index
      %swap3A_460 = tpu.vector_load %arg10[%swap3A_458, %swap3A_459] {strides = array<i32>} : memref<1x1024xf32, #tpu.memory_space<vmem>>, vector<1x16xf32>,
      %swap3A_461 = vector.shape_cast %swap3A_460 : vector<1x16xf32> to vector<16xf32>
      %swap3A_462 = vector.shape_cast %get3A_456 : vector<16xf32> to vector<1x16xf32>
      tpu.vector_store %arg10[%swap3A_458, %swap3A_459], %swap3A_462 {strides = array<i32>} : memref<1x1024xf32, #tpu.memory_space<vmem>>, vector<1x16xf32>,
      %get3A_463 = arith.constant 7 : i32
      %get3A_464 = arith.index_cast %get3A_463 : i32 to index
      %get3A_465 = arith.constant 256 : index
      %get3A_466 = tpu.vector_load %arg9[%get3A_464, %get3A_465] {strides = array<i32>} : memref<8x1024xf32, #tpu.memory_space<vmem>>, vector<1x16xf32>,
      %get3A_467 = vector.shape_cast %get3A_466 : vector<1x16xf32> to vector<16xf32>
      %swap3A_468 = arith.constant 0 : i32
      %swap3A_469 = arith.index_cast %swap3A_468 : i32 to index
      %swap3A_470 = arith.constant 256 : index
      %swap3A_471 = tpu.vector_load %arg10[%swap3A_469, %swap3A_470] {strides = array<i32>} : memref<1x1024xf32, #tpu.memory_space<vmem>>, vector<1x16xf32>,
      %swap3A_472 = vector.shape_cast %swap3A_471 : vector<1x16xf32> to vector<16xf32>
      %swap3A_473 = vector.shape_cast %get3A_467 : vector<16xf32> to vector<1x16xf32>
      tpu.vector_store %arg10[%swap3A_469, %swap3A_470], %swap3A_473 {strides = array<i32>} : memref<1x1024xf32, #tpu.memory_space<vmem>>, vector<1x16xf32>,
      %get3A_474 = arith.constant 7 : i32
      %get3A_475 = arith.index_cast %get3A_474 : i32 to index
      %get3A_476 = arith.constant 272 : index
      %get3A_477 = tpu.vector_load %arg9[%get3A_475, %get3A_476] {strides = array<i32>} : memref<8x1024xf32, #tpu.memory_space<vmem>>, vector<1x16xf32>,
      %get3A_478 = vector.shape_cast %get3A_477 : vector<1x16xf32> to vector<16xf32>
      %swap3A_479 = arith.constant 0 : i32
      %swap3A_480 = arith.index_cast %swap3A_479 : i32 to index
      %swap3A_481 = arith.constant 272 : index
      %swap3A_482 = tpu.vector_load %arg10[%swap3A_480, %swap3A_481] {strides = array<i32>} : memref<1x1024xf32, #tpu.memory_space<vmem>>, vector<1x16xf32>,
      %swap3A_483 = vector.shape_cast %swap3A_482 : vector<1x16xf32> to vector<16xf32>
      %swap3A_484 = vector.shape_cast %get3A_478 : vector<16xf32> to vector<1x16xf32>
      tpu.vector_store %arg10[%swap3A_480, %swap3A_481], %swap3A_484 {strides = array<i32>} : memref<1x1024xf32, #tpu.memory_space<vmem>>, vector<1x16xf32>,
      %get3A_485 = arith.constant 7 : i32
      %get3A_486 = arith.index_cast %get3A_485 : i32 to index
      %get3A_487 = arith.constant 288 : index
      %get3A_488 = tpu.vector_load %arg9[%get3A_486, %get3A_487] {strides = array<i32>} : memref<8x1024xf32, #tpu.memory_space<vmem>>, vector<1x16xf32>,
      %get3A_489 = vector.shape_cast %get3A_488 : vector<1x16xf32> to vector<16xf32>
      %swap3A_490 = arith.constant 0 : i32
      %swap3A_491 = arith.index_cast %swap3A_490 : i32 to index
      %swap3A_492 = arith.constant 288 : index
      %swap3A_493 = tpu.vector_load %arg10[%swap3A_491, %swap3A_492] {strides = array<i32>} : memref<1x1024xf32, #tpu.memory_space<vmem>>, vector<1x16xf32>,
      %swap3A_494 = vector.shape_cast %swap3A_493 : vector<1x16xf32> to vector<16xf32>
      %swap3A_495 = vector.shape_cast %get3A_489 : vector<16xf32> to vector<1x16xf32>
      tpu.vector_store %arg10[%swap3A_491, %swap3A_492], %swap3A_495 {strides = array<i32>} : memref<1x1024xf32, #tpu.memory_space<vmem>>, vector<1x16xf32>,
      %get3A_496 = arith.constant 7 : i32
      %get3A_497 = arith.index_cast %get3A_496 : i32 to index
      %get3A_498 = arith.constant 304 : index
      %get3A_499 = tpu.vector_load %arg9[%get3A_497, %get3A_498] {strides = array<i32>} : memref<8x1024xf32, #tpu.memory_space<vmem>>, vector<1x16xf32>,
      %get3A_500 = vector.shape_cast %get3A_499 : vector<1x16xf32> to vector<16xf32>
      %swap3A_501 = arith.constant 0 : i32
      %swap3A_502 = arith.index_cast %swap3A_501 : i32 to index
      %swap3A_503 = arith.constant 304 : index
      %swap3A_504 = tpu.vector_load %arg10[%swap3A_502, %swap3A_503] {strides = array<i32>} : memref<1x1024xf32, #tpu.memory_space<vmem>>, vector<1x16xf32>,
      %swap3A_505 = vector.shape_cast %swap3A_504 : vector<1x16xf32> to vector<16xf32>
      %swap3A_506 = vector.shape_cast %get3A_500 : vector<16xf32> to vector<1x16xf32>
      tpu.vector_store %arg10[%swap3A_502, %swap3A_503], %swap3A_506 {strides = array<i32>} : memref<1x1024xf32, #tpu.memory_space<vmem>>, vector<1x16xf32>,
      %get3A_507 = arith.constant 7 : i32
      %get3A_508 = arith.index_cast %get3A_507 : i32 to index
      %get3A_509 = arith.constant 320 : index
      %get3A_510 = tpu.vector_load %arg9[%get3A_508, %get3A_509] {strides = array<i32>} : memref<8x1024xf32, #tpu.memory_space<vmem>>, vector<1x16xf32>,
      %get3A_511 = vector.shape_cast %get3A_510 : vector<1x16xf32> to vector<16xf32>
      %swap3A_512 = arith.constant 0 : i32
      %swap3A_513 = arith.index_cast %swap3A_512 : i32 to index
      %swap3A_514 = arith.constant 320 : index
      %swap3A_515 = tpu.vector_load %arg10[%swap3A_513, %swap3A_514] {strides = array<i32>} : memref<1x1024xf32, #tpu.memory_space<vmem>>, vector<1x16xf32>,
      %swap3A_516 = vector.shape_cast %swap3A_515 : vector<1x16xf32> to vector<16xf32>
      %swap3A_517 = vector.shape_cast %get3A_511 : vector<16xf32> to vector<1x16xf32>
      tpu.vector_store %arg10[%swap3A_513, %swap3A_514], %swap3A_517 {strides = array<i32>} : memref<1x1024xf32, #tpu.memory_space<vmem>>, vector<1x16xf32>,
      %get3A_518 = arith.constant 7 : i32
      %get3A_519 = arith.index_cast %get3A_518 : i32 to index
      %get3A_520 = arith.constant 336 : index
      %get3A_521 = tpu.vector_load %arg9[%get3A_519, %get3A_520] {strides = array<i32>} : memref<8x1024xf32, #tpu.memory_space<vmem>>, vector<1x16xf32>,
      %get3A_522 = vector.shape_cast %get3A_521 : vector<1x16xf32> to vector<16xf32>
      %swap3A_523 = arith.constant 0 : i32
      %swap3A_524 = arith.index_cast %swap3A_523 : i32 to index
      %swap3A_525 = arith.constant 336 : index
      %swap3A_526 = tpu.vector_load %arg10[%swap3A_524, %swap3A_525] {strides = array<i32>} : memref<1x1024xf32, #tpu.memory_space<vmem>>, vector<1x16xf32>,
      %swap3A_527 = vector.shape_cast %swap3A_526 : vector<1x16xf32> to vector<16xf32>
      %swap3A_528 = vector.shape_cast %get3A_522 : vector<16xf32> to vector<1x16xf32>
      tpu.vector_store %arg10[%swap3A_524, %swap3A_525], %swap3A_528 {strides = array<i32>} : memref<1x1024xf32, #tpu.memory_space<vmem>>, vector<1x16xf32>,
      %get3A_529 = arith.constant 7 : i32
      %get3A_530 = arith.index_cast %get3A_529 : i32 to index
      %get3A_531 = arith.constant 352 : index
      %get3A_532 = tpu.vector_load %arg9[%get3A_530, %get3A_531] {strides = array<i32>} : memref<8x1024xf32, #tpu.memory_space<vmem>>, vector<1x16xf32>,
      %get3A_533 = vector.shape_cast %get3A_532 : vector<1x16xf32> to vector<16xf32>
      %swap3A_534 = arith.constant 0 : i32
      %swap3A_535 = arith.index_cast %swap3A_534 : i32 to index
      %swap3A_536 = arith.constant 352 : index
      %swap3A_537 = tpu.vector_load %arg10[%swap3A_535, %swap3A_536] {strides = array<i32>} : memref<1x1024xf32, #tpu.memory_space<vmem>>, vector<1x16xf32>,
      %swap3A_538 = vector.shape_cast %swap3A_537 : vector<1x16xf32> to vector<16xf32>
      %swap3A_539 = vector.shape_cast %get3A_533 : vector<16xf32> to vector<1x16xf32>
      tpu.vector_store %arg10[%swap3A_535, %swap3A_536], %swap3A_539 {strides = array<i32>} : memref<1x1024xf32, #tpu.memory_space<vmem>>, vector<1x16xf32>,
      %get3A_540 = arith.constant 7 : i32
      %get3A_541 = arith.index_cast %get3A_540 : i32 to index
      %get3A_542 = arith.constant 368 : index
      %get3A_543 = tpu.vector_load %arg9[%get3A_541, %get3A_542] {strides = array<i32>} : memref<8x1024xf32, #tpu.memory_space<vmem>>, vector<1x16xf32>,
      %get3A_544 = vector.shape_cast %get3A_543 : vector<1x16xf32> to vector<16xf32>
      %swap3A_545 = arith.constant 0 : i32
      %swap3A_546 = arith.index_cast %swap3A_545 : i32 to index
      %swap3A_547 = arith.constant 368 : index
      %swap3A_548 = tpu.vector_load %arg10[%swap3A_546, %swap3A_547] {strides = array<i32>} : memref<1x1024xf32, #tpu.memory_space<vmem>>, vector<1x16xf32>,
      %swap3A_549 = vector.shape_cast %swap3A_548 : vector<1x16xf32> to vector<16xf32>
      %swap3A_550 = vector.shape_cast %get3A_544 : vector<16xf32> to vector<1x16xf32>
      tpu.vector_store %arg10[%swap3A_546, %swap3A_547], %swap3A_550 {strides = array<i32>} : memref<1x1024xf32, #tpu.memory_space<vmem>>, vector<1x16xf32>,
      %get3A_551 = arith.constant 7 : i32
      %get3A_552 = arith.index_cast %get3A_551 : i32 to index
      %get3A_553 = arith.constant 384 : index
      %get3A_554 = tpu.vector_load %arg9[%get3A_552, %get3A_553] {strides = array<i32>} : memref<8x1024xf32, #tpu.memory_space<vmem>>, vector<1x16xf32>,
      %get3A_555 = vector.shape_cast %get3A_554 : vector<1x16xf32> to vector<16xf32>
      %swap3A_556 = arith.constant 0 : i32
      %swap3A_557 = arith.index_cast %swap3A_556 : i32 to index
      %swap3A_558 = arith.constant 384 : index
      %swap3A_559 = tpu.vector_load %arg10[%swap3A_557, %swap3A_558] {strides = array<i32>} : memref<1x1024xf32, #tpu.memory_space<vmem>>, vector<1x16xf32>,
      %swap3A_560 = vector.shape_cast %swap3A_559 : vector<1x16xf32> to vector<16xf32>
      %swap3A_561 = vector.shape_cast %get3A_555 : vector<16xf32> to vector<1x16xf32>
      tpu.vector_store %arg10[%swap3A_557, %swap3A_558], %swap3A_561 {strides = array<i32>} : memref<1x1024xf32, #tpu.memory_space<vmem>>, vector<1x16xf32>,
      %get3A_562 = arith.constant 7 : i32
      %get3A_563 = arith.index_cast %get3A_562 : i32 to index
      %get3A_564 = arith.constant 400 : index
      %get3A_565 = tpu.vector_load %arg9[%get3A_563, %get3A_564] {strides = array<i32>} : memref<8x1024xf32, #tpu.memory_space<vmem>>, vector<1x16xf32>,
      %get3A_566 = vector.shape_cast %get3A_565 : vector<1x16xf32> to vector<16xf32>
      %swap3A_567 = arith.constant 0 : i32
      %swap3A_568 = arith.index_cast %swap3A_567 : i32 to index
      %swap3A_569 = arith.constant 400 : index
      %swap3A_570 = tpu.vector_load %arg10[%swap3A_568, %swap3A_569] {strides = array<i32>} : memref<1x1024xf32, #tpu.memory_space<vmem>>, vector<1x16xf32>,
      %swap3A_571 = vector.shape_cast %swap3A_570 : vector<1x16xf32> to vector<16xf32>
      %swap3A_572 = vector.shape_cast %get3A_566 : vector<16xf32> to vector<1x16xf32>
      tpu.vector_store %arg10[%swap3A_568, %swap3A_569], %swap3A_572 {strides = array<i32>} : memref<1x1024xf32, #tpu.memory_space<vmem>>, vector<1x16xf32>,
      %get3A_573 = arith.constant 7 : i32
      %get3A_574 = arith.index_cast %get3A_573 : i32 to index
      %get3A_575 = arith.constant 416 : index
      %get3A_576 = tpu.vector_load %arg9[%get3A_574, %get3A_575] {strides = array<i32>} : memref<8x1024xf32, #tpu.memory_space<vmem>>, vector<1x16xf32>,
      %get3A_577 = vector.shape_cast %get3A_576 : vector<1x16xf32> to vector<16xf32>
      %swap3A_578 = arith.constant 0 : i32
      %swap3A_579 = arith.index_cast %swap3A_578 : i32 to index
      %swap3A_580 = arith.constant 416 : index
      %swap3A_581 = tpu.vector_load %arg10[%swap3A_579, %swap3A_580] {strides = array<i32>} : memref<1x1024xf32, #tpu.memory_space<vmem>>, vector<1x16xf32>,
      %swap3A_582 = vector.shape_cast %swap3A_581 : vector<1x16xf32> to vector<16xf32>
      %swap3A_583 = vector.shape_cast %get3A_577 : vector<16xf32> to vector<1x16xf32>
      tpu.vector_store %arg10[%swap3A_579, %swap3A_580], %swap3A_583 {strides = array<i32>} : memref<1x1024xf32, #tpu.memory_space<vmem>>, vector<1x16xf32>,
      %get3A_584 = arith.constant 7 : i32
      %get3A_585 = arith.index_cast %get3A_584 : i32 to index
      %get3A_586 = arith.constant 432 : index
      %get3A_587 = tpu.vector_load %arg9[%get3A_585, %get3A_586] {strides = array<i32>} : memref<8x1024xf32, #tpu.memory_space<vmem>>, vector<1x16xf32>,
      %get3A_588 = vector.shape_cast %get3A_587 : vector<1x16xf32> to vector<16xf32>
      %swap3A_589 = arith.constant 0 : i32
      %swap3A_590 = arith.index_cast %swap3A_589 : i32 to index
      %swap3A_591 = arith.constant 432 : index
      %swap3A_592 = tpu.vector_load %arg10[%swap3A_590, %swap3A_591] {strides = array<i32>} : memref<1x1024xf32, #tpu.memory_space<vmem>>, vector<1x16xf32>,
      %swap3A_593 = vector.shape_cast %swap3A_592 : vector<1x16xf32> to vector<16xf32>
      %swap3A_594 = vector.shape_cast %get3A_588 : vector<16xf32> to vector<1x16xf32>
      tpu.vector_store %arg10[%swap3A_590, %swap3A_591], %swap3A_594 {strides = array<i32>} : memref<1x1024xf32, #tpu.memory_space<vmem>>, vector<1x16xf32>,
      %get3A_595 = arith.constant 7 : i32
      %get3A_596 = arith.index_cast %get3A_595 : i32 to index
      %get3A_597 = arith.constant 448 : index
      %get3A_598 = tpu.vector_load %arg9[%get3A_596, %get3A_597] {strides = array<i32>} : memref<8x1024xf32, #tpu.memory_space<vmem>>, vector<1x16xf32>,
      %get3A_599 = vector.shape_cast %get3A_598 : vector<1x16xf32> to vector<16xf32>
      %swap3A_600 = arith.constant 0 : i32
      %swap3A_601 = arith.index_cast %swap3A_600 : i32 to index
      %swap3A_602 = arith.constant 448 : index
      %swap3A_603 = tpu.vector_load %arg10[%swap3A_601, %swap3A_602] {strides = array<i32>} : memref<1x1024xf32, #tpu.memory_space<vmem>>, vector<1x16xf32>,
      %swap3A_604 = vector.shape_cast %swap3A_603 : vector<1x16xf32> to vector<16xf32>
      %swap3A_605 = vector.shape_cast %get3A_599 : vector<16xf32> to vector<1x16xf32>
      tpu.vector_store %arg10[%swap3A_601, %swap3A_602], %swap3A_605 {strides = array<i32>} : memref<1x1024xf32, #tpu.memory_space<vmem>>, vector<1x16xf32>,
      %get3A_606 = arith.constant 7 : i32
      %get3A_607 = arith.index_cast %get3A_606 : i32 to index
      %get3A_608 = arith.constant 464 : index
      %get3A_609 = tpu.vector_load %arg9[%get3A_607, %get3A_608] {strides = array<i32>} : memref<8x1024xf32, #tpu.memory_space<vmem>>, vector<1x16xf32>,
      %get3A_610 = vector.shape_cast %get3A_609 : vector<1x16xf32> to vector<16xf32>
      %swap3A_611 = arith.constant 0 : i32
      %swap3A_612 = arith.index_cast %swap3A_611 : i32 to index
      %swap3A_613 = arith.constant 464 : index
      %swap3A_614 = tpu.vector_load %arg10[%swap3A_612, %swap3A_613] {strides = array<i32>} : memref<1x1024xf32, #tpu.memory_space<vmem>>, vector<1x16xf32>,
      %swap3A_615 = vector.shape_cast %swap3A_614 : vector<1x16xf32> to vector<16xf32>
      %swap3A_616 = vector.shape_cast %get3A_610 : vector<16xf32> to vector<1x16xf32>
      tpu.vector_store %arg10[%swap3A_612, %swap3A_613], %swap3A_616 {strides = array<i32>} : memref<1x1024xf32, #tpu.memory_space<vmem>>, vector<1x16xf32>,
      %get3A_617 = arith.constant 7 : i32
      %get3A_618 = arith.index_cast %get3A_617 : i32 to index
      %get3A_619 = arith.constant 480 : index
      %get3A_620 = tpu.vector_load %arg9[%get3A_618, %get3A_619] {strides = array<i32>} : memref<8x1024xf32, #tpu.memory_space<vmem>>, vector<1x16xf32>,
      %get3A_621 = vector.shape_cast %get3A_620 : vector<1x16xf32> to vector<16xf32>
      %swap3A_622 = arith.constant 0 : i32
      %swap3A_623 = arith.index_cast %swap3A_622 : i32 to index
      %swap3A_624 = arith.constant 480 : index
      %swap3A_625 = tpu.vector_load %arg10[%swap3A_623, %swap3A_624] {strides = array<i32>} : memref<1x1024xf32, #tpu.memory_space<vmem>>, vector<1x16xf32>,
      %swap3A_626 = vector.shape_cast %swap3A_625 : vector<1x16xf32> to vector<16xf32>
      %swap3A_627 = vector.shape_cast %get3A_621 : vector<16xf32> to vector<1x16xf32>
      tpu.vector_store %arg10[%swap3A_623, %swap3A_624], %swap3A_627 {strides = array<i32>} : memref<1x1024xf32, #tpu.memory_space<vmem>>, vector<1x16xf32>,
      %get3A_628 = arith.constant 7 : i32
      %get3A_629 = arith.index_cast %get3A_628 : i32 to index
      %get3A_630 = arith.constant 496 : index
      %get3A_631 = tpu.vector_load %arg9[%get3A_629, %get3A_630] {strides = array<i32>} : memref<8x1024xf32, #tpu.memory_space<vmem>>, vector<1x16xf32>,
      %get3A_632 = vector.shape_cast %get3A_631 : vector<1x16xf32> to vector<16xf32>
      %swap3A_633 = arith.constant 0 : i32
      %swap3A_634 = arith.index_cast %swap3A_633 : i32 to index
      %swap3A_635 = arith.constant 496 : index
      %swap3A_636 = tpu.vector_load %arg10[%swap3A_634, %swap3A_635] {strides = array<i32>} : memref<1x1024xf32, #tpu.memory_space<vmem>>, vector<1x16xf32>,
      %swap3A_637 = vector.shape_cast %swap3A_636 : vector<1x16xf32> to vector<16xf32>
      %swap3A_638 = vector.shape_cast %get3A_632 : vector<16xf32> to vector<1x16xf32>
      tpu.vector_store %arg10[%swap3A_634, %swap3A_635], %swap3A_638 {strides = array<i32>} : memref<1x1024xf32, #tpu.memory_space<vmem>>, vector<1x16xf32>,
      %get3A_639 = arith.constant 7 : i32
      %get3A_640 = arith.index_cast %get3A_639 : i32 to index
      %get3A_641 = arith.constant 512 : index
      %get3A_642 = tpu.vector_load %arg9[%get3A_640, %get3A_641] {strides = array<i32>} : memref<8x1024xf32, #tpu.memory_space<vmem>>, vector<1x16xf32>,
      %get3A_643 = vector.shape_cast %get3A_642 : vector<1x16xf32> to vector<16xf32>
      %swap3A_644 = arith.constant 0 : i32
      %swap3A_645 = arith.index_cast %swap3A_644 : i32 to index
      %swap3A_646 = arith.constant 512 : index
      %swap3A_647 = tpu.vector_load %arg10[%swap3A_645, %swap3A_646] {strides = array<i32>} : memref<1x1024xf32, #tpu.memory_space<vmem>>, vector<1x16xf32>,
      %swap3A_648 = vector.shape_cast %swap3A_647 : vector<1x16xf32> to vector<16xf32>
      %swap3A_649 = vector.shape_cast %get3A_643 : vector<16xf32> to vector<1x16xf32>
      tpu.vector_store %arg10[%swap3A_645, %swap3A_646], %swap3A_649 {strides = array<i32>} : memref<1x1024xf32, #tpu.memory_space<vmem>>, vector<1x16xf32>,
      %get3A_650 = arith.constant 7 : i32
      %get3A_651 = arith.index_cast %get3A_650 : i32 to index
      %get3A_652 = arith.constant 528 : index
      %get3A_653 = tpu.vector_load %arg9[%get3A_651, %get3A_652] {strides = array<i32>} : memref<8x1024xf32, #tpu.memory_space<vmem>>, vector<1x16xf32>,
      %get3A_654 = vector.shape_cast %get3A_653 : vector<1x16xf32> to vector<16xf32>
      %swap3A_655 = arith.constant 0 : i32
      %swap3A_656 = arith.index_cast %swap3A_655 : i32 to index
      %swap3A_657 = arith.constant 528 : index
      %swap3A_658 = tpu.vector_load %arg10[%swap3A_656, %swap3A_657] {strides = array<i32>} : memref<1x1024xf32, #tpu.memory_space<vmem>>, vector<1x16xf32>,
      %swap3A_659 = vector.shape_cast %swap3A_658 : vector<1x16xf32> to vector<16xf32>
      %swap3A_660 = vector.shape_cast %get3A_654 : vector<16xf32> to vector<1x16xf32>
      tpu.vector_store %arg10[%swap3A_656, %swap3A_657], %swap3A_660 {strides = array<i32>} : memref<1x1024xf32, #tpu.memory_space<vmem>>, vector<1x16xf32>,
      %get3A_661 = arith.constant 7 : i32
      %get3A_662 = arith.index_cast %get3A_661 : i32 to index
      %get3A_663 = arith.constant 544 : index
      %get3A_664 = tpu.vector_load %arg9[%get3A_662, %get3A_663] {strides = array<i32>} : memref<8x1024xf32, #tpu.memory_space<vmem>>, vector<1x16xf32>,
      %get3A_665 = vector.shape_cast %get3A_664 : vector<1x16xf32> to vector<16xf32>
      %swap3A_666 = arith.constant 0 : i32
      %swap3A_667 = arith.index_cast %swap3A_666 : i32 to index
      %swap3A_668 = arith.constant 544 : index
      %swap3A_669 = tpu.vector_load %arg10[%swap3A_667, %swap3A_668] {strides = array<i32>} : memref<1x1024xf32, #tpu.memory_space<vmem>>, vector<1x16xf32>,
      %swap3A_670 = vector.shape_cast %swap3A_669 : vector<1x16xf32> to vector<16xf32>
      %swap3A_671 = vector.shape_cast %get3A_665 : vector<16xf32> to vector<1x16xf32>
      tpu.vector_store %arg10[%swap3A_667, %swap3A_668], %swap3A_671 {strides = array<i32>} : memref<1x1024xf32, #tpu.memory_space<vmem>>, vector<1x16xf32>,
      %get3A_672 = arith.constant 7 : i32
      %get3A_673 = arith.index_cast %get3A_672 : i32 to index
      %get3A_674 = arith.constant 560 : index
      %get3A_675 = tpu.vector_load %arg9[%get3A_673, %get3A_674] {strides = array<i32>} : memref<8x1024xf32, #tpu.memory_space<vmem>>, vector<1x16xf32>,
      %get3A_676 = vector.shape_cast %get3A_675 : vector<1x16xf32> to vector<16xf32>
      %swap3A_677 = arith.constant 0 : i32
      %swap3A_678 = arith.index_cast %swap3A_677 : i32 to index
      %swap3A_679 = arith.constant 560 : index
      %swap3A_680 = tpu.vector_load %arg10[%swap3A_678, %swap3A_679] {strides = array<i32>} : memref<1x1024xf32, #tpu.memory_space<vmem>>, vector<1x16xf32>,
      %swap3A_681 = vector.shape_cast %swap3A_680 : vector<1x16xf32> to vector<16xf32>
      %swap3A_682 = vector.shape_cast %get3A_676 : vector<16xf32> to vector<1x16xf32>
      tpu.vector_store %arg10[%swap3A_678, %swap3A_679], %swap3A_682 {strides = array<i32>} : memref<1x1024xf32, #tpu.memory_space<vmem>>, vector<1x16xf32>,
      %get3A_683 = arith.constant 7 : i32
      %get3A_684 = arith.index_cast %get3A_683 : i32 to index
      %get3A_685 = arith.constant 576 : index
      %get3A_686 = tpu.vector_load %arg9[%get3A_684, %get3A_685] {strides = array<i32>} : memref<8x1024xf32, #tpu.memory_space<vmem>>, vector<1x16xf32>,
      %get3A_687 = vector.shape_cast %get3A_686 : vector<1x16xf32> to vector<16xf32>
      %swap3A_688 = arith.constant 0 : i32
      %swap3A_689 = arith.index_cast %swap3A_688 : i32 to index
      %swap3A_690 = arith.constant 576 : index
      %swap3A_691 = tpu.vector_load %arg10[%swap3A_689, %swap3A_690] {strides = array<i32>} : memref<1x1024xf32, #tpu.memory_space<vmem>>, vector<1x16xf32>,
      %swap3A_692 = vector.shape_cast %swap3A_691 : vector<1x16xf32> to vector<16xf32>
      %swap3A_693 = vector.shape_cast %get3A_687 : vector<16xf32> to vector<1x16xf32>
      tpu.vector_store %arg10[%swap3A_689, %swap3A_690], %swap3A_693 {strides = array<i32>} : memref<1x1024xf32, #tpu.memory_space<vmem>>, vector<1x16xf32>,
      %get3A_694 = arith.constant 7 : i32
      %get3A_695 = arith.index_cast %get3A_694 : i32 to index
      %get3A_696 = arith.constant 592 : index
      %get3A_697 = tpu.vector_load %arg9[%get3A_695, %get3A_696] {strides = array<i32>} : memref<8x1024xf32, #tpu.memory_space<vmem>>, vector<1x16xf32>,
      %get3A_698 = vector.shape_cast %get3A_697 : vector<1x16xf32> to vector<16xf32>
      %swap3A_699 = arith.constant 0 : i32
      %swap3A_700 = arith.index_cast %swap3A_699 : i32 to index
      %swap3A_701 = arith.constant 592 : index
      %swap3A_702 = tpu.vector_load %arg10[%swap3A_700, %swap3A_701] {strides = array<i32>} : memref<1x1024xf32, #tpu.memory_space<vmem>>, vector<1x16xf32>,
      %swap3A_703 = vector.shape_cast %swap3A_702 : vector<1x16xf32> to vector<16xf32>
      %swap3A_704 = vector.shape_cast %get3A_698 : vector<16xf32> to vector<1x16xf32>
      tpu.vector_store %arg10[%swap3A_700, %swap3A_701], %swap3A_704 {strides = array<i32>} : memref<1x1024xf32, #tpu.memory_space<vmem>>, vector<1x16xf32>,
      %get3A_705 = arith.constant 7 : i32
      %get3A_706 = arith.index_cast %get3A_705 : i32 to index
      %get3A_707 = arith.constant 608 : index
      %get3A_708 = tpu.vector_load %arg9[%get3A_706, %get3A_707] {strides = array<i32>} : memref<8x1024xf32, #tpu.memory_space<vmem>>, vector<1x16xf32>,
      %get3A_709 = vector.shape_cast %get3A_708 : vector<1x16xf32> to vector<16xf32>
      %swap3A_710 = arith.constant 0 : i32
      %swap3A_711 = arith.index_cast %swap3A_710 : i32 to index
      %swap3A_712 = arith.constant 608 : index
      %swap3A_713 = tpu.vector_load %arg10[%swap3A_711, %swap3A_712] {strides = array<i32>} : memref<1x1024xf32, #tpu.memory_space<vmem>>, vector<1x16xf32>,
      %swap3A_714 = vector.shape_cast %swap3A_713 : vector<1x16xf32> to vector<16xf32>
      %swap3A_715 = vector.shape_cast %get3A_709 : vector<16xf32> to vector<1x16xf32>
      tpu.vector_store %arg10[%swap3A_711, %swap3A_712], %swap3A_715 {strides = array<i32>} : memref<1x1024xf32, #tpu.memory_space<vmem>>, vector<1x16xf32>,
      %get3A_716 = arith.constant 7 : i32
      %get3A_717 = arith.index_cast %get3A_716 : i32 to index
      %get3A_718 = arith.constant 624 : index
      %get3A_719 = tpu.vector_load %arg9[%get3A_717, %get3A_718] {strides = array<i32>} : memref<8x1024xf32, #tpu.memory_space<vmem>>, vector<1x16xf32>,
      %get3A_720 = vector.shape_cast %get3A_719 : vector<1x16xf32> to vector<16xf32>
      %swap3A_721 = arith.constant 0 : i32
      %swap3A_722 = arith.index_cast %swap3A_721 : i32 to index
      %swap3A_723 = arith.constant 624 : index
      %swap3A_724 = tpu.vector_load %arg10[%swap3A_722, %swap3A_723] {strides = array<i32>} : memref<1x1024xf32, #tpu.memory_space<vmem>>, vector<1x16xf32>,
      %swap3A_725 = vector.shape_cast %swap3A_724 : vector<1x16xf32> to vector<16xf32>
      %swap3A_726 = vector.shape_cast %get3A_720 : vector<16xf32> to vector<1x16xf32>
      tpu.vector_store %arg10[%swap3A_722, %swap3A_723], %swap3A_726 {strides = array<i32>} : memref<1x1024xf32, #tpu.memory_space<vmem>>, vector<1x16xf32>,
      %get3A_727 = arith.constant 7 : i32
      %get3A_728 = arith.index_cast %get3A_727 : i32 to index
      %get3A_729 = arith.constant 640 : index
      %get3A_730 = tpu.vector_load %arg9[%get3A_728, %get3A_729] {strides = array<i32>} : memref<8x1024xf32, #tpu.memory_space<vmem>>, vector<1x16xf32>,
      %get3A_731 = vector.shape_cast %get3A_730 : vector<1x16xf32> to vector<16xf32>
      %swap3A_732 = arith.constant 0 : i32
      %swap3A_733 = arith.index_cast %swap3A_732 : i32 to index
      %swap3A_734 = arith.constant 640 : index
      %swap3A_735 = tpu.vector_load %arg10[%swap3A_733, %swap3A_734] {strides = array<i32>} : memref<1x1024xf32, #tpu.memory_space<vmem>>, vector<1x16xf32>,
      %swap3A_736 = vector.shape_cast %swap3A_735 : vector<1x16xf32> to vector<16xf32>
      %swap3A_737 = vector.shape_cast %get3A_731 : vector<16xf32> to vector<1x16xf32>
      tpu.vector_store %arg10[%swap3A_733, %swap3A_734], %swap3A_737 {strides = array<i32>} : memref<1x1024xf32, #tpu.memory_space<vmem>>, vector<1x16xf32>,
      %get3A_738 = arith.constant 7 : i32
      %get3A_739 = arith.index_cast %get3A_738 : i32 to index
      %get3A_740 = arith.constant 656 : index
      %get3A_741 = tpu.vector_load %arg9[%get3A_739, %get3A_740] {strides = array<i32>} : memref<8x1024xf32, #tpu.memory_space<vmem>>, vector<1x16xf32>,
      %get3A_742 = vector.shape_cast %get3A_741 : vector<1x16xf32> to vector<16xf32>
      %swap3A_743 = arith.constant 0 : i32
      %swap3A_744 = arith.index_cast %swap3A_743 : i32 to index
      %swap3A_745 = arith.constant 656 : index
      %swap3A_746 = tpu.vector_load %arg10[%swap3A_744, %swap3A_745] {strides = array<i32>} : memref<1x1024xf32, #tpu.memory_space<vmem>>, vector<1x16xf32>,
      %swap3A_747 = vector.shape_cast %swap3A_746 : vector<1x16xf32> to vector<16xf32>
      %swap3A_748 = vector.shape_cast %get3A_742 : vector<16xf32> to vector<1x16xf32>
      tpu.vector_store %arg10[%swap3A_744, %swap3A_745], %swap3A_748 {strides = array<i32>} : memref<1x1024xf32, #tpu.memory_space<vmem>>, vector<1x16xf32>,
      %get3A_749 = arith.constant 7 : i32
      %get3A_750 = arith.index_cast %get3A_749 : i32 to index
      %get3A_751 = arith.constant 672 : index
      %get3A_752 = tpu.vector_load %arg9[%get3A_750, %get3A_751] {strides = array<i32>} : memref<8x1024xf32, #tpu.memory_space<vmem>>, vector<1x16xf32>,
      %get3A_753 = vector.shape_cast %get3A_752 : vector<1x16xf32> to vector<16xf32>
      %swap3A_754 = arith.constant 0 : i32
      %swap3A_755 = arith.index_cast %swap3A_754 : i32 to index
      %swap3A_756 = arith.constant 672 : index
      %swap3A_757 = tpu.vector_load %arg10[%swap3A_755, %swap3A_756] {strides = array<i32>} : memref<1x1024xf32, #tpu.memory_space<vmem>>, vector<1x16xf32>,
      %swap3A_758 = vector.shape_cast %swap3A_757 : vector<1x16xf32> to vector<16xf32>
      %swap3A_759 = vector.shape_cast %get3A_753 : vector<16xf32> to vector<1x16xf32>
      tpu.vector_store %arg10[%swap3A_755, %swap3A_756], %swap3A_759 {strides = array<i32>} : memref<1x1024xf32, #tpu.memory_space<vmem>>, vector<1x16xf32>,
      %get3A_760 = arith.constant 7 : i32
      %get3A_761 = arith.index_cast %get3A_760 : i32 to index
      %get3A_762 = arith.constant 688 : index
      %get3A_763 = tpu.vector_load %arg9[%get3A_761, %get3A_762] {strides = array<i32>} : memref<8x1024xf32, #tpu.memory_space<vmem>>, vector<1x16xf32>,
      %get3A_764 = vector.shape_cast %get3A_763 : vector<1x16xf32> to vector<16xf32>
      %swap3A_765 = arith.constant 0 : i32
      %swap3A_766 = arith.index_cast %swap3A_765 : i32 to index
      %swap3A_767 = arith.constant 688 : index
      %swap3A_768 = tpu.vector_load %arg10[%swap3A_766, %swap3A_767] {strides = array<i32>} : memref<1x1024xf32, #tpu.memory_space<vmem>>, vector<1x16xf32>,
      %swap3A_769 = vector.shape_cast %swap3A_768 : vector<1x16xf32> to vector<16xf32>
      %swap3A_770 = vector.shape_cast %get3A_764 : vector<16xf32> to vector<1x16xf32>
      tpu.vector_store %arg10[%swap3A_766, %swap3A_767], %swap3A_770 {strides = array<i32>} : memref<1x1024xf32, #tpu.memory_space<vmem>>, vector<1x16xf32>,
      %get3A_771 = arith.constant 7 : i32
      %get3A_772 = arith.index_cast %get3A_771 : i32 to index
      %get3A_773 = arith.constant 704 : index
      %get3A_774 = tpu.vector_load %arg9[%get3A_772, %get3A_773] {strides = array<i32>} : memref<8x1024xf32, #tpu.memory_space<vmem>>, vector<1x16xf32>,
      %get3A_775 = vector.shape_cast %get3A_774 : vector<1x16xf32> to vector<16xf32>
      %swap3A_776 = arith.constant 0 : i32
      %swap3A_777 = arith.index_cast %swap3A_776 : i32 to index
      %swap3A_778 = arith.constant 704 : index
      %swap3A_779 = tpu.vector_load %arg10[%swap3A_777, %swap3A_778] {strides = array<i32>} : memref<1x1024xf32, #tpu.memory_space<vmem>>, vector<1x16xf32>,
      %swap3A_780 = vector.shape_cast %swap3A_779 : vector<1x16xf32> to vector<16xf32>
      %swap3A_781 = vector.shape_cast %get3A_775 : vector<16xf32> to vector<1x16xf32>
      tpu.vector_store %arg10[%swap3A_777, %swap3A_778], %swap3A_781 {strides = array<i32>} : memref<1x1024xf32, #tpu.memory_space<vmem>>, vector<1x16xf32>,
      %get3A_782 = arith.constant 7 : i32
      %get3A_783 = arith.index_cast %get3A_782 : i32 to index
      %get3A_784 = arith.constant 720 : index
      %get3A_785 = tpu.vector_load %arg9[%get3A_783, %get3A_784] {strides = array<i32>} : memref<8x1024xf32, #tpu.memory_space<vmem>>, vector<1x16xf32>,
      %get3A_786 = vector.shape_cast %get3A_785 : vector<1x16xf32> to vector<16xf32>
      %swap3A_787 = arith.constant 0 : i32
      %swap3A_788 = arith.index_cast %swap3A_787 : i32 to index
      %swap3A_789 = arith.constant 720 : index
      %swap3A_790 = tpu.vector_load %arg10[%swap3A_788, %swap3A_789] {strides = array<i32>} : memref<1x1024xf32, #tpu.memory_space<vmem>>, vector<1x16xf32>,
      %swap3A_791 = vector.shape_cast %swap3A_790 : vector<1x16xf32> to vector<16xf32>
      %swap3A_792 = vector.shape_cast %get3A_786 : vector<16xf32> to vector<1x16xf32>
      tpu.vector_store %arg10[%swap3A_788, %swap3A_789], %swap3A_792 {strides = array<i32>} : memref<1x1024xf32, #tpu.memory_space<vmem>>, vector<1x16xf32>,
      %get3A_793 = arith.constant 7 : i32
      %get3A_794 = arith.index_cast %get3A_793 : i32 to index
      %get3A_795 = arith.constant 736 : index
      %get3A_796 = tpu.vector_load %arg9[%get3A_794, %get3A_795] {strides = array<i32>} : memref<8x1024xf32, #tpu.memory_space<vmem>>, vector<1x16xf32>,
      %get3A_797 = vector.shape_cast %get3A_796 : vector<1x16xf32> to vector<16xf32>
      %swap3A_798 = arith.constant 0 : i32
      %swap3A_799 = arith.index_cast %swap3A_798 : i32 to index
      %swap3A_800 = arith.constant 736 : index
      %swap3A_801 = tpu.vector_load %arg10[%swap3A_799, %swap3A_800] {strides = array<i32>} : memref<1x1024xf32, #tpu.memory_space<vmem>>, vector<1x16xf32>,
      %swap3A_802 = vector.shape_cast %swap3A_801 : vector<1x16xf32> to vector<16xf32>
      %swap3A_803 = vector.shape_cast %get3A_797 : vector<16xf32> to vector<1x16xf32>
      tpu.vector_store %arg10[%swap3A_799, %swap3A_800], %swap3A_803 {strides = array<i32>} : memref<1x1024xf32, #tpu.memory_space<vmem>>, vector<1x16xf32>,
      %get3A_804 = arith.constant 7 : i32
      %get3A_805 = arith.index_cast %get3A_804 : i32 to index
      %get3A_806 = arith.constant 752 : index
      %get3A_807 = tpu.vector_load %arg9[%get3A_805, %get3A_806] {strides = array<i32>} : memref<8x1024xf32, #tpu.memory_space<vmem>>, vector<1x16xf32>,
      %get3A_808 = vector.shape_cast %get3A_807 : vector<1x16xf32> to vector<16xf32>
      %swap3A_809 = arith.constant 0 : i32
      %swap3A_810 = arith.index_cast %swap3A_809 : i32 to index
      %swap3A_811 = arith.constant 752 : index
      %swap3A_812 = tpu.vector_load %arg10[%swap3A_810, %swap3A_811] {strides = array<i32>} : memref<1x1024xf32, #tpu.memory_space<vmem>>, vector<1x16xf32>,
      %swap3A_813 = vector.shape_cast %swap3A_812 : vector<1x16xf32> to vector<16xf32>
      %swap3A_814 = vector.shape_cast %get3A_808 : vector<16xf32> to vector<1x16xf32>
      tpu.vector_store %arg10[%swap3A_810, %swap3A_811], %swap3A_814 {strides = array<i32>} : memref<1x1024xf32, #tpu.memory_space<vmem>>, vector<1x16xf32>,
      %get3A_815 = arith.constant 7 : i32
      %get3A_816 = arith.index_cast %get3A_815 : i32 to index
      %get3A_817 = arith.constant 768 : index
      %get3A_818 = tpu.vector_load %arg9[%get3A_816, %get3A_817] {strides = array<i32>} : memref<8x1024xf32, #tpu.memory_space<vmem>>, vector<1x16xf32>,
      %get3A_819 = vector.shape_cast %get3A_818 : vector<1x16xf32> to vector<16xf32>
      %swap3A_820 = arith.constant 0 : i32
      %swap3A_821 = arith.index_cast %swap3A_820 : i32 to index
      %swap3A_822 = arith.constant 768 : index
      %swap3A_823 = tpu.vector_load %arg10[%swap3A_821, %swap3A_822] {strides = array<i32>} : memref<1x1024xf32, #tpu.memory_space<vmem>>, vector<1x16xf32>,
      %swap3A_824 = vector.shape_cast %swap3A_823 : vector<1x16xf32> to vector<16xf32>
      %swap3A_825 = vector.shape_cast %get3A_819 : vector<16xf32> to vector<1x16xf32>
      tpu.vector_store %arg10[%swap3A_821, %swap3A_822], %swap3A_825 {strides = array<i32>} : memref<1x1024xf32, #tpu.memory_space<vmem>>, vector<1x16xf32>,
      %get3A_826 = arith.constant 7 : i32
      %get3A_827 = arith.index_cast %get3A_826 : i32 to index
      %get3A_828 = arith.constant 784 : index
      %get3A_829 = tpu.vector_load %arg9[%get3A_827, %get3A_828] {strides = array<i32>} : memref<8x1024xf32, #tpu.memory_space<vmem>>, vector<1x16xf32>,
      %get3A_830 = vector.shape_cast %get3A_829 : vector<1x16xf32> to vector<16xf32>
      %swap3A_831 = arith.constant 0 : i32
      %swap3A_832 = arith.index_cast %swap3A_831 : i32 to index
      %swap3A_833 = arith.constant 784 : index
      %swap3A_834 = tpu.vector_load %arg10[%swap3A_832, %swap3A_833] {strides = array<i32>} : memref<1x1024xf32, #tpu.memory_space<vmem>>, vector<1x16xf32>,
      %swap3A_835 = vector.shape_cast %swap3A_834 : vector<1x16xf32> to vector<16xf32>
      %swap3A_836 = vector.shape_cast %get3A_830 : vector<16xf32> to vector<1x16xf32>
      tpu.vector_store %arg10[%swap3A_832, %swap3A_833], %swap3A_836 {strides = array<i32>} : memref<1x1024xf32, #tpu.memory_space<vmem>>, vector<1x16xf32>,
      %get3A_837 = arith.constant 7 : i32
      %get3A_838 = arith.index_cast %get3A_837 : i32 to index
      %get3A_839 = arith.constant 800 : index
      %get3A_840 = tpu.vector_load %arg9[%get3A_838, %get3A_839] {strides = array<i32>} : memref<8x1024xf32, #tpu.memory_space<vmem>>, vector<1x16xf32>,
      %get3A_841 = vector.shape_cast %get3A_840 : vector<1x16xf32> to vector<16xf32>
      %swap3A_842 = arith.constant 0 : i32
      %swap3A_843 = arith.index_cast %swap3A_842 : i32 to index
      %swap3A_844 = arith.constant 800 : index
      %swap3A_845 = tpu.vector_load %arg10[%swap3A_843, %swap3A_844] {strides = array<i32>} : memref<1x1024xf32, #tpu.memory_space<vmem>>, vector<1x16xf32>,
      %swap3A_846 = vector.shape_cast %swap3A_845 : vector<1x16xf32> to vector<16xf32>
      %swap3A_847 = vector.shape_cast %get3A_841 : vector<16xf32> to vector<1x16xf32>
      tpu.vector_store %arg10[%swap3A_843, %swap3A_844], %swap3A_847 {strides = array<i32>} : memref<1x1024xf32, #tpu.memory_space<vmem>>, vector<1x16xf32>,
      %get3A_848 = arith.constant 7 : i32
      %get3A_849 = arith.index_cast %get3A_848 : i32 to index
      %get3A_850 = arith.constant 816 : index
      %get3A_851 = tpu.vector_load %arg9[%get3A_849, %get3A_850] {strides = array<i32>} : memref<8x1024xf32, #tpu.memory_space<vmem>>, vector<1x16xf32>,
      %get3A_852 = vector.shape_cast %get3A_851 : vector<1x16xf32> to vector<16xf32>
      %swap3A_853 = arith.constant 0 : i32
      %swap3A_854 = arith.index_cast %swap3A_853 : i32 to index
      %swap3A_855 = arith.constant 816 : index
      %swap3A_856 = tpu.vector_load %arg10[%swap3A_854, %swap3A_855] {strides = array<i32>} : memref<1x1024xf32, #tpu.memory_space<vmem>>, vector<1x16xf32>,
      %swap3A_857 = vector.shape_cast %swap3A_856 : vector<1x16xf32> to vector<16xf32>
      %swap3A_858 = vector.shape_cast %get3A_852 : vector<16xf32> to vector<1x16xf32>
      tpu.vector_store %arg10[%swap3A_854, %swap3A_855], %swap3A_858 {strides = array<i32>} : memref<1x1024xf32, #tpu.memory_space<vmem>>, vector<1x16xf32>,
      %get3A_859 = arith.constant 7 : i32
      %get3A_860 = arith.index_cast %get3A_859 : i32 to index
      %get3A_861 = arith.constant 832 : index
      %get3A_862 = tpu.vector_load %arg9[%get3A_860, %get3A_861] {strides = array<i32>} : memref<8x1024xf32, #tpu.memory_space<vmem>>, vector<1x16xf32>,
      %get3A_863 = vector.shape_cast %get3A_862 : vector<1x16xf32> to vector<16xf32>
      %swap3A_864 = arith.constant 0 : i32
      %swap3A_865 = arith.index_cast %swap3A_864 : i32 to index
      %swap3A_866 = arith.constant 832 : index
      %swap3A_867 = tpu.vector_load %arg10[%swap3A_865, %swap3A_866] {strides = array<i32>} : memref<1x1024xf32, #tpu.memory_space<vmem>>, vector<1x16xf32>,
      %swap3A_868 = vector.shape_cast %swap3A_867 : vector<1x16xf32> to vector<16xf32>
      %swap3A_869 = vector.shape_cast %get3A_863 : vector<16xf32> to vector<1x16xf32>
      tpu.vector_store %arg10[%swap3A_865, %swap3A_866], %swap3A_869 {strides = array<i32>} : memref<1x1024xf32, #tpu.memory_space<vmem>>, vector<1x16xf32>,
      %get3A_870 = arith.constant 7 : i32
      %get3A_871 = arith.index_cast %get3A_870 : i32 to index
      %get3A_872 = arith.constant 848 : index
      %get3A_873 = tpu.vector_load %arg9[%get3A_871, %get3A_872] {strides = array<i32>} : memref<8x1024xf32, #tpu.memory_space<vmem>>, vector<1x16xf32>,
      %get3A_874 = vector.shape_cast %get3A_873 : vector<1x16xf32> to vector<16xf32>
      %swap3A_875 = arith.constant 0 : i32
      %swap3A_876 = arith.index_cast %swap3A_875 : i32 to index
      %swap3A_877 = arith.constant 848 : index
      %swap3A_878 = tpu.vector_load %arg10[%swap3A_876, %swap3A_877] {strides = array<i32>} : memref<1x1024xf32, #tpu.memory_space<vmem>>, vector<1x16xf32>,
      %swap3A_879 = vector.shape_cast %swap3A_878 : vector<1x16xf32> to vector<16xf32>
      %swap3A_880 = vector.shape_cast %get3A_874 : vector<16xf32> to vector<1x16xf32>
      tpu.vector_store %arg10[%swap3A_876, %swap3A_877], %swap3A_880 {strides = array<i32>} : memref<1x1024xf32, #tpu.memory_space<vmem>>, vector<1x16xf32>,
      %get3A_881 = arith.constant 7 : i32
      %get3A_882 = arith.index_cast %get3A_881 : i32 to index
      %get3A_883 = arith.constant 864 : index
      %get3A_884 = tpu.vector_load %arg9[%get3A_882, %get3A_883] {strides = array<i32>} : memref<8x1024xf32, #tpu.memory_space<vmem>>, vector<1x16xf32>,
      %get3A_885 = vector.shape_cast %get3A_884 : vector<1x16xf32> to vector<16xf32>
      %swap3A_886 = arith.constant 0 : i32
      %swap3A_887 = arith.index_cast %swap3A_886 : i32 to index
      %swap3A_888 = arith.constant 864 : index
      %swap3A_889 = tpu.vector_load %arg10[%swap3A_887, %swap3A_888] {strides = array<i32>} : memref<1x1024xf32, #tpu.memory_space<vmem>>, vector<1x16xf32>,
      %swap3A_890 = vector.shape_cast %swap3A_889 : vector<1x16xf32> to vector<16xf32>
      %swap3A_891 = vector.shape_cast %get3A_885 : vector<16xf32> to vector<1x16xf32>
      tpu.vector_store %arg10[%swap3A_887, %swap3A_888], %swap3A_891 {strides = array<i32>} : memref<1x1024xf32, #tpu.memory_space<vmem>>, vector<1x16xf32>,
      %get3A_892 = arith.constant 7 : i32
      %get3A_893 = arith.index_cast %get3A_892 : i32 to index
      %get3A_894 = arith.constant 880 : index
      %get3A_895 = tpu.vector_load %arg9[%get3A_893, %get3A_894] {strides = array<i32>} : memref<8x1024xf32, #tpu.memory_space<vmem>>, vector<1x16xf32>,
      %get3A_896 = vector.shape_cast %get3A_895 : vector<1x16xf32> to vector<16xf32>
      %swap3A_897 = arith.constant 0 : i32
      %swap3A_898 = arith.index_cast %swap3A_897 : i32 to index
      %swap3A_899 = arith.constant 880 : index
      %swap3A_900 = tpu.vector_load %arg10[%swap3A_898, %swap3A_899] {strides = array<i32>} : memref<1x1024xf32, #tpu.memory_space<vmem>>, vector<1x16xf32>,
      %swap3A_901 = vector.shape_cast %swap3A_900 : vector<1x16xf32> to vector<16xf32>
      %swap3A_902 = vector.shape_cast %get3A_896 : vector<16xf32> to vector<1x16xf32>
      tpu.vector_store %arg10[%swap3A_898, %swap3A_899], %swap3A_902 {strides = array<i32>} : memref<1x1024xf32, #tpu.memory_space<vmem>>, vector<1x16xf32>,
      %get3A_903 = arith.constant 7 : i32
      %get3A_904 = arith.index_cast %get3A_903 : i32 to index
      %get3A_905 = arith.constant 896 : index
      %get3A_906 = tpu.vector_load %arg9[%get3A_904, %get3A_905] {strides = array<i32>} : memref<8x1024xf32, #tpu.memory_space<vmem>>, vector<1x16xf32>,
      %get3A_907 = vector.shape_cast %get3A_906 : vector<1x16xf32> to vector<16xf32>
      %swap3A_908 = arith.constant 0 : i32
      %swap3A_909 = arith.index_cast %swap3A_908 : i32 to index
      %swap3A_910 = arith.constant 896 : index
      %swap3A_911 = tpu.vector_load %arg10[%swap3A_909, %swap3A_910] {strides = array<i32>} : memref<1x1024xf32, #tpu.memory_space<vmem>>, vector<1x16xf32>,
      %swap3A_912 = vector.shape_cast %swap3A_911 : vector<1x16xf32> to vector<16xf32>
      %swap3A_913 = vector.shape_cast %get3A_907 : vector<16xf32> to vector<1x16xf32>
      tpu.vector_store %arg10[%swap3A_909, %swap3A_910], %swap3A_913 {strides = array<i32>} : memref<1x1024xf32, #tpu.memory_space<vmem>>, vector<1x16xf32>,
      %get3A_914 = arith.constant 7 : i32
      %get3A_915 = arith.index_cast %get3A_914 : i32 to index
      %get3A_916 = arith.constant 912 : index
      %get3A_917 = tpu.vector_load %arg9[%get3A_915, %get3A_916] {strides = array<i32>} : memref<8x1024xf32, #tpu.memory_space<vmem>>, vector<1x16xf32>,
      %get3A_918 = vector.shape_cast %get3A_917 : vector<1x16xf32> to vector<16xf32>
      %swap3A_919 = arith.constant 0 : i32
      %swap3A_920 = arith.index_cast %swap3A_919 : i32 to index
      %swap3A_921 = arith.constant 912 : index
      %swap3A_922 = tpu.vector_load %arg10[%swap3A_920, %swap3A_921] {strides = array<i32>} : memref<1x1024xf32, #tpu.memory_space<vmem>>, vector<1x16xf32>,
      %swap3A_923 = vector.shape_cast %swap3A_922 : vector<1x16xf32> to vector<16xf32>
      %swap3A_924 = vector.shape_cast %get3A_918 : vector<16xf32> to vector<1x16xf32>
      tpu.vector_store %arg10[%swap3A_920, %swap3A_921], %swap3A_924 {strides = array<i32>} : memref<1x1024xf32, #tpu.memory_space<vmem>>, vector<1x16xf32>,
      %get3A_925 = arith.constant 7 : i32
      %get3A_926 = arith.index_cast %get3A_925 : i32 to index
      %get3A_927 = arith.constant 928 : index
      %get3A_928 = tpu.vector_load %arg9[%get3A_926, %get3A_927] {strides = array<i32>} : memref<8x1024xf32, #tpu.memory_space<vmem>>, vector<1x16xf32>,
      %get3A_929 = vector.shape_cast %get3A_928 : vector<1x16xf32> to vector<16xf32>
      %swap3A_930 = arith.constant 0 : i32
      %swap3A_931 = arith.index_cast %swap3A_930 : i32 to index
      %swap3A_932 = arith.constant 928 : index
      %swap3A_933 = tpu.vector_load %arg10[%swap3A_931, %swap3A_932] {strides = array<i32>} : memref<1x1024xf32, #tpu.memory_space<vmem>>, vector<1x16xf32>,
      %swap3A_934 = vector.shape_cast %swap3A_933 : vector<1x16xf32> to vector<16xf32>
      %swap3A_935 = vector.shape_cast %get3A_929 : vector<16xf32> to vector<1x16xf32>
      tpu.vector_store %arg10[%swap3A_931, %swap3A_932], %swap3A_935 {strides = array<i32>} : memref<1x1024xf32, #tpu.memory_space<vmem>>, vector<1x16xf32>,
      %get3A_936 = arith.constant 7 : i32
      %get3A_937 = arith.index_cast %get3A_936 : i32 to index
      %get3A_938 = arith.constant 944 : index
      %get3A_939 = tpu.vector_load %arg9[%get3A_937, %get3A_938] {strides = array<i32>} : memref<8x1024xf32, #tpu.memory_space<vmem>>, vector<1x16xf32>,
      %get3A_940 = vector.shape_cast %get3A_939 : vector<1x16xf32> to vector<16xf32>
      %swap3A_941 = arith.constant 0 : i32
      %swap3A_942 = arith.index_cast %swap3A_941 : i32 to index
      %swap3A_943 = arith.constant 944 : index
      %swap3A_944 = tpu.vector_load %arg10[%swap3A_942, %swap3A_943] {strides = array<i32>} : memref<1x1024xf32, #tpu.memory_space<vmem>>, vector<1x16xf32>,
      %swap3A_945 = vector.shape_cast %swap3A_944 : vector<1x16xf32> to vector<16xf32>
      %swap3A_946 = vector.shape_cast %get3A_940 : vector<16xf32> to vector<1x16xf32>
      tpu.vector_store %arg10[%swap3A_942, %swap3A_943], %swap3A_946 {strides = array<i32>} : memref<1x1024xf32, #tpu.memory_space<vmem>>, vector<1x16xf32>,
      %get3A_947 = arith.constant 7 : i32
      %get3A_948 = arith.index_cast %get3A_947 : i32 to index
      %get3A_949 = arith.constant 960 : index
      %get3A_950 = tpu.vector_load %arg9[%get3A_948, %get3A_949] {strides = array<i32>} : memref<8x1024xf32, #tpu.memory_space<vmem>>, vector<1x16xf32>,
      %get3A_951 = vector.shape_cast %get3A_950 : vector<1x16xf32> to vector<16xf32>
      %swap3A_952 = arith.constant 0 : i32
      %swap3A_953 = arith.index_cast %swap3A_952 : i32 to index
      %swap3A_954 = arith.constant 960 : index
      %swap3A_955 = tpu.vector_load %arg10[%swap3A_953, %swap3A_954] {strides = array<i32>} : memref<1x1024xf32, #tpu.memory_space<vmem>>, vector<1x16xf32>,
      %swap3A_956 = vector.shape_cast %swap3A_955 : vector<1x16xf32> to vector<16xf32>
      %swap3A_957 = vector.shape_cast %get3A_951 : vector<16xf32> to vector<1x16xf32>
      tpu.vector_store %arg10[%swap3A_953, %swap3A_954], %swap3A_957 {strides = array<i32>} : memref<1x1024xf32, #tpu.memory_space<vmem>>, vector<1x16xf32>,
      %get3A_958 = arith.constant 7 : i32
      %get3A_959 = arith.index_cast %get3A_958 : i32 to index
      %get3A_960 = arith.constant 976 : index
      %get3A_961 = tpu.vector_load %arg9[%get3A_959, %get3A_960] {strides = array<i32>} : memref<8x1024xf32, #tpu.memory_space<vmem>>, vector<1x16xf32>,
      %get3A_962 = vector.shape_cast %get3A_961 : vector<1x16xf32> to vector<16xf32>
      %swap3A_963 = arith.constant 0 : i32
      %swap3A_964 = arith.index_cast %swap3A_963 : i32 to index
      %swap3A_965 = arith.constant 976 : index
      %swap3A_966 = tpu.vector_load %arg10[%swap3A_964, %swap3A_965] {strides = array<i32>} : memref<1x1024xf32, #tpu.memory_space<vmem>>, vector<1x16xf32>,
      %swap3A_967 = vector.shape_cast %swap3A_966 : vector<1x16xf32> to vector<16xf32>
      %swap3A_968 = vector.shape_cast %get3A_962 : vector<16xf32> to vector<1x16xf32>
      tpu.vector_store %arg10[%swap3A_964, %swap3A_965], %swap3A_968 {strides = array<i32>} : memref<1x1024xf32, #tpu.memory_space<vmem>>, vector<1x16xf32>,
      %get3A_969 = arith.constant 7 : i32
      %get3A_970 = arith.index_cast %get3A_969 : i32 to index
      %get3A_971 = arith.constant 992 : index
      %get3A_972 = tpu.vector_load %arg9[%get3A_970, %get3A_971] {strides = array<i32>} : memref<8x1024xf32, #tpu.memory_space<vmem>>, vector<1x16xf32>,
      %get3A_973 = vector.shape_cast %get3A_972 : vector<1x16xf32> to vector<16xf32>
      %swap3A_974 = arith.constant 0 : i32
      %swap3A_975 = arith.index_cast %swap3A_974 : i32 to index
      %swap3A_976 = arith.constant 992 : index
      %swap3A_977 = tpu.vector_load %arg10[%swap3A_975, %swap3A_976] {strides = array<i32>} : memref<1x1024xf32, #tpu.memory_space<vmem>>, vector<1x16xf32>,
      %swap3A_978 = vector.shape_cast %swap3A_977 : vector<1x16xf32> to vector<16xf32>
      %swap3A_979 = vector.shape_cast %get3A_973 : vector<16xf32> to vector<1x16xf32>
      tpu.vector_store %arg10[%swap3A_975, %swap3A_976], %swap3A_979 {strides = array<i32>} : memref<1x1024xf32, #tpu.memory_space<vmem>>, vector<1x16xf32>,
      %get3A_980 = arith.constant 7 : i32
      %get3A_981 = arith.index_cast %get3A_980 : i32 to index
      %get3A_982 = arith.constant 1008 : index
      %get3A_983 = tpu.vector_load %arg9[%get3A_981, %get3A_982] {strides = array<i32>} : memref<8x1024xf32, #tpu.memory_space<vmem>>, vector<1x16xf32>,
      %get3A_984 = vector.shape_cast %get3A_983 : vector<1x16xf32> to vector<16xf32>
      %swap3A_985 = arith.constant 0 : i32
      %swap3A_986 = arith.index_cast %swap3A_985 : i32 to index
      %swap3A_987 = arith.constant 1008 : index
      %swap3A_988 = tpu.vector_load %arg10[%swap3A_986, %swap3A_987] {strides = array<i32>} : memref<1x1024xf32, #tpu.memory_space<vmem>>, vector<1x16xf32>,
      %swap3A_989 = vector.shape_cast %swap3A_988 : vector<1x16xf32> to vector<16xf32>
      %swap3A_990 = vector.shape_cast %get3A_984 : vector<16xf32> to vector<1x16xf32>
      tpu.vector_store %arg10[%swap3A_986, %swap3A_987], %swap3A_990 {strides = array<i32>} : memref<1x1024xf32, #tpu.memory_space<vmem>>, vector<1x16xf32>,
      %dma_start3A_991 = arith.constant 0 : i32
      %dma_start3A_992 = arith.constant 0 : i32
      %dma_start3A_993 = arith.constant 0 : i32
      %dma_start3A_994 = tpu.memref_slice %arg5[%dma_start3A_992, %dma_start3A_991, %dma_start3A_993] : memref<2177x4x1024xf32, #tpu.memory_space<hbm>> -> memref<1x1x1024xf32, #tpu.memory_space<hbm>>
      %dma_start3A_995 = tpu.memref_squeeze %dma_start3A_994 : memref<1x1x1024xf32, #tpu.memory_space<hbm>> -> memref<1x1024xf32, #tpu.memory_space<hbm>>
      %dma_start3A_996 = arith.constant 0 : i32
      %dma_start3A_997 = arith.constant 0 : i32
      %dma_start3A_998 = tpu.memref_slice %arg5[%dma_start3A_996, %dma_start3A_991, %dma_start3A_997] : memref<2177x4x1024xf32, #tpu.memory_space<hbm>> -> memref<1x1x1024xf32, #tpu.memory_space<hbm>>
      %dma_start3A_999 = tpu.memref_squeeze %dma_start3A_998 : memref<1x1x1024xf32, #tpu.memory_space<hbm>> -> memref<1x1024xf32, #tpu.memory_space<hbm>>
      tpu.enqueue_dma source(%arg10 : memref<1x1024xf32, #tpu.memory_space<vmem>>) target(%dma_start3A_999 : memref<1x1024xf32, #tpu.memory_space<hbm>>) target_semaphore(%arg13 : memref<!tpu.dma_semaphore, #tpu.memory_space<semaphore_mem>>)
      %dma_start3A_1000 = arith.constant 1 : i32
      %dma_start3A_1001 = arith.constant 0 : i32
      %dma_start3A_1002 = arith.constant 0 : i32
      %dma_start3A_1003 = tpu.memref_slice %arg5[%dma_start3A_1001, %dma_start3A_1000, %dma_start3A_1002] : memref<2177x4x1024xf32, #tpu.memory_space<hbm>> -> memref<1x1x1024xf32, #tpu.memory_space<hbm>>
      %dma_start3A_1004 = tpu.memref_squeeze %dma_start3A_1003 : memref<1x1x1024xf32, #tpu.memory_space<hbm>> -> memref<1x1024xf32, #tpu.memory_space<hbm>>
      %dma_start3A_1005 = arith.constant 0 : i32
      %dma_start3A_1006 = arith.constant 0 : i32
      %dma_start3A_1007 = tpu.memref_slice %arg5[%dma_start3A_1005, %dma_start3A_1000, %dma_start3A_1006] : memref<2177x4x1024xf32, #tpu.memory_space<hbm>> -> memref<1x1x1024xf32, #tpu.memory_space<hbm>>
      %dma_start3A_1008 = tpu.memref_squeeze %dma_start3A_1007 : memref<1x1x1024xf32, #tpu.memory_space<hbm>> -> memref<1x1024xf32, #tpu.memory_space<hbm>>
      tpu.enqueue_dma source(%arg10 : memref<1x1024xf32, #tpu.memory_space<vmem>>) target(%dma_start3A_1008 : memref<1x1024xf32, #tpu.memory_space<hbm>>) target_semaphore(%arg13 : memref<!tpu.dma_semaphore, #tpu.memory_space<semaphore_mem>>)
      %dma_start3A_1009 = arith.constant 2 : i32
      %dma_start3A_1010 = arith.constant 0 : i32
      %dma_start3A_1011 = arith.constant 0 : i32
      %dma_start3A_1012 = tpu.memref_slice %arg5[%dma_start3A_1010, %dma_start3A_1009, %dma_start3A_1011] : memref<2177x4x1024xf32, #tpu.memory_space<hbm>> -> memref<1x1x1024xf32, #tpu.memory_space<hbm>>
      %dma_start3A_1013 = tpu.memref_squeeze %dma_start3A_1012 : memref<1x1x1024xf32, #tpu.memory_space<hbm>> -> memref<1x1024xf32, #tpu.memory_space<hbm>>
      %dma_start3A_1014 = arith.constant 0 : i32
      %dma_start3A_1015 = arith.constant 0 : i32
      %dma_start3A_1016 = tpu.memref_slice %arg5[%dma_start3A_1014, %dma_start3A_1009, %dma_start3A_1015] : memref<2177x4x1024xf32, #tpu.memory_space<hbm>> -> memref<1x1x1024xf32, #tpu.memory_space<hbm>>
      %dma_start3A_1017 = tpu.memref_squeeze %dma_start3A_1016 : memref<1x1x1024xf32, #tpu.memory_space<hbm>> -> memref<1x1024xf32, #tpu.memory_space<hbm>>
      tpu.enqueue_dma source(%arg10 : memref<1x1024xf32, #tpu.memory_space<vmem>>) target(%dma_start3A_1017 : memref<1x1024xf32, #tpu.memory_space<hbm>>) target_semaphore(%arg13 : memref<!tpu.dma_semaphore, #tpu.memory_space<semaphore_mem>>)
      %dma_start3A_1018 = arith.constant 3 : i32
      %dma_start3A_1019 = arith.constant 0 : i32
      %dma_start3A_1020 = arith.constant 0 : i32
      %dma_start3A_1021 = tpu.memref_slice %arg5[%dma_start3A_1019, %dma_start3A_1018, %dma_start3A_1020] : memref<2177x4x1024xf32, #tpu.memory_space<hbm>> -> memref<1x1x1024xf32, #tpu.memory_space<hbm>>
      %dma_start3A_1022 = tpu.memref_squeeze %dma_start3A_1021 : memref<1x1x1024xf32, #tpu.memory_space<hbm>> -> memref<1x1024xf32, #tpu.memory_space<hbm>>
      %dma_start3A_1023 = arith.constant 0 : i32
      %dma_start3A_1024 = arith.constant 0 : i32
      %dma_start3A_1025 = tpu.memref_slice %arg5[%dma_start3A_1023, %dma_start3A_1018, %dma_start3A_1024] : memref<2177x4x1024xf32, #tpu.memory_space<hbm>> -> memref<1x1x1024xf32, #tpu.memory_space<hbm>>
      %dma_start3A_1026 = tpu.memref_squeeze %dma_start3A_1025 : memref<1x1x1024xf32, #tpu.memory_space<hbm>> -> memref<1x1024xf32, #tpu.memory_space<hbm>>
      tpu.enqueue_dma source(%arg10 : memref<1x1024xf32, #tpu.memory_space<vmem>>) target(%dma_start3A_1026 : memref<1x1024xf32, #tpu.memory_space<hbm>>) target_semaphore(%arg13 : memref<!tpu.dma_semaphore, #tpu.memory_space<semaphore_mem>>)
    } else {
    }
    %mul3A_7 = arith.constant 64 : i32
    %mul3A_8 = arith.muli %add3A, %mul3A_7 : i32
    %multiple_of3A = tpu.assume_multiple %mul3A_8, 8 : i32
    %mul3A_9 = arith.constant 64 : i32
    %mul3A_10 = arith.muli %add3A, %mul3A_9 : i32
    %add3A_11 = arith.constant 129 : i32
    %add3A_12 = arith.addi %add3A_11, %mul3A_10 : i32
    %add3A_13 = arith.constant 0 : i32
    %add3A_14 = arith.addi %multiple_of3A, %add3A_13 : i32
    %dma_start3A = arith.constant 0 : i32
    %dma_start3A_15 = arith.constant 0 : i32
    %dma_start3A_16 = tpu.memref_slice %arg2[%dma_start3A, %add3A_14, %dma_start3A_15] : memref<4x2048x1024xf32, #tpu.memory_space<hbm>> -> memref<1x32x1024xf32, #tpu.memory_space<hbm>>
    %dma_start3A_17 = tpu.memref_squeeze %dma_start3A_16 : memref<1x32x1024xf32, #tpu.memory_space<hbm>> -> memref<32x1024xf32, #tpu.memory_space<hbm>>
    %dma_start3A_18 = arith.constant 0 : i32
    %dma_start3A_19 = tpu.memref_slice %arg2[%dma_start3A, %add3A_14, %dma_start3A_18] : memref<4x2048x1024xf32, #tpu.memory_space<hbm>> -> memref<1x32x1024xf32, #tpu.memory_space<hbm>>
    %dma_start3A_20 = tpu.memref_squeeze %dma_start3A_19 : memref<1x32x1024xf32, #tpu.memory_space<hbm>> -> memref<32x1024xf32, #tpu.memory_space<hbm>>
    tpu.enqueue_dma source(%dma_start3A_20 : memref<32x1024xf32, #tpu.memory_space<hbm>>) target(%arg6 : memref<32x1024xf32, #tpu.memory_space<vmem>>) target_semaphore(%arg11 : memref<!tpu.dma_semaphore, #tpu.memory_space<semaphore_mem>>)
    %dma_wait3A = arith.constant 0 : i32
    %dma_wait3A_21 = arith.constant 0 : i32
    %dma_wait3A_22 = tpu.memref_slice %arg2[%dma_wait3A, %add3A_14, %dma_wait3A_21] : memref<4x2048x1024xf32, #tpu.memory_space<hbm>> -> memref<1x32x1024xf32, #tpu.memory_space<hbm>>
    %dma_wait3A_23 = tpu.memref_squeeze %dma_wait3A_22 : memref<1x32x1024xf32, #tpu.memory_space<hbm>> -> memref<32x1024xf32, #tpu.memory_space<hbm>>
    %dma_wait3A_24 = arith.constant 0 : i32
    %dma_wait3A_25 = tpu.memref_slice %arg2[%dma_wait3A, %add3A_14, %dma_wait3A_24] : memref<4x2048x1024xf32, #tpu.memory_space<hbm>> -> memref<1x32x1024xf32, #tpu.memory_space<hbm>>
    %dma_wait3A_26 = tpu.memref_squeeze %dma_wait3A_25 : memref<1x32x1024xf32, #tpu.memory_space<hbm>> -> memref<32x1024xf32, #tpu.memory_space<hbm>>
    tpu.wait_dma2 semaphore(%arg11 : memref<!tpu.dma_semaphore, #tpu.memory_space<semaphore_mem>>) src(%dma_wait3A_26 : memref<32x1024xf32, #tpu.memory_space<hbm>>) dst(%arg6 : memref<32x1024xf32, #tpu.memory_space<vmem>>)
    %add3A_27 = arith.constant 32 : i32
    %add3A_28 = arith.addi %multiple_of3A, %add3A_27 : i32
    %dma_start3A_29 = arith.constant 0 : i32
    %dma_start3A_30 = arith.constant 0 : i32
    %dma_start3A_31 = tpu.memref_slice %arg2[%dma_start3A_29, %add3A_28, %dma_start3A_30] : memref<4x2048x1024xf32, #tpu.memory_space<hbm>> -> memref<1x32x1024xf32, #tpu.memory_space<hbm>>
    %dma_start3A_32 = tpu.memref_squeeze %dma_start3A_31 : memref<1x32x1024xf32, #tpu.memory_space<hbm>> -> memref<32x1024xf32, #tpu.memory_space<hbm>>
    %dma_start3A_33 = arith.constant 0 : i32
    %dma_start3A_34 = tpu.memref_slice %arg2[%dma_start3A_29, %add3A_28, %dma_start3A_33] : memref<4x2048x1024xf32, #tpu.memory_space<hbm>> -> memref<1x32x1024xf32, #tpu.memory_space<hbm>>
    %dma_start3A_35 = tpu.memref_squeeze %dma_start3A_34 : memref<1x32x1024xf32, #tpu.memory_space<hbm>> -> memref<32x1024xf32, #tpu.memory_space<hbm>>
    tpu.enqueue_dma source(%dma_start3A_35 : memref<32x1024xf32, #tpu.memory_space<hbm>>) target(%arg7 : memref<32x1024xf32, #tpu.memory_space<vmem>>) target_semaphore(%arg11 : memref<!tpu.dma_semaphore, #tpu.memory_space<semaphore_mem>>)
    %add3A_36 = arith.constant 0 : i32
    %add3A_37 = arith.addi %add3A_12, %add3A_36 : i32
    %dma_start3A_38 = arith.constant 0 : i32
    %dma_start3A_39 = arith.constant 0 : i32
    %dma_start3A_40 = tpu.memref_slice %arg5[%add3A_37, %dma_start3A_38, %dma_start3A_39] : memref<2177x4x1024xf32, #tpu.memory_space<hbm>> -> memref<32x1x1024xf32, #tpu.memory_space<hbm>>
    %dma_start3A_41 = tpu.memref_squeeze %dma_start3A_40 : memref<32x1x1024xf32, #tpu.memory_space<hbm>> -> memref<32x1024xf32, #tpu.memory_space<hbm>>
    %dma_start3A_42 = arith.constant 0 : i32
    %dma_start3A_43 = tpu.memref_slice %arg5[%add3A_37, %dma_start3A_38, %dma_start3A_42] : memref<2177x4x1024xf32, #tpu.memory_space<hbm>> -> memref<32x1x1024xf32, #tpu.memory_space<hbm>>
    %dma_start3A_44 = tpu.memref_squeeze %dma_start3A_43 : memref<32x1x1024xf32, #tpu.memory_space<hbm>> -> memref<32x1024xf32, #tpu.memory_space<hbm>>
    tpu.enqueue_dma source(%arg6 : memref<32x1024xf32, #tpu.memory_space<vmem>>) target(%dma_start3A_44 : memref<32x1024xf32, #tpu.memory_space<hbm>>) target_semaphore(%arg12 : memref<!tpu.dma_semaphore, #tpu.memory_space<semaphore_mem>>)
    %dma_wait3A_45 = arith.constant 0 : i32
    %dma_wait3A_46 = arith.constant 0 : i32
    %dma_wait3A_47 = tpu.memref_slice %arg2[%dma_wait3A_45, %add3A_28, %dma_wait3A_46] : memref<4x2048x1024xf32, #tpu.memory_space<hbm>> -> memref<1x32x1024xf32, #tpu.memory_space<hbm>>
    %dma_wait3A_48 = tpu.memref_squeeze %dma_wait3A_47 : memref<1x32x1024xf32, #tpu.memory_space<hbm>> -> memref<32x1024xf32, #tpu.memory_space<hbm>>
    %dma_wait3A_49 = arith.constant 0 : i32
    %dma_wait3A_50 = tpu.memref_slice %arg2[%dma_wait3A_45, %add3A_28, %dma_wait3A_49] : memref<4x2048x1024xf32, #tpu.memory_space<hbm>> -> memref<1x32x1024xf32, #tpu.memory_space<hbm>>
    %dma_wait3A_51 = tpu.memref_squeeze %dma_wait3A_50 : memref<1x32x1024xf32, #tpu.memory_space<hbm>> -> memref<32x1024xf32, #tpu.memory_space<hbm>>
    tpu.wait_dma2 semaphore(%arg11 : memref<!tpu.dma_semaphore, #tpu.memory_space<semaphore_mem>>) src(%dma_wait3A_51 : memref<32x1024xf32, #tpu.memory_space<hbm>>) dst(%arg7 : memref<32x1024xf32, #tpu.memory_space<vmem>>)
    %dma_wait3A_52 = arith.constant 0 : i32
    %dma_wait3A_53 = arith.constant 0 : i32
    %dma_wait3A_54 = tpu.memref_slice %arg5[%add3A_37, %dma_wait3A_52, %dma_wait3A_53] : memref<2177x4x1024xf32, #tpu.memory_space<hbm>> -> memref<32x1x1024xf32, #tpu.memory_space<hbm>>
    %dma_wait3A_55 = tpu.memref_squeeze %dma_wait3A_54 : memref<32x1x1024xf32, #tpu.memory_space<hbm>> -> memref<32x1024xf32, #tpu.memory_space<hbm>>
    %dma_wait3A_56 = arith.constant 0 : i32
    %dma_wait3A_57 = tpu.memref_slice %arg5[%add3A_37, %dma_wait3A_52, %dma_wait3A_56] : memref<2177x4x1024xf32, #tpu.memory_space<hbm>> -> memref<32x1x1024xf32, #tpu.memory_space<hbm>>
    %dma_wait3A_58 = tpu.memref_squeeze %dma_wait3A_57 : memref<32x1x1024xf32, #tpu.memory_space<hbm>> -> memref<32x1024xf32, #tpu.memory_space<hbm>>
    tpu.wait_dma2 semaphore(%arg12 : memref<!tpu.dma_semaphore, #tpu.memory_space<semaphore_mem>>) src(%arg6 : memref<32x1024xf32, #tpu.memory_space<vmem>>) dst(%dma_wait3A_58 : memref<32x1024xf32, #tpu.memory_space<hbm>>)
    %add3A_59 = arith.constant 0 : i32
    %add3A_60 = arith.addi %multiple_of3A, %add3A_59 : i32
    %dma_start3A_61 = arith.constant 1 : i32
    %dma_start3A_62 = arith.constant 0 : i32
    %dma_start3A_63 = tpu.memref_slice %arg2[%dma_start3A_61, %add3A_60, %dma_start3A_62] : memref<4x2048x1024xf32, #tpu.memory_space<hbm>> -> memref<1x32x1024xf32, #tpu.memory_space<hbm>>
    %dma_start3A_64 = tpu.memref_squeeze %dma_start3A_63 : memref<1x32x1024xf32, #tpu.memory_space<hbm>> -> memref<32x1024xf32, #tpu.memory_space<hbm>>
    %dma_start3A_65 = arith.constant 0 : i32
    %dma_start3A_66 = tpu.memref_slice %arg2[%dma_start3A_61, %add3A_60, %dma_start3A_65] : memref<4x2048x1024xf32, #tpu.memory_space<hbm>> -> memref<1x32x1024xf32, #tpu.memory_space<hbm>>
    %dma_start3A_67 = tpu.memref_squeeze %dma_start3A_66 : memref<1x32x1024xf32, #tpu.memory_space<hbm>> -> memref<32x1024xf32, #tpu.memory_space<hbm>>
    tpu.enqueue_dma source(%dma_start3A_67 : memref<32x1024xf32, #tpu.memory_space<hbm>>) target(%arg6 : memref<32x1024xf32, #tpu.memory_space<vmem>>) target_semaphore(%arg11 : memref<!tpu.dma_semaphore, #tpu.memory_space<semaphore_mem>>)
    %add3A_68 = arith.constant 32 : i32
    %add3A_69 = arith.addi %add3A_12, %add3A_68 : i32
    %dma_start3A_70 = arith.constant 0 : i32
    %dma_start3A_71 = arith.constant 0 : i32
    %dma_start3A_72 = tpu.memref_slice %arg5[%add3A_69, %dma_start3A_70, %dma_start3A_71] : memref<2177x4x1024xf32, #tpu.memory_space<hbm>> -> memref<32x1x1024xf32, #tpu.memory_space<hbm>>
    %dma_start3A_73 = tpu.memref_squeeze %dma_start3A_72 : memref<32x1x1024xf32, #tpu.memory_space<hbm>> -> memref<32x1024xf32, #tpu.memory_space<hbm>>
    %dma_start3A_74 = arith.constant 0 : i32
    %dma_start3A_75 = tpu.memref_slice %arg5[%add3A_69, %dma_start3A_70, %dma_start3A_74] : memref<2177x4x1024xf32, #tpu.memory_space<hbm>> -> memref<32x1x1024xf32, #tpu.memory_space<hbm>>
    %dma_start3A_76 = tpu.memref_squeeze %dma_start3A_75 : memref<32x1x1024xf32, #tpu.memory_space<hbm>> -> memref<32x1024xf32, #tpu.memory_space<hbm>>
    tpu.enqueue_dma source(%arg7 : memref<32x1024xf32, #tpu.memory_space<vmem>>) target(%dma_start3A_76 : memref<32x1024xf32, #tpu.memory_space<hbm>>) target_semaphore(%arg12 : memref<!tpu.dma_semaphore, #tpu.memory_space<semaphore_mem>>)
    %dma_wait3A_77 = arith.constant 1 : i32
    %dma_wait3A_78 = arith.constant 0 : i32
    %dma_wait3A_79 = tpu.memref_slice %arg2[%dma_wait3A_77, %add3A_60, %dma_wait3A_78] : memref<4x2048x1024xf32, #tpu.memory_space<hbm>> -> memref<1x32x1024xf32, #tpu.memory_space<hbm>>
    %dma_wait3A_80 = tpu.memref_squeeze %dma_wait3A_79 : memref<1x32x1024xf32, #tpu.memory_space<hbm>> -> memref<32x1024xf32, #tpu.memory_space<hbm>>
    %dma_wait3A_81 = arith.constant 0 : i32
    %dma_wait3A_82 = tpu.memref_slice %arg2[%dma_wait3A_77, %add3A_60, %dma_wait3A_81] : memref<4x2048x1024xf32, #tpu.memory_space<hbm>> -> memref<1x32x1024xf32, #tpu.memory_space<hbm>>
    %dma_wait3A_83 = tpu.memref_squeeze %dma_wait3A_82 : memref<1x32x1024xf32, #tpu.memory_space<hbm>> -> memref<32x1024xf32, #tpu.memory_space<hbm>>
    tpu.wait_dma2 semaphore(%arg11 : memref<!tpu.dma_semaphore, #tpu.memory_space<semaphore_mem>>) src(%dma_wait3A_83 : memref<32x1024xf32, #tpu.memory_space<hbm>>) dst(%arg6 : memref<32x1024xf32, #tpu.memory_space<vmem>>)
    %dma_wait3A_84 = arith.constant 0 : i32
    %dma_wait3A_85 = arith.constant 0 : i32
    %dma_wait3A_86 = tpu.memref_slice %arg5[%add3A_69, %dma_wait3A_84, %dma_wait3A_85] : memref<2177x4x1024xf32, #tpu.memory_space<hbm>> -> memref<32x1x1024xf32, #tpu.memory_space<hbm>>
    %dma_wait3A_87 = tpu.memref_squeeze %dma_wait3A_86 : memref<32x1x1024xf32, #tpu.memory_space<hbm>> -> memref<32x1024xf32, #tpu.memory_space<hbm>>
    %dma_wait3A_88 = arith.constant 0 : i32
    %dma_wait3A_89 = tpu.memref_slice %arg5[%add3A_69, %dma_wait3A_84, %dma_wait3A_88] : memref<2177x4x1024xf32, #tpu.memory_space<hbm>> -> memref<32x1x1024xf32, #tpu.memory_space<hbm>>
    %dma_wait3A_90 = tpu.memref_squeeze %dma_wait3A_89 : memref<32x1x1024xf32, #tpu.memory_space<hbm>> -> memref<32x1024xf32, #tpu.memory_space<hbm>>
    tpu.wait_dma2 semaphore(%arg12 : memref<!tpu.dma_semaphore, #tpu.memory_space<semaphore_mem>>) src(%arg7 : memref<32x1024xf32, #tpu.memory_space<vmem>>) dst(%dma_wait3A_90 : memref<32x1024xf32, #tpu.memory_space<hbm>>)
    %add3A_91 = arith.constant 32 : i32
    %add3A_92 = arith.addi %multiple_of3A, %add3A_91 : i32
    %dma_start3A_93 = arith.constant 1 : i32
    %dma_start3A_94 = arith.constant 0 : i32
    %dma_start3A_95 = tpu.memref_slice %arg2[%dma_start3A_93, %add3A_92, %dma_start3A_94] : memref<4x2048x1024xf32, #tpu.memory_space<hbm>> -> memref<1x32x1024xf32, #tpu.memory_space<hbm>>
    %dma_start3A_96 = tpu.memref_squeeze %dma_start3A_95 : memref<1x32x1024xf32, #tpu.memory_space<hbm>> -> memref<32x1024xf32, #tpu.memory_space<hbm>>
    %dma_start3A_97 = arith.constant 0 : i32
    %dma_start3A_98 = tpu.memref_slice %arg2[%dma_start3A_93, %add3A_92, %dma_start3A_97] : memref<4x2048x1024xf32, #tpu.memory_space<hbm>> -> memref<1x32x1024xf32, #tpu.memory_space<hbm>>
    %dma_start3A_99 = tpu.memref_squeeze %dma_start3A_98 : memref<1x32x1024xf32, #tpu.memory_space<hbm>> -> memref<32x1024xf32, #tpu.memory_space<hbm>>
    tpu.enqueue_dma source(%dma_start3A_99 : memref<32x1024xf32, #tpu.memory_space<hbm>>) target(%arg7 : memref<32x1024xf32, #tpu.memory_space<vmem>>) target_semaphore(%arg11 : memref<!tpu.dma_semaphore, #tpu.memory_space<semaphore_mem>>)
    %add3A_100 = arith.constant 0 : i32
    %add3A_101 = arith.addi %add3A_12, %add3A_100 : i32
    %dma_start3A_102 = arith.constant 1 : i32
    %dma_start3A_103 = arith.constant 0 : i32
    %dma_start3A_104 = tpu.memref_slice %arg5[%add3A_101, %dma_start3A_102, %dma_start3A_103] : memref<2177x4x1024xf32, #tpu.memory_space<hbm>> -> memref<32x1x1024xf32, #tpu.memory_space<hbm>>
    %dma_start3A_105 = tpu.memref_squeeze %dma_start3A_104 : memref<32x1x1024xf32, #tpu.memory_space<hbm>> -> memref<32x1024xf32, #tpu.memory_space<hbm>>
    %dma_start3A_106 = arith.constant 0 : i32
    %dma_start3A_107 = tpu.memref_slice %arg5[%add3A_101, %dma_start3A_102, %dma_start3A_106] : memref<2177x4x1024xf32, #tpu.memory_space<hbm>> -> memref<32x1x1024xf32, #tpu.memory_space<hbm>>
    %dma_start3A_108 = tpu.memref_squeeze %dma_start3A_107 : memref<32x1x1024xf32, #tpu.memory_space<hbm>> -> memref<32x1024xf32, #tpu.memory_space<hbm>>
    tpu.enqueue_dma source(%arg6 : memref<32x1024xf32, #tpu.memory_space<vmem>>) target(%dma_start3A_108 : memref<32x1024xf32, #tpu.memory_space<hbm>>) target_semaphore(%arg12 : memref<!tpu.dma_semaphore, #tpu.memory_space<semaphore_mem>>)
    %dma_wait3A_109 = arith.constant 1 : i32
    %dma_wait3A_110 = arith.constant 0 : i32
    %dma_wait3A_111 = tpu.memref_slice %arg2[%dma_wait3A_109, %add3A_92, %dma_wait3A_110] : memref<4x2048x1024xf32, #tpu.memory_space<hbm>> -> memref<1x32x1024xf32, #tpu.memory_space<hbm>>
    %dma_wait3A_112 = tpu.memref_squeeze %dma_wait3A_111 : memref<1x32x1024xf32, #tpu.memory_space<hbm>> -> memref<32x1024xf32, #tpu.memory_space<hbm>>
    %dma_wait3A_113 = arith.constant 0 : i32
    %dma_wait3A_114 = tpu.memref_slice %arg2[%dma_wait3A_109, %add3A_92, %dma_wait3A_113] : memref<4x2048x1024xf32, #tpu.memory_space<hbm>> -> memref<1x32x1024xf32, #tpu.memory_space<hbm>>
    %dma_wait3A_115 = tpu.memref_squeeze %dma_wait3A_114 : memref<1x32x1024xf32, #tpu.memory_space<hbm>> -> memref<32x1024xf32, #tpu.memory_space<hbm>>
    tpu.wait_dma2 semaphore(%arg11 : memref<!tpu.dma_semaphore, #tpu.memory_space<semaphore_mem>>) src(%dma_wait3A_115 : memref<32x1024xf32, #tpu.memory_space<hbm>>) dst(%arg7 : memref<32x1024xf32, #tpu.memory_space<vmem>>)
    %dma_wait3A_116 = arith.constant 1 : i32
    %dma_wait3A_117 = arith.constant 0 : i32
    %dma_wait3A_118 = tpu.memref_slice %arg5[%add3A_101, %dma_wait3A_116, %dma_wait3A_117] : memref<2177x4x1024xf32, #tpu.memory_space<hbm>> -> memref<32x1x1024xf32, #tpu.memory_space<hbm>>
    %dma_wait3A_119 = tpu.memref_squeeze %dma_wait3A_118 : memref<32x1x1024xf32, #tpu.memory_space<hbm>> -> memref<32x1024xf32, #tpu.memory_space<hbm>>
    %dma_wait3A_120 = arith.constant 0 : i32
    %dma_wait3A_121 = tpu.memref_slice %arg5[%add3A_101, %dma_wait3A_116, %dma_wait3A_120] : memref<2177x4x1024xf32, #tpu.memory_space<hbm>> -> memref<32x1x1024xf32, #tpu.memory_space<hbm>>
    %dma_wait3A_122 = tpu.memref_squeeze %dma_wait3A_121 : memref<32x1x1024xf32, #tpu.memory_space<hbm>> -> memref<32x1024xf32, #tpu.memory_space<hbm>>
    tpu.wait_dma2 semaphore(%arg12 : memref<!tpu.dma_semaphore, #tpu.memory_space<semaphore_mem>>) src(%arg6 : memref<32x1024xf32, #tpu.memory_space<vmem>>) dst(%dma_wait3A_122 : memref<32x1024xf32, #tpu.memory_space<hbm>>)
    %add3A_123 = arith.constant 0 : i32
    %add3A_124 = arith.addi %multiple_of3A, %add3A_123 : i32
    %dma_start3A_125 = arith.constant 2 : i32
    %dma_start3A_126 = arith.constant 0 : i32
    %dma_start3A_127 = tpu.memref_slice %arg2[%dma_start3A_125, %add3A_124, %dma_start3A_126] : memref<4x2048x1024xf32, #tpu.memory_space<hbm>> -> memref<1x32x1024xf32, #tpu.memory_space<hbm>>
    %dma_start3A_128 = tpu.memref_squeeze %dma_start3A_127 : memref<1x32x1024xf32, #tpu.memory_space<hbm>> -> memref<32x1024xf32, #tpu.memory_space<hbm>>
    %dma_start3A_129 = arith.constant 0 : i32
    %dma_start3A_130 = tpu.memref_slice %arg2[%dma_start3A_125, %add3A_124, %dma_start3A_129] : memref<4x2048x1024xf32, #tpu.memory_space<hbm>> -> memref<1x32x1024xf32, #tpu.memory_space<hbm>>
    %dma_start3A_131 = tpu.memref_squeeze %dma_start3A_130 : memref<1x32x1024xf32, #tpu.memory_space<hbm>> -> memref<32x1024xf32, #tpu.memory_space<hbm>>
    tpu.enqueue_dma source(%dma_start3A_131 : memref<32x1024xf32, #tpu.memory_space<hbm>>) target(%arg6 : memref<32x1024xf32, #tpu.memory_space<vmem>>) target_semaphore(%arg11 : memref<!tpu.dma_semaphore, #tpu.memory_space<semaphore_mem>>)
    %add3A_132 = arith.constant 32 : i32
    %add3A_133 = arith.addi %add3A_12, %add3A_132 : i32
    %dma_start3A_134 = arith.constant 1 : i32
    %dma_start3A_135 = arith.constant 0 : i32
    %dma_start3A_136 = tpu.memref_slice %arg5[%add3A_133, %dma_start3A_134, %dma_start3A_135] : memref<2177x4x1024xf32, #tpu.memory_space<hbm>> -> memref<32x1x1024xf32, #tpu.memory_space<hbm>>
    %dma_start3A_137 = tpu.memref_squeeze %dma_start3A_136 : memref<32x1x1024xf32, #tpu.memory_space<hbm>> -> memref<32x1024xf32, #tpu.memory_space<hbm>>
    %dma_start3A_138 = arith.constant 0 : i32
    %dma_start3A_139 = tpu.memref_slice %arg5[%add3A_133, %dma_start3A_134, %dma_start3A_138] : memref<2177x4x1024xf32, #tpu.memory_space<hbm>> -> memref<32x1x1024xf32, #tpu.memory_space<hbm>>
    %dma_start3A_140 = tpu.memref_squeeze %dma_start3A_139 : memref<32x1x1024xf32, #tpu.memory_space<hbm>> -> memref<32x1024xf32, #tpu.memory_space<hbm>>
    tpu.enqueue_dma source(%arg7 : memref<32x1024xf32, #tpu.memory_space<vmem>>) target(%dma_start3A_140 : memref<32x1024xf32, #tpu.memory_space<hbm>>) target_semaphore(%arg12 : memref<!tpu.dma_semaphore, #tpu.memory_space<semaphore_mem>>)
    %dma_wait3A_141 = arith.constant 2 : i32
    %dma_wait3A_142 = arith.constant 0 : i32
    %dma_wait3A_143 = tpu.memref_slice %arg2[%dma_wait3A_141, %add3A_124, %dma_wait3A_142] : memref<4x2048x1024xf32, #tpu.memory_space<hbm>> -> memref<1x32x1024xf32, #tpu.memory_space<hbm>>
    %dma_wait3A_144 = tpu.memref_squeeze %dma_wait3A_143 : memref<1x32x1024xf32, #tpu.memory_space<hbm>> -> memref<32x1024xf32, #tpu.memory_space<hbm>>
    %dma_wait3A_145 = arith.constant 0 : i32
    %dma_wait3A_146 = tpu.memref_slice %arg2[%dma_wait3A_141, %add3A_124, %dma_wait3A_145] : memref<4x2048x1024xf32, #tpu.memory_space<hbm>> -> memref<1x32x1024xf32, #tpu.memory_space<hbm>>
    %dma_wait3A_147 = tpu.memref_squeeze %dma_wait3A_146 : memref<1x32x1024xf32, #tpu.memory_space<hbm>> -> memref<32x1024xf32, #tpu.memory_space<hbm>>
    tpu.wait_dma2 semaphore(%arg11 : memref<!tpu.dma_semaphore, #tpu.memory_space<semaphore_mem>>) src(%dma_wait3A_147 : memref<32x1024xf32, #tpu.memory_space<hbm>>) dst(%arg6 : memref<32x1024xf32, #tpu.memory_space<vmem>>)
    %dma_wait3A_148 = arith.constant 1 : i32
    %dma_wait3A_149 = arith.constant 0 : i32
    %dma_wait3A_150 = tpu.memref_slice %arg5[%add3A_133, %dma_wait3A_148, %dma_wait3A_149] : memref<2177x4x1024xf32, #tpu.memory_space<hbm>> -> memref<32x1x1024xf32, #tpu.memory_space<hbm>>
    %dma_wait3A_151 = tpu.memref_squeeze %dma_wait3A_150 : memref<32x1x1024xf32, #tpu.memory_space<hbm>> -> memref<32x1024xf32, #tpu.memory_space<hbm>>
    %dma_wait3A_152 = arith.constant 0 : i32
    %dma_wait3A_153 = tpu.memref_slice %arg5[%add3A_133, %dma_wait3A_148, %dma_wait3A_152] : memref<2177x4x1024xf32, #tpu.memory_space<hbm>> -> memref<32x1x1024xf32, #tpu.memory_space<hbm>>
    %dma_wait3A_154 = tpu.memref_squeeze %dma_wait3A_153 : memref<32x1x1024xf32, #tpu.memory_space<hbm>> -> memref<32x1024xf32, #tpu.memory_space<hbm>>
    tpu.wait_dma2 semaphore(%arg12 : memref<!tpu.dma_semaphore, #tpu.memory_space<semaphore_mem>>) src(%arg7 : memref<32x1024xf32, #tpu.memory_space<vmem>>) dst(%dma_wait3A_154 : memref<32x1024xf32, #tpu.memory_space<hbm>>)
    %add3A_155 = arith.constant 32 : i32
    %add3A_156 = arith.addi %multiple_of3A, %add3A_155 : i32
    %dma_start3A_157 = arith.constant 2 : i32
    %dma_start3A_158 = arith.constant 0 : i32
    %dma_start3A_159 = tpu.memref_slice %arg2[%dma_start3A_157, %add3A_156, %dma_start3A_158] : memref<4x2048x1024xf32, #tpu.memory_space<hbm>> -> memref<1x32x1024xf32, #tpu.memory_space<hbm>>
    %dma_start3A_160 = tpu.memref_squeeze %dma_start3A_159 : memref<1x32x1024xf32, #tpu.memory_space<hbm>> -> memref<32x1024xf32, #tpu.memory_space<hbm>>
    %dma_start3A_161 = arith.constant 0 : i32
    %dma_start3A_162 = tpu.memref_slice %arg2[%dma_start3A_157, %add3A_156, %dma_start3A_161] : memref<4x2048x1024xf32, #tpu.memory_space<hbm>> -> memref<1x32x1024xf32, #tpu.memory_space<hbm>>
    %dma_start3A_163 = tpu.memref_squeeze %dma_start3A_162 : memref<1x32x1024xf32, #tpu.memory_space<hbm>> -> memref<32x1024xf32, #tpu.memory_space<hbm>>
    tpu.enqueue_dma source(%dma_start3A_163 : memref<32x1024xf32, #tpu.memory_space<hbm>>) target(%arg7 : memref<32x1024xf32, #tpu.memory_space<vmem>>) target_semaphore(%arg11 : memref<!tpu.dma_semaphore, #tpu.memory_space<semaphore_mem>>)
    %add3A_164 = arith.constant 0 : i32
    %add3A_165 = arith.addi %add3A_12, %add3A_164 : i32
    %dma_start3A_166 = arith.constant 2 : i32
    %dma_start3A_167 = arith.constant 0 : i32
    %dma_start3A_168 = tpu.memref_slice %arg5[%add3A_165, %dma_start3A_166, %dma_start3A_167] : memref<2177x4x1024xf32, #tpu.memory_space<hbm>> -> memref<32x1x1024xf32, #tpu.memory_space<hbm>>
    %dma_start3A_169 = tpu.memref_squeeze %dma_start3A_168 : memref<32x1x1024xf32, #tpu.memory_space<hbm>> -> memref<32x1024xf32, #tpu.memory_space<hbm>>
    %dma_start3A_170 = arith.constant 0 : i32
    %dma_start3A_171 = tpu.memref_slice %arg5[%add3A_165, %dma_start3A_166, %dma_start3A_170] : memref<2177x4x1024xf32, #tpu.memory_space<hbm>> -> memref<32x1x1024xf32, #tpu.memory_space<hbm>>
    %dma_start3A_172 = tpu.memref_squeeze %dma_start3A_171 : memref<32x1x1024xf32, #tpu.memory_space<hbm>> -> memref<32x1024xf32, #tpu.memory_space<hbm>>
    tpu.enqueue_dma source(%arg6 : memref<32x1024xf32, #tpu.memory_space<vmem>>) target(%dma_start3A_172 : memref<32x1024xf32, #tpu.memory_space<hbm>>) target_semaphore(%arg12 : memref<!tpu.dma_semaphore, #tpu.memory_space<semaphore_mem>>)
    %dma_wait3A_173 = arith.constant 2 : i32
    %dma_wait3A_174 = arith.constant 0 : i32
    %dma_wait3A_175 = tpu.memref_slice %arg2[%dma_wait3A_173, %add3A_156, %dma_wait3A_174] : memref<4x2048x1024xf32, #tpu.memory_space<hbm>> -> memref<1x32x1024xf32, #tpu.memory_space<hbm>>
    %dma_wait3A_176 = tpu.memref_squeeze %dma_wait3A_175 : memref<1x32x1024xf32, #tpu.memory_space<hbm>> -> memref<32x1024xf32, #tpu.memory_space<hbm>>
    %dma_wait3A_177 = arith.constant 0 : i32
    %dma_wait3A_178 = tpu.memref_slice %arg2[%dma_wait3A_173, %add3A_156, %dma_wait3A_177] : memref<4x2048x1024xf32, #tpu.memory_space<hbm>> -> memref<1x32x1024xf32, #tpu.memory_space<hbm>>
    %dma_wait3A_179 = tpu.memref_squeeze %dma_wait3A_178 : memref<1x32x1024xf32, #tpu.memory_space<hbm>> -> memref<32x1024xf32, #tpu.memory_space<hbm>>
    tpu.wait_dma2 semaphore(%arg11 : memref<!tpu.dma_semaphore, #tpu.memory_space<semaphore_mem>>) src(%dma_wait3A_179 : memref<32x1024xf32, #tpu.memory_space<hbm>>) dst(%arg7 : memref<32x1024xf32, #tpu.memory_space<vmem>>)
    %dma_wait3A_180 = arith.constant 2 : i32
    %dma_wait3A_181 = arith.constant 0 : i32
    %dma_wait3A_182 = tpu.memref_slice %arg5[%add3A_165, %dma_wait3A_180, %dma_wait3A_181] : memref<2177x4x1024xf32, #tpu.memory_space<hbm>> -> memref<32x1x1024xf32, #tpu.memory_space<hbm>>
    %dma_wait3A_183 = tpu.memref_squeeze %dma_wait3A_182 : memref<32x1x1024xf32, #tpu.memory_space<hbm>> -> memref<32x1024xf32, #tpu.memory_space<hbm>>
    %dma_wait3A_184 = arith.constant 0 : i32
    %dma_wait3A_185 = tpu.memref_slice %arg5[%add3A_165, %dma_wait3A_180, %dma_wait3A_184] : memref<2177x4x1024xf32, #tpu.memory_space<hbm>> -> memref<32x1x1024xf32, #tpu.memory_space<hbm>>
    %dma_wait3A_186 = tpu.memref_squeeze %dma_wait3A_185 : memref<32x1x1024xf32, #tpu.memory_space<hbm>> -> memref<32x1024xf32, #tpu.memory_space<hbm>>
    tpu.wait_dma2 semaphore(%arg12 : memref<!tpu.dma_semaphore, #tpu.memory_space<semaphore_mem>>) src(%arg6 : memref<32x1024xf32, #tpu.memory_space<vmem>>) dst(%dma_wait3A_186 : memref<32x1024xf32, #tpu.memory_space<hbm>>)
    %add3A_187 = arith.constant 0 : i32
    %add3A_188 = arith.addi %multiple_of3A, %add3A_187 : i32
    %dma_start3A_189 = arith.constant 3 : i32
    %dma_start3A_190 = arith.constant 0 : i32
    %dma_start3A_191 = tpu.memref_slice %arg2[%dma_start3A_189, %add3A_188, %dma_start3A_190] : memref<4x2048x1024xf32, #tpu.memory_space<hbm>> -> memref<1x32x1024xf32, #tpu.memory_space<hbm>>
    %dma_start3A_192 = tpu.memref_squeeze %dma_start3A_191 : memref<1x32x1024xf32, #tpu.memory_space<hbm>> -> memref<32x1024xf32, #tpu.memory_space<hbm>>
    %dma_start3A_193 = arith.constant 0 : i32
    %dma_start3A_194 = tpu.memref_slice %arg2[%dma_start3A_189, %add3A_188, %dma_start3A_193] : memref<4x2048x1024xf32, #tpu.memory_space<hbm>> -> memref<1x32x1024xf32, #tpu.memory_space<hbm>>
    %dma_start3A_195 = tpu.memref_squeeze %dma_start3A_194 : memref<1x32x1024xf32, #tpu.memory_space<hbm>> -> memref<32x1024xf32, #tpu.memory_space<hbm>>
    tpu.enqueue_dma source(%dma_start3A_195 : memref<32x1024xf32, #tpu.memory_space<hbm>>) target(%arg6 : memref<32x1024xf32, #tpu.memory_space<vmem>>) target_semaphore(%arg11 : memref<!tpu.dma_semaphore, #tpu.memory_space<semaphore_mem>>)
    %add3A_196 = arith.constant 32 : i32
    %add3A_197 = arith.addi %add3A_12, %add3A_196 : i32
    %dma_start3A_198 = arith.constant 2 : i32
    %dma_start3A_199 = arith.constant 0 : i32
    %dma_start3A_200 = tpu.memref_slice %arg5[%add3A_197, %dma_start3A_198, %dma_start3A_199] : memref<2177x4x1024xf32, #tpu.memory_space<hbm>> -> memref<32x1x1024xf32, #tpu.memory_space<hbm>>
    %dma_start3A_201 = tpu.memref_squeeze %dma_start3A_200 : memref<32x1x1024xf32, #tpu.memory_space<hbm>> -> memref<32x1024xf32, #tpu.memory_space<hbm>>
    %dma_start3A_202 = arith.constant 0 : i32
    %dma_start3A_203 = tpu.memref_slice %arg5[%add3A_197, %dma_start3A_198, %dma_start3A_202] : memref<2177x4x1024xf32, #tpu.memory_space<hbm>> -> memref<32x1x1024xf32, #tpu.memory_space<hbm>>
    %dma_start3A_204 = tpu.memref_squeeze %dma_start3A_203 : memref<32x1x1024xf32, #tpu.memory_space<hbm>> -> memref<32x1024xf32, #tpu.memory_space<hbm>>
    tpu.enqueue_dma source(%arg7 : memref<32x1024xf32, #tpu.memory_space<vmem>>) target(%dma_start3A_204 : memref<32x1024xf32, #tpu.memory_space<hbm>>) target_semaphore(%arg12 : memref<!tpu.dma_semaphore, #tpu.memory_space<semaphore_mem>>)
    %dma_wait3A_205 = arith.constant 3 : i32
    %dma_wait3A_206 = arith.constant 0 : i32
    %dma_wait3A_207 = tpu.memref_slice %arg2[%dma_wait3A_205, %add3A_188, %dma_wait3A_206] : memref<4x2048x1024xf32, #tpu.memory_space<hbm>> -> memref<1x32x1024xf32, #tpu.memory_space<hbm>>
    %dma_wait3A_208 = tpu.memref_squeeze %dma_wait3A_207 : memref<1x32x1024xf32, #tpu.memory_space<hbm>> -> memref<32x1024xf32, #tpu.memory_space<hbm>>
    %dma_wait3A_209 = arith.constant 0 : i32
    %dma_wait3A_210 = tpu.memref_slice %arg2[%dma_wait3A_205, %add3A_188, %dma_wait3A_209] : memref<4x2048x1024xf32, #tpu.memory_space<hbm>> -> memref<1x32x1024xf32, #tpu.memory_space<hbm>>
    %dma_wait3A_211 = tpu.memref_squeeze %dma_wait3A_210 : memref<1x32x1024xf32, #tpu.memory_space<hbm>> -> memref<32x1024xf32, #tpu.memory_space<hbm>>
    tpu.wait_dma2 semaphore(%arg11 : memref<!tpu.dma_semaphore, #tpu.memory_space<semaphore_mem>>) src(%dma_wait3A_211 : memref<32x1024xf32, #tpu.memory_space<hbm>>) dst(%arg6 : memref<32x1024xf32, #tpu.memory_space<vmem>>)
    %dma_wait3A_212 = arith.constant 2 : i32
    %dma_wait3A_213 = arith.constant 0 : i32
    %dma_wait3A_214 = tpu.memref_slice %arg5[%add3A_197, %dma_wait3A_212, %dma_wait3A_213] : memref<2177x4x1024xf32, #tpu.memory_space<hbm>> -> memref<32x1x1024xf32, #tpu.memory_space<hbm>>
    %dma_wait3A_215 = tpu.memref_squeeze %dma_wait3A_214 : memref<32x1x1024xf32, #tpu.memory_space<hbm>> -> memref<32x1024xf32, #tpu.memory_space<hbm>>
    %dma_wait3A_216 = arith.constant 0 : i32
    %dma_wait3A_217 = tpu.memref_slice %arg5[%add3A_197, %dma_wait3A_212, %dma_wait3A_216] : memref<2177x4x1024xf32, #tpu.memory_space<hbm>> -> memref<32x1x1024xf32, #tpu.memory_space<hbm>>
    %dma_wait3A_218 = tpu.memref_squeeze %dma_wait3A_217 : memref<32x1x1024xf32, #tpu.memory_space<hbm>> -> memref<32x1024xf32, #tpu.memory_space<hbm>>
    tpu.wait_dma2 semaphore(%arg12 : memref<!tpu.dma_semaphore, #tpu.memory_space<semaphore_mem>>) src(%arg7 : memref<32x1024xf32, #tpu.memory_space<vmem>>) dst(%dma_wait3A_218 : memref<32x1024xf32, #tpu.memory_space<hbm>>)
    %add3A_219 = arith.constant 32 : i32
    %add3A_220 = arith.addi %multiple_of3A, %add3A_219 : i32
    %dma_start3A_221 = arith.constant 3 : i32
    %dma_start3A_222 = arith.constant 0 : i32
    %dma_start3A_223 = tpu.memref_slice %arg2[%dma_start3A_221, %add3A_220, %dma_start3A_222] : memref<4x2048x1024xf32, #tpu.memory_space<hbm>> -> memref<1x32x1024xf32, #tpu.memory_space<hbm>>
    %dma_start3A_224 = tpu.memref_squeeze %dma_start3A_223 : memref<1x32x1024xf32, #tpu.memory_space<hbm>> -> memref<32x1024xf32, #tpu.memory_space<hbm>>
    %dma_start3A_225 = arith.constant 0 : i32
    %dma_start3A_226 = tpu.memref_slice %arg2[%dma_start3A_221, %add3A_220, %dma_start3A_225] : memref<4x2048x1024xf32, #tpu.memory_space<hbm>> -> memref<1x32x1024xf32, #tpu.memory_space<hbm>>
    %dma_start3A_227 = tpu.memref_squeeze %dma_start3A_226 : memref<1x32x1024xf32, #tpu.memory_space<hbm>> -> memref<32x1024xf32, #tpu.memory_space<hbm>>
    tpu.enqueue_dma source(%dma_start3A_227 : memref<32x1024xf32, #tpu.memory_space<hbm>>) target(%arg7 : memref<32x1024xf32, #tpu.memory_space<vmem>>) target_semaphore(%arg11 : memref<!tpu.dma_semaphore, #tpu.memory_space<semaphore_mem>>)
    %add3A_228 = arith.constant 0 : i32
    %add3A_229 = arith.addi %add3A_12, %add3A_228 : i32
    %dma_start3A_230 = arith.constant 3 : i32
    %dma_start3A_231 = arith.constant 0 : i32
    %dma_start3A_232 = tpu.memref_slice %arg5[%add3A_229, %dma_start3A_230, %dma_start3A_231] : memref<2177x4x1024xf32, #tpu.memory_space<hbm>> -> memref<32x1x1024xf32, #tpu.memory_space<hbm>>
    %dma_start3A_233 = tpu.memref_squeeze %dma_start3A_232 : memref<32x1x1024xf32, #tpu.memory_space<hbm>> -> memref<32x1024xf32, #tpu.memory_space<hbm>>
    %dma_start3A_234 = arith.constant 0 : i32
    %dma_start3A_235 = tpu.memref_slice %arg5[%add3A_229, %dma_start3A_230, %dma_start3A_234] : memref<2177x4x1024xf32, #tpu.memory_space<hbm>> -> memref<32x1x1024xf32, #tpu.memory_space<hbm>>
    %dma_start3A_236 = tpu.memref_squeeze %dma_start3A_235 : memref<32x1x1024xf32, #tpu.memory_space<hbm>> -> memref<32x1024xf32, #tpu.memory_space<hbm>>
    tpu.enqueue_dma source(%arg6 : memref<32x1024xf32, #tpu.memory_space<vmem>>) target(%dma_start3A_236 : memref<32x1024xf32, #tpu.memory_space<hbm>>) target_semaphore(%arg12 : memref<!tpu.dma_semaphore, #tpu.memory_space<semaphore_mem>>)
    %dma_wait3A_237 = arith.constant 3 : i32
    %dma_wait3A_238 = arith.constant 0 : i32
    %dma_wait3A_239 = tpu.memref_slice %arg2[%dma_wait3A_237, %add3A_220, %dma_wait3A_238] : memref<4x2048x1024xf32, #tpu.memory_space<hbm>> -> memref<1x32x1024xf32, #tpu.memory_space<hbm>>
    %dma_wait3A_240 = tpu.memref_squeeze %dma_wait3A_239 : memref<1x32x1024xf32, #tpu.memory_space<hbm>> -> memref<32x1024xf32, #tpu.memory_space<hbm>>
    %dma_wait3A_241 = arith.constant 0 : i32
    %dma_wait3A_242 = tpu.memref_slice %arg2[%dma_wait3A_237, %add3A_220, %dma_wait3A_241] : memref<4x2048x1024xf32, #tpu.memory_space<hbm>> -> memref<1x32x1024xf32, #tpu.memory_space<hbm>>
    %dma_wait3A_243 = tpu.memref_squeeze %dma_wait3A_242 : memref<1x32x1024xf32, #tpu.memory_space<hbm>> -> memref<32x1024xf32, #tpu.memory_space<hbm>>
    tpu.wait_dma2 semaphore(%arg11 : memref<!tpu.dma_semaphore, #tpu.memory_space<semaphore_mem>>) src(%dma_wait3A_243 : memref<32x1024xf32, #tpu.memory_space<hbm>>) dst(%arg7 : memref<32x1024xf32, #tpu.memory_space<vmem>>)
    %dma_wait3A_244 = arith.constant 3 : i32
    %dma_wait3A_245 = arith.constant 0 : i32
    %dma_wait3A_246 = tpu.memref_slice %arg5[%add3A_229, %dma_wait3A_244, %dma_wait3A_245] : memref<2177x4x1024xf32, #tpu.memory_space<hbm>> -> memref<32x1x1024xf32, #tpu.memory_space<hbm>>
    %dma_wait3A_247 = tpu.memref_squeeze %dma_wait3A_246 : memref<32x1x1024xf32, #tpu.memory_space<hbm>> -> memref<32x1024xf32, #tpu.memory_space<hbm>>
    %dma_wait3A_248 = arith.constant 0 : i32
    %dma_wait3A_249 = tpu.memref_slice %arg5[%add3A_229, %dma_wait3A_244, %dma_wait3A_248] : memref<2177x4x1024xf32, #tpu.memory_space<hbm>> -> memref<32x1x1024xf32, #tpu.memory_space<hbm>>
    %dma_wait3A_250 = tpu.memref_squeeze %dma_wait3A_249 : memref<32x1x1024xf32, #tpu.memory_space<hbm>> -> memref<32x1024xf32, #tpu.memory_space<hbm>>
    tpu.wait_dma2 semaphore(%arg12 : memref<!tpu.dma_semaphore, #tpu.memory_space<semaphore_mem>>) src(%arg6 : memref<32x1024xf32, #tpu.memory_space<vmem>>) dst(%dma_wait3A_250 : memref<32x1024xf32, #tpu.memory_space<hbm>>)
    %add3A_251 = arith.constant 32 : i32
    %add3A_252 = arith.addi %add3A_12, %add3A_251 : i32
    %dma_start3A_253 = arith.constant 3 : i32
    %dma_start3A_254 = arith.constant 0 : i32
    %dma_start3A_255 = tpu.memref_slice %arg5[%add3A_252, %dma_start3A_253, %dma_start3A_254] : memref<2177x4x1024xf32, #tpu.memory_space<hbm>> -> memref<32x1x1024xf32, #tpu.memory_space<hbm>>
    %dma_start3A_256 = tpu.memref_squeeze %dma_start3A_255 : memref<32x1x1024xf32, #tpu.memory_space<hbm>> -> memref<32x1024xf32, #tpu.memory_space<hbm>>
    %dma_start3A_257 = arith.constant 0 : i32
    %dma_start3A_258 = tpu.memref_slice %arg5[%add3A_252, %dma_start3A_253, %dma_start3A_257] : memref<2177x4x1024xf32, #tpu.memory_space<hbm>> -> memref<32x1x1024xf32, #tpu.memory_space<hbm>>
    %dma_start3A_259 = tpu.memref_squeeze %dma_start3A_258 : memref<32x1x1024xf32, #tpu.memory_space<hbm>> -> memref<32x1024xf32, #tpu.memory_space<hbm>>
    tpu.enqueue_dma source(%arg7 : memref<32x1024xf32, #tpu.memory_space<vmem>>) target(%dma_start3A_259 : memref<32x1024xf32, #tpu.memory_space<hbm>>) target_semaphore(%arg12 : memref<!tpu.dma_semaphore, #tpu.memory_space<semaphore_mem>>)
    %dma_wait3A_260 = arith.constant 3 : i32
    %dma_wait3A_261 = arith.constant 0 : i32
    %dma_wait3A_262 = tpu.memref_slice %arg5[%add3A_252, %dma_wait3A_260, %dma_wait3A_261] : memref<2177x4x1024xf32, #tpu.memory_space<hbm>> -> memref<32x1x1024xf32, #tpu.memory_space<hbm>>
    %dma_wait3A_263 = tpu.memref_squeeze %dma_wait3A_262 : memref<32x1x1024xf32, #tpu.memory_space<hbm>> -> memref<32x1024xf32, #tpu.memory_space<hbm>>
    %dma_wait3A_264 = arith.constant 0 : i32
    %dma_wait3A_265 = tpu.memref_slice %arg5[%add3A_252, %dma_wait3A_260, %dma_wait3A_264] : memref<2177x4x1024xf32, #tpu.memory_space<hbm>> -> memref<32x1x1024xf32, #tpu.memory_space<hbm>>
    %dma_wait3A_266 = tpu.memref_squeeze %dma_wait3A_265 : memref<32x1x1024xf32, #tpu.memory_space<hbm>> -> memref<32x1024xf32, #tpu.memory_space<hbm>>
    tpu.wait_dma2 semaphore(%arg12 : memref<!tpu.dma_semaphore, #tpu.memory_space<semaphore_mem>>) src(%arg7 : memref<32x1024xf32, #tpu.memory_space<vmem>>) dst(%dma_wait3A_266 : memref<32x1024xf32, #tpu.memory_space<hbm>>)
    %lt3A_267 = arith.constant 8 : i32
    %lt3A_268 = arith.cmpi slt, %add3A, %lt3A_267 : i32
    %convert_element_type3A_269 = arith.extui %lt3A_268 : i1 to i32
    %cond3A_270 = arith.constant 0 : i32
    %cond3A_271 = arith.cmpi ne, %convert_element_type3A_269, %cond3A_270 : i32
    scf.if %cond3A_271 {
      %mul3A_277 = arith.constant 16 : i32
      %mul3A_278 = arith.muli %add3A, %mul3A_277 : i32
      %multiple_of3A_279 = tpu.assume_multiple %mul3A_278, 8 : i32
      %add3A_280 = arith.constant 1 : i32
      %add3A_281 = arith.addi %add3A_280, %multiple_of3A_279 : i32
      %dma_wait3A_282 = arith.constant 0 : i32
      %dma_wait3A_283 = arith.constant 0 : i32
      %dma_wait3A_284 = tpu.memref_slice %arg5[%add3A_281, %dma_wait3A_282, %dma_wait3A_283] : memref<2177x4x1024xf32, #tpu.memory_space<hbm>> -> memref<16x1x1024xf32, #tpu.memory_space<hbm>>
      %dma_wait3A_285 = tpu.memref_squeeze %dma_wait3A_284 : memref<16x1x1024xf32, #tpu.memory_space<hbm>> -> memref<16x1024xf32, #tpu.memory_space<hbm>>
      %dma_wait3A_286 = arith.constant 0 : i32
      %dma_wait3A_287 = tpu.memref_slice %arg5[%add3A_281, %dma_wait3A_282, %dma_wait3A_286] : memref<2177x4x1024xf32, #tpu.memory_space<hbm>> -> memref<16x1x1024xf32, #tpu.memory_space<hbm>>
      %dma_wait3A_288 = tpu.memref_squeeze %dma_wait3A_287 : memref<16x1x1024xf32, #tpu.memory_space<hbm>> -> memref<16x1024xf32, #tpu.memory_space<hbm>>
      tpu.wait_dma2 semaphore(%arg13 : memref<!tpu.dma_semaphore, #tpu.memory_space<semaphore_mem>>) src(%arg8 : memref<16x1024xf32, #tpu.memory_space<vmem>>) dst(%dma_wait3A_288 : memref<16x1024xf32, #tpu.memory_space<hbm>>)
      %add3A_289 = arith.constant 1 : i32
      %add3A_290 = arith.addi %add3A_289, %multiple_of3A_279 : i32
      %dma_wait3A_291 = arith.constant 1 : i32
      %dma_wait3A_292 = arith.constant 0 : i32
      %dma_wait3A_293 = tpu.memref_slice %arg5[%add3A_290, %dma_wait3A_291, %dma_wait3A_292] : memref<2177x4x1024xf32, #tpu.memory_space<hbm>> -> memref<16x1x1024xf32, #tpu.memory_space<hbm>>
      %dma_wait3A_294 = tpu.memref_squeeze %dma_wait3A_293 : memref<16x1x1024xf32, #tpu.memory_space<hbm>> -> memref<16x1024xf32, #tpu.memory_space<hbm>>
      %dma_wait3A_295 = arith.constant 0 : i32
      %dma_wait3A_296 = tpu.memref_slice %arg5[%add3A_290, %dma_wait3A_291, %dma_wait3A_295] : memref<2177x4x1024xf32, #tpu.memory_space<hbm>> -> memref<16x1x1024xf32, #tpu.memory_space<hbm>>
      %dma_wait3A_297 = tpu.memref_squeeze %dma_wait3A_296 : memref<16x1x1024xf32, #tpu.memory_space<hbm>> -> memref<16x1024xf32, #tpu.memory_space<hbm>>
      tpu.wait_dma2 semaphore(%arg13 : memref<!tpu.dma_semaphore, #tpu.memory_space<semaphore_mem>>) src(%arg8 : memref<16x1024xf32, #tpu.memory_space<vmem>>) dst(%dma_wait3A_297 : memref<16x1024xf32, #tpu.memory_space<hbm>>)
      %add3A_298 = arith.constant 1 : i32
      %add3A_299 = arith.addi %add3A_298, %multiple_of3A_279 : i32
      %dma_wait3A_300 = arith.constant 2 : i32
      %dma_wait3A_301 = arith.constant 0 : i32
      %dma_wait3A_302 = tpu.memref_slice %arg5[%add3A_299, %dma_wait3A_300, %dma_wait3A_301] : memref<2177x4x1024xf32, #tpu.memory_space<hbm>> -> memref<16x1x1024xf32, #tpu.memory_space<hbm>>
      %dma_wait3A_303 = tpu.memref_squeeze %dma_wait3A_302 : memref<16x1x1024xf32, #tpu.memory_space<hbm>> -> memref<16x1024xf32, #tpu.memory_space<hbm>>
      %dma_wait3A_304 = arith.constant 0 : i32
      %dma_wait3A_305 = tpu.memref_slice %arg5[%add3A_299, %dma_wait3A_300, %dma_wait3A_304] : memref<2177x4x1024xf32, #tpu.memory_space<hbm>> -> memref<16x1x1024xf32, #tpu.memory_space<hbm>>
      %dma_wait3A_306 = tpu.memref_squeeze %dma_wait3A_305 : memref<16x1x1024xf32, #tpu.memory_space<hbm>> -> memref<16x1024xf32, #tpu.memory_space<hbm>>
      tpu.wait_dma2 semaphore(%arg13 : memref<!tpu.dma_semaphore, #tpu.memory_space<semaphore_mem>>) src(%arg8 : memref<16x1024xf32, #tpu.memory_space<vmem>>) dst(%dma_wait3A_306 : memref<16x1024xf32, #tpu.memory_space<hbm>>)
      %add3A_307 = arith.constant 1 : i32
      %add3A_308 = arith.addi %add3A_307, %multiple_of3A_279 : i32
      %dma_wait3A_309 = arith.constant 3 : i32
      %dma_wait3A_310 = arith.constant 0 : i32
      %dma_wait3A_311 = tpu.memref_slice %arg5[%add3A_308, %dma_wait3A_309, %dma_wait3A_310] : memref<2177x4x1024xf32, #tpu.memory_space<hbm>> -> memref<16x1x1024xf32, #tpu.memory_space<hbm>>
      %dma_wait3A_312 = tpu.memref_squeeze %dma_wait3A_311 : memref<16x1x1024xf32, #tpu.memory_space<hbm>> -> memref<16x1024xf32, #tpu.memory_space<hbm>>
      %dma_wait3A_313 = arith.constant 0 : i32
      %dma_wait3A_314 = tpu.memref_slice %arg5[%add3A_308, %dma_wait3A_309, %dma_wait3A_313] : memref<2177x4x1024xf32, #tpu.memory_space<hbm>> -> memref<16x1x1024xf32, #tpu.memory_space<hbm>>
      %dma_wait3A_315 = tpu.memref_squeeze %dma_wait3A_314 : memref<16x1x1024xf32, #tpu.memory_space<hbm>> -> memref<16x1024xf32, #tpu.memory_space<hbm>>
      tpu.wait_dma2 semaphore(%arg13 : memref<!tpu.dma_semaphore, #tpu.memory_space<semaphore_mem>>) src(%arg8 : memref<16x1024xf32, #tpu.memory_space<vmem>>) dst(%dma_wait3A_315 : memref<16x1024xf32, #tpu.memory_space<hbm>>)
    } else {
    }
    %eq3A_272 = arith.constant 8 : i32
    %eq3A_273 = arith.cmpi eq, %add3A, %eq3A_272 : i32
    %convert_element_type3A_274 = arith.extui %eq3A_273 : i1 to i32
    %cond3A_275 = arith.constant 0 : i32
    %cond3A_276 = arith.cmpi ne, %convert_element_type3A_274, %cond3A_275 : i32
    scf.if %cond3A_276 {
      %dma_wait3A_277 = arith.constant 0 : i32
      %dma_wait3A_278 = arith.constant 0 : i32
      %dma_wait3A_279 = arith.constant 0 : i32
      %dma_wait3A_280 = tpu.memref_slice %arg5[%dma_wait3A_278, %dma_wait3A_277, %dma_wait3A_279] : memref<2177x4x1024xf32, #tpu.memory_space<hbm>> -> memref<1x1x1024xf32, #tpu.memory_space<hbm>>
      %dma_wait3A_281 = tpu.memref_squeeze %dma_wait3A_280 : memref<1x1x1024xf32, #tpu.memory_space<hbm>> -> memref<1x1024xf32, #tpu.memory_space<hbm>>
      %dma_wait3A_282 = arith.constant 0 : i32
      %dma_wait3A_283 = arith.constant 0 : i32
      %dma_wait3A_284 = tpu.memref_slice %arg5[%dma_wait3A_282, %dma_wait3A_277, %dma_wait3A_283] : memref<2177x4x1024xf32, #tpu.memory_space<hbm>> -> memref<1x1x1024xf32, #tpu.memory_space<hbm>>
      %dma_wait3A_285 = tpu.memref_squeeze %dma_wait3A_284 : memref<1x1x1024xf32, #tpu.memory_space<hbm>> -> memref<1x1024xf32, #tpu.memory_space<hbm>>
      tpu.wait_dma2 semaphore(%arg13 : memref<!tpu.dma_semaphore, #tpu.memory_space<semaphore_mem>>) src(%arg10 : memref<1x1024xf32, #tpu.memory_space<vmem>>) dst(%dma_wait3A_285 : memref<1x1024xf32, #tpu.memory_space<hbm>>)
      %dma_wait3A_286 = arith.constant 1 : i32
      %dma_wait3A_287 = arith.constant 0 : i32
      %dma_wait3A_288 = arith.constant 0 : i32
      %dma_wait3A_289 = tpu.memref_slice %arg5[%dma_wait3A_287, %dma_wait3A_286, %dma_wait3A_288] : memref<2177x4x1024xf32, #tpu.memory_space<hbm>> -> memref<1x1x1024xf32, #tpu.memory_space<hbm>>
      %dma_wait3A_290 = tpu.memref_squeeze %dma_wait3A_289 : memref<1x1x1024xf32, #tpu.memory_space<hbm>> -> memref<1x1024xf32, #tpu.memory_space<hbm>>
      %dma_wait3A_291 = arith.constant 0 : i32
      %dma_wait3A_292 = arith.constant 0 : i32
      %dma_wait3A_293 = tpu.memref_slice %arg5[%dma_wait3A_291, %dma_wait3A_286, %dma_wait3A_292] : memref<2177x4x1024xf32, #tpu.memory_space<hbm>> -> memref<1x1x1024xf32, #tpu.memory_space<hbm>>
      %dma_wait3A_294 = tpu.memref_squeeze %dma_wait3A_293 : memref<1x1x1024xf32, #tpu.memory_space<hbm>> -> memref<1x1024xf32, #tpu.memory_space<hbm>>
      tpu.wait_dma2 semaphore(%arg13 : memref<!tpu.dma_semaphore, #tpu.memory_space<semaphore_mem>>) src(%arg10 : memref<1x1024xf32, #tpu.memory_space<vmem>>) dst(%dma_wait3A_294 : memref<1x1024xf32, #tpu.memory_space<hbm>>)
      %dma_wait3A_295 = arith.constant 2 : i32
      %dma_wait3A_296 = arith.constant 0 : i32
      %dma_wait3A_297 = arith.constant 0 : i32
      %dma_wait3A_298 = tpu.memref_slice %arg5[%dma_wait3A_296, %dma_wait3A_295, %dma_wait3A_297] : memref<2177x4x1024xf32, #tpu.memory_space<hbm>> -> memref<1x1x1024xf32, #tpu.memory_space<hbm>>
      %dma_wait3A_299 = tpu.memref_squeeze %dma_wait3A_298 : memref<1x1x1024xf32, #tpu.memory_space<hbm>> -> memref<1x1024xf32, #tpu.memory_space<hbm>>
      %dma_wait3A_300 = arith.constant 0 : i32
      %dma_wait3A_301 = arith.constant 0 : i32
      %dma_wait3A_302 = tpu.memref_slice %arg5[%dma_wait3A_300, %dma_wait3A_295, %dma_wait3A_301] : memref<2177x4x1024xf32, #tpu.memory_space<hbm>> -> memref<1x1x1024xf32, #tpu.memory_space<hbm>>
      %dma_wait3A_303 = tpu.memref_squeeze %dma_wait3A_302 : memref<1x1x1024xf32, #tpu.memory_space<hbm>> -> memref<1x1024xf32, #tpu.memory_space<hbm>>
      tpu.wait_dma2 semaphore(%arg13 : memref<!tpu.dma_semaphore, #tpu.memory_space<semaphore_mem>>) src(%arg10 : memref<1x1024xf32, #tpu.memory_space<vmem>>) dst(%dma_wait3A_303 : memref<1x1024xf32, #tpu.memory_space<hbm>>)
      %dma_wait3A_304 = arith.constant 3 : i32
      %dma_wait3A_305 = arith.constant 0 : i32
      %dma_wait3A_306 = arith.constant 0 : i32
      %dma_wait3A_307 = tpu.memref_slice %arg5[%dma_wait3A_305, %dma_wait3A_304, %dma_wait3A_306] : memref<2177x4x1024xf32, #tpu.memory_space<hbm>> -> memref<1x1x1024xf32, #tpu.memory_space<hbm>>
      %dma_wait3A_308 = tpu.memref_squeeze %dma_wait3A_307 : memref<1x1x1024xf32, #tpu.memory_space<hbm>> -> memref<1x1024xf32, #tpu.memory_space<hbm>>
      %dma_wait3A_309 = arith.constant 0 : i32
      %dma_wait3A_310 = arith.constant 0 : i32
      %dma_wait3A_311 = tpu.memref_slice %arg5[%dma_wait3A_309, %dma_wait3A_304, %dma_wait3A_310] : memref<2177x4x1024xf32, #tpu.memory_space<hbm>> -> memref<1x1x1024xf32, #tpu.memory_space<hbm>>
      %dma_wait3A_312 = tpu.memref_squeeze %dma_wait3A_311 : memref<1x1x1024xf32, #tpu.memory_space<hbm>> -> memref<1x1024xf32, #tpu.memory_space<hbm>>
      tpu.wait_dma2 semaphore(%arg13 : memref<!tpu.dma_semaphore, #tpu.memory_space<semaphore_mem>>) src(%arg10 : memref<1x1024xf32, #tpu.memory_space<vmem>>) dst(%dma_wait3A_312 : memref<1x1024xf32, #tpu.memory_space<hbm>>)
    } else {
    }
    return
  }
}

</mosaic_0001>

<sc_bundles>
// kernel: kernel.3.cloned.1.call-start
scs
__scs_entry_jumppad:
0x0: {  	(pc) =	sbr.rel $0x88, $3  }
0x1: {  	(tag) =	ssettag $0x0;
	lr =	simm.s32 $0x1  }
0x2: {  	[smem:$0x3F9E] =	sst lr;
	_ =	strace $0xD0000000  }
0x3: {  	_ = 	snop  }
0x4: {  	_ = 	snop  }
0x5: {  	_ = 	snop  }
0x6: {  	_ = 	snop  }
0x7: {  	_ = 	snop  }
__scs_overlays_trampoline_lowered:
0x8: {  	[smem:$0x3FAD] =	sst s0  }
0x9: {  	[smem:$0x3FAE] =	sst s1  }
0xa: {  	[smem:$0x3FAF] =	sst s2  }
0xb: {  	[smem:$0x3FB0] =	sst s3  }
0xc: {  	[smem:$0x3FB1] =	sst s4  }
0xd: {  	[smem:$0x3FB2] =	sst s5  }
0xe: {  	[smem:$0x3FB3] =	sst s6  }
0xf: {  	[smem:$0x3FB4] =	sst s7  }
0x10: {  	[smem:$0x3FB5] =	sst s8  }
0x11: {  	[smem:$0x3FB6] =	sst s9;
	s0 =	simm.s32 @!p0 $0x0  }
0x12: {  	s1 =	sld [smem:$0x3F9C];
	s0 =	simm.s32 @p0 $0x1  }
0x13: {  	[smem:$0x3FB7] =	sst s0;
	s0 =	simm.s32 @!p1 $0x0  }
0x14: {  	s2 =	sld [smem:$0x3F9B];
	s0 =	simm.s32 @p1 $0x1  }
0x15: {  	[smem:$0x3FB8] =	sst s0;
	s0 =	simm.s32 @!p2 $0x0  }
0x16: {  	s3 =	sld [smem:$0x3FDB];
	s0 =	simm.s32 @p2 $0x1  }
0x17: {  	s4 =	simm.s32 $0x1BF5;
	[smem:$0x3FBA] =	sst s0  }
0x18: {  	s0 =	sld [smem:$0x3F9D];
	_ =	swait.ge [sflag:s4], $0x0  }
0x19: {  	s7 =	sld [smem:$0x3F9E]  }
0x1a: {  	s8 =	sadd.s32 $0xFFFFE003, lr  }
0x1b: {  	s9 =	sadd.s32 $0xFFFFFEF7, lr;
	s5 =	simm.s32 $0xFFFFFFFF;
	p2 =	slt.u32 s8, $0xFFFFF086  }
0x1c: {  	p1 =	slt.u32 s9, $0xF7A;
	s5 =	simm.s32 @!p2 $0x0  }
0x1d: {  	s5 =	simm.s32 @p1 $0x1;
	p0 =	seq.s32 s7, s2  }
0x1e: {  	s7 =	smul.u32 @!p0 $0xF7A, s2;
	p2 =	seq.s32 @!p0 s5, $0x0  }
0x1f: {  	s9 =	smul.u32 $0xF7A, s1;
	s8 =	simm.s32 @!p0 $0x1BF5;
	p2 =	por !p2, p0  }
0x20: {  	[sflag:s8] =	ssyncset.s32 @!p0 $0xFFFFF086;
	s6 =	sadd.s32 @!p0 s3, s7;
	s7 =	simm.s32 @!p0 $0x108  }
0x21: {  	s3 =	sadd.s32 s3, s9;
	s6 =	sadd.s32 @!p0 $0x88, s6;
	s7 =	simm.s32 @p2 $0x1082  }
0x22: {  	[simem:s7], [sflag:s8] =	dma.local @!p0 [hbm:s6], $0xF7A  }
0x23: {  	s9 =	sor.u32 $0xD0000000, s2;
	s6 =	simm.s32 $0x108;
	_ =	swait.ge @!p0 [sflag:s8], $0x0  }
0x24: {  	s3 =	sadd.s32 $0x88, s3;
	s6 =	simm.s32 @!p1 $0x1082;
	[sflag:s4] =	ssyncset.s32 $0xFFFFF086  }
0x25: {  	[simem:s6], [sflag:s4] =	dma.local [hbm:s3], $0xF7A  }
0x26: {  	[smem:$0x3F9E] =	sst s1;
	(tag) =	ssettag s2;
	_ =	strace s9  }
0x27: {  	s1 =	sld [smem:$0x3FAE]  }
0x28: {  	s2 =	sld [smem:$0x3FAF]  }
0x29: {  	s4 =	sld [smem:$0x3FB1]  }
0x2a: {  	p0 =	seq.s32 s5, $0x0;
	s5 =	sld [smem:$0x3FB2]  }
0x2b: {  	s6 =	sld [smem:$0x3FB3]  }
0x2c: {  	s7 =	sld [smem:$0x3FB4]  }
0x2d: {  	s3 =	simm.s32 $0x108;
	s8 =	sld [smem:$0x3FB5]  }
0x2e: {  	s3 =	simm.s32 @!p0 $0x1082;
	s9 =	sld [smem:$0x3FB6]  }
0x2f: {  	lr =	sadd.s32 s0, s3;
	s0 =	sld [smem:$0x3FAD]  }
0x30: {  	s3 =	sld [smem:$0x3FB0]  }
0x31: {  	[smem:$0x3FB9] =	sst s10  }
0x32: {  	s10 =	sld [smem:$0x3FB7];
	_ =	sdelay $0x3  }
0x33: {  	p0 =	seq.s32 s10, $0x1;
	s10 =	sld [smem:$0x3FB9];
	_ =	sdelay $0x3  }
0x34: {  	[smem:$0x3FB9] =	sst s10  }
0x35: {  	s10 =	sld [smem:$0x3FB8];
	_ =	sdelay $0x3  }
0x36: {  	p1 =	seq.s32 s10, $0x1;
	s10 =	sld [smem:$0x3FB9];
	_ =	sdelay $0x3  }
0x37: {  	[smem:$0x3FB9] =	sst s10  }
0x38: {  	s10 =	sld [smem:$0x3FBA]  }
0x39: {  	_ = 	snop;
	(pc) =	sbr.ind lr, $3  }
0x3a: {  	_ = 	snop  }
0x3b: {  	_ = 	snop  }
0x3c: {  	p2 =	seq.s32 s10, $0x1;
	s10 =	sld [smem:$0x3FB9]  }
0x3d: {  	_ =	shalt  }
0x3e: {  	_ =	shalt  }
0x3f: {  	_ =	shalt  }
0x40: {  	_ =	shalt  }
0x41: {  	_ =	shalt  }
0x42: {  	_ =	shalt  }
0x43: {  	_ =	shalt  }
0x44: {  	_ =	shalt  }
0x45: {  	_ =	shalt  }
0x46: {  	_ =	shalt  }
0x47: {  	_ =	shalt  }
0x48: {  	_ =	shalt  }
0x49: {  	_ =	shalt  }
0x4a: {  	_ =	shalt  }
0x4b: {  	_ =	shalt  }
0x4c: {  	_ =	shalt  }
0x4d: {  	_ =	shalt  }
0x4e: {  	_ =	shalt  }
0x4f: {  	_ =	shalt  }
0x50: {  	_ =	shalt  }
0x51: {  	_ =	shalt  }
0x52: {  	_ =	shalt  }
0x53: {  	_ =	shalt  }
0x54: {  	_ =	shalt  }
0x55: {  	_ =	shalt  }
0x56: {  	_ =	shalt  }
0x57: {  	_ =	shalt  }
0x58: {  	_ =	shalt  }
0x59: {  	_ =	shalt  }
0x5a: {  	_ =	shalt  }
0x5b: {  	_ =	shalt  }
0x5c: {  	_ =	shalt  }
0x5d: {  	_ =	shalt  }
0x5e: {  	_ =	shalt  }
0x5f: {  	_ =	shalt  }
0x60: {  	_ =	shalt  }
0x61: {  	_ =	shalt  }
0x62: {  	_ =	shalt  }
0x63: {  	_ =	shalt  }
0x64: {  	_ =	shalt  }
0x65: {  	_ =	shalt  }
0x66: {  	_ =	shalt  }
0x67: {  	_ =	shalt  }
0x68: {  	_ =	shalt  }
0x69: {  	_ =	shalt  }
0x6a: {  	_ =	shalt  }
0x6b: {  	_ =	shalt  }
0x6c: {  	_ =	shalt  }
0x6d: {  	_ =	shalt  }
0x6e: {  	_ =	shalt  }
0x6f: {  	_ =	shalt  }
0x70: {  	_ =	shalt  }
0x71: {  	_ =	shalt  }
0x72: {  	_ =	shalt  }
0x73: {  	_ =	shalt  }
0x74: {  	_ =	shalt  }
0x75: {  	_ =	shalt  }
0x76: {  	_ =	shalt  }
0x77: {  	_ =	shalt  }
0x78: {  	_ =	shalt  }
0x79: {  	_ =	shalt  }
0x7a: {  	_ =	shalt  }
0x7b: {  	_ =	shalt  }
0x7c: {  	_ =	shalt  }
0x7d: {  	_ =	shalt  }
0x7e: {  	_ =	shalt  }
0x7f: {  	_ =	shalt  }
0x80: {  	_ =	shalt  }
0x81: {  	_ =	shalt  }
0x82: {  	_ =	shalt  }
0x83: {  	_ =	shalt  }
0x84: {  	_ =	shalt  }
0x85: {  	_ =	shalt  }
0x86: {  	_ =	shalt  }
0x87: {  	_ =	shalt  }
.Lfunc_end0:
.L_simem_size_0:
called_computation_lowered:
.L_overlay_start_0:
0x88: {  	s2 =	sld [smem:$0x3FD9]  }
0x89: {  	s3 =	sld [smem:$0x3FFE];
	_ =	sdelay $0x1  }
0x8a: {  	s1 =	srdreg.scid  }
0x8b: {  	s0 =	sand.u32 $0x1, s1  }
0x8c: {  	s18 =	sshll.u32 s0, $0xA;
	s2 =	sadd.s32 s3, s2  }
0x8d: {  	s2 =	sadd.s32 s2, s18  }
0x8e: {  	[smem:$0x3FC5] =	sst s2  }
0x8f: {  	_ = 	snop  }
0x90: {  	s2 =	sld [smem:$0x3FC9]  }
0x91: {  	s19 =	sld [smem:$0x3FC8]  }
0x92: {  	s4 =	sld [smem:$0x3FC7]  }
0x93: {  	s5 =	sld [smem:$0x3FD0];
	(tm) =	ssettm $0x1  }
0x94: {  	s6 =	sld [smem:$0x3FFB];
	_ =	sdelay $0x3  }
0x95: {  	_ =	strace s6  }
0x96: {  	s6 =	sld [smem:$0x3FFC];
	_ =	sdelay $0x3  }
0x97: {  	_ =	strace s6  }
0x98: {  	s6 =	sld [smem:$0x3FFD];
	_ =	sdelay $0x3  }
0x99: {  	_ =	strace s6  }
0x9a: {  	_ =	strace $0x8FFFFFFF  }
0x9b: {  	s20 =	sld [smem:$0x3FDB];
	_ =	sdelay $0x1  }
0x9c: {  	s7 =	simm.s32 $_scs_section_size  }
0x9d: {  	s8 =	simm.s32 $_size__tile_overlayer_lowered;
	s9 =	simm.s32 $_tile_overlayer_lowered  }
0x9e: {  	s23 =	simm.s32 $0x1BFF;
	s22 =	sshll.u32 s9, $0x1;
	s6 =	sadd.s32 s7, s20  }
0x9f: {  	s10 =	simm.s32 $0x0;
	s21 =	sshll.u32 s8, $0x1;
	s8 =	sadd.s32 s22, s6  }
0xa0: {  	[timem:s10], [sflag:s23] =	dma.local [hbm:s8], s21  }
0xa1: {  	_ =	swait.ge [sflag:s23], s21  }
0xa2: {  	s7 =	ssub.s32 $0x0, s21;
	[sflag:s23] =	ssyncset.done $0x0  }
0xa3: {  	[sflag:s23] =	ssyncadd.s32 s7;
	_ =	sdelay $0x1  }
0xa4: {  	s24 =	simm.s32 $0x1B8B  }
0xa5: {  	_ =	swait.ge [sflag:s24], $0x1  }
0xa6: {  	[sflag:s24] =	ssyncset.done $0x0  }
0xa7: {  	s25 =	simm.s32 $0x1B8E;
	[sflag:s24] =	ssyncadd.s32 $0xFFFFFFFF  }
0xa8: {  	s26 =	simm.s32 $execute0_lowered;
	[smem:$0x3FD2] =	sst s25  }
0xa9: {  	s7 =	sshll.u32 s26, $0x1;
	_ =	strace $0x80000046;
	[dreg:$0x1] =	wrdreg $0xFFFFFFFF  }
0xaa: {  	s28 =	simm.s32 $_size_execute0_lowered;
	s6 =	sadd.s32 s6, s7;
	[dreg:$0x0] =	wrdreg $0x0  }
0xab: {  	s7 =	sshll.u32 s28, $0x1;
	[dreg:$0x2] =	wrdreg s6  }
0xac: {  	[dreg:$0x3] =	wrdreg s7  }
0xad: {  	[dreg:$0x4] =	wrdreg $0xC0  }
0xae: {  	_ =	task [dreg:s10], $0x5FFFF  }
0xaf: {  	[dreg:$0x1] =	wrdreg $0xFFFFFFFF  }
0xb0: {  	[dreg:$0x0] =	wrdreg $0x60  }
0xb1: {  	[dreg:$0x2] =	wrdreg s2  }
0xb2: {  	[dreg:$0x3] =	wrdreg s19  }
0xb3: {  	[dreg:$0x4] =	wrdreg s4  }
0xb4: {  	[dreg:$0x5] =	wrdreg s5  }
0xb5: {  	[dreg:$0x6] =	wrdreg $0x9  }
0xb6: {  	_ =	task.clear_ibuf [dreg:s10], $0x7FFFF;
	_ =	strace $0x90000046  }
0xb7: {  	s29 =	simm.s32 $0x9;
	_ =	strace $0x80000048  }
0xb8: {  	_ =	swait.ge [sflag:s29], $0x1  }
0xb9: {  	[sflag:s29] =	ssyncadd.s32 $0xFFFFFFFF  }
0xba: {  	_ =	strace $0x90000048  }
0xbb: {  	_ =	sfence  }
0xbc: {  	s30 =	sld [smem:$0x0];
	_ =	sdelay $0x2  }
0xbd: {  	s31 =	sshll.u32 s1, $0xD;
	s1 =	sshrl.u32 s1, $0x2  }
0xbe: {  	s3 =	sand.u32 $0x4000, s31;
	s1 =	sadd.s32 s1, s30  }
0xbf: {  	s0 =	sor.u32 s3, s0;
	s1 =	sshll.u32 s1, $0x11  }
0xc0: {  	s0 =	sor.u32 s1, s0  }
0xc1: {  	s0 =	sadd.s32 $0x8F2B, s0  }
0xc2: {  	[sflag:s0] =	ssyncadd.remote.s32 $0x1  }
0xc3: {  	_ =	sfence.sel $0xFFFF  }
0xc4: {  	[dreg:$0x0] =	wrdreg $0xFFFFFFFF;
	(pc) =	sbr.abs _section_cstart, $3  }
0xc5: {  	[dreg:$0x1] =	wrdreg $0xFFFFFFFF  }
0xc6: {  	_ =	task.clear_ibuf [dreg:s10], $0x2FFFF;
	_ =	strace $0x9FFFFFFF  }
0xc7: {  	(tm) =	ssettm $0x7FFFFFFF  }
tec
execute0_lowered:
.L_overlay_start_1:
0x0: {  	(tag) =	ssettag $0x1  }
0x1: {  	s0 =	rddreg [dreg:$0x0]  }
0x2: {  	s1 =	rddreg [dreg:$0x1]  }
0x3: {  	s2 =	rddreg [dreg:$0x2]  }
0x4: {  	s11 =	rddreg [dreg:$0x3]  }
0x5: {  	s3 =	srdreg.scid;
	s10 =	stileid.u32;
	s5 =	simm.s32 $0x0  }
0x6: {  	s3 =	sand.u32 $0x1, s3;
	s4 =	sshll.u32 s10, $0x1;
	[smem:$0x7FF] =	sst s5  }
0x7: {  	s1 =	sadd.s32 $0x3000, s1;
	s15 =	sadd.s32 $0x10, s11;
	s17 =	sadd.s32 $0x20, s11  }
0x8: {  	s21 =	sadd.s32 $0x30, s11;
	_ =	strace $0x80000047;
	[dreg:$0x6] =	wrdreg s1  }
0x9: {  	p1 =	sgt.u32 s10, $0x3;
	s5 =	simm.s32 $0x8000;
	[dreg:$0x7] =	wrdreg s15  }
0xa: {  	s4 =	sor.u32 s3, s4;
	s3 =	ssub.s32 $0x2, s3;
	[dreg:$0x8] =	wrdreg s17  }
0xb: {  	[dreg:$0x9] =	wrdreg s21;
	s1 =	simm.s32 $0x80;
	s9 =	sshll.u32 s4, $0xD  }
0xc: {  	s30 =	sshrl.u32 s3, $0x1;
	s6 =	sshll.u32 s4, $0xB;
	s16 =	sshll.u32 s4, $0xF  }
0xd: {  	p0 =	sne.s32 s4, $0x8;
	s8 =	sadd.s32 s9, s11;
	s3 =	ssub.s32 s3, s30  }
0xe: {  	s2 =	sadd.s32 s2, s6;
	s31 =	sadd.s32 s0, s9;
	s18 =	sadd.s32 s11, s16  }
0xf: {  	s11 =	simm.s32 $0x3;
	[dreg:$0x5] =	wrdreg s2;
	s7 =	sadd.s32 $0x200, s8  }
0x10: {  	s16 =	simm.s32 $0x1;
	s12 =	sadd.s32 $0x210, s8;
	[dreg:$0x12] =	wrdreg s7  }
0x11: {  	s6 =	simm.s32 $0x0;
	s13 =	sadd.s32 $0x220, s8;
	[dreg:$0x13] =	wrdreg s12  }
0x12: {  	s14 =	sadd.s32 $0x230, s8;
	s22 =	sadd.s32 $0x1000, s31;
	[dreg:$0x14] =	wrdreg s13  }
0x13: {  	s15 =	sadd.s32 $0x10200, s18;
	s23 =	sadd.s32 $0x40000, s31;
	[dreg:$0x15] =	wrdreg s14  }
0x14: {  	s17 =	sadd.s32 $0x14200, s18;
	s24 =	sadd.s32 $0x41000, s31;
	[dreg:$0xa] =	wrdreg s22  }
0x15: {  	s19 =	sadd.s32 $0x10210, s18;
	s20 =	sadd.s32 $0x14210, s18;
	[dreg:$0xb] =	wrdreg s23  }
0x16: {  	s21 =	sadd.s32 $0x10220, s18;
	s25 =	smax.u32 s3, $0x1;
	[dreg:$0xc] =	wrdreg s24  }
0x17: {  	s26 =	sadd.s32 $0x80000, s31;
	s28 =	sadd.s32 $0x81000, s31;
	[dreg:$0xd] =	wrdreg s25  }
0x18: {  	s29 =	sadd.s32 $0xC0000, s31;
	s30 =	sadd.s32 $0xC1000, s31;
	[dreg:$0xe] =	wrdreg s26  }
0x19: {  	s2 =	simm.s32 $0x1000;
	s8 =	simm.s32 $0x13C00;
	[dreg:$0xf] =	wrdreg s28  }
0x1a: {  	s22 =	sadd.s32 $0x14220, s18;
	s23 =	sadd.s32 $0x10230, s18;
	[dreg:$0x10] =	wrdreg s29  }
0x1b: {  	s24 =	sadd.s32 $0x14230, s18;
	[dreg:$0x11] =	wrdreg s30;
	s26 =	simm.s32 $0x2  }
0x1c: {  	s13 =	simm.s32 $0x11C00;
	s14 =	simm.s32 $0x12000;
	s25 =	simm.s32 $0x12400  }
0x1d: {  	s12 =	simm.s32 $0x12800;
	s18 =	simm.s32 $0x12C00;
	s7 =	simm.s32 $0x13800  }
.LBB2_1:
.Ltmp0:
0x1e: {  	(pc) =	sbr.rel @p1 .LBB2_3-.Ltmp0, $1  }
0x1f: {  	_ =	sdelay $0x3  }
0x20: {  	s4 =	simm.s32 $0x0;
	s9 =	rddreg [dreg:$0x5];
	s0 =	simm.s32 $0x10000  }
0x21: {  	[tilespmem:s0], [sflag:$0x3] =	stream.linear.gather [hbm4b:s9+s4], $0x4000, $0x38;
	[tilespmem:$0x16400] =	vst v63  }
0x22: {  	_ =	swait.ge [sflag:s11], $0x4000  }
0x23: {  	[dreg:$0x16] =	wrdreg s6;
	[sflag:s11] =	ssyncset.done $0x0  }
0x24: {  	s6 =	rddreg [dreg:$0x12];
	[sflag:s11] =	ssyncadd.s32 $0xFFFFC000  }
0x25: {  	[hbm4b:s6+s1] =	stream.strided.scatter [tilespmem:s0], [sflag:$0x3], $0x400, s2, s1, $0x38;
	[tilespmem:$0x16400] =	vst v63  }
0x26: {  	s9 =	simm.s32 $0x10400;
	s11 =	sadd.s32 $0x40, s6  }
0x27: {  	[hbm4b:s11+s1] =	stream.strided.scatter [tilespmem:s9], [sflag:$0x3], $0x400, s2, s1, $0x38;
	[tilespmem:$0x16400] =	vst v63  }
0x28: {  	s10 =	simm.s32 $0x10800;
	s28 =	sadd.s32 $0x80, s6  }
0x29: {  	[hbm4b:s28+s1] =	stream.strided.scatter [tilespmem:s10], [sflag:$0x3], $0x400, s2, s1, $0x38;
	[tilespmem:$0x16400] =	vst v63  }
0x2a: {  	s29 =	sadd.s32 $0xC0, s6;
	s28 =	simm.s32 $0x10C00  }
0x2b: {  	[hbm4b:s29+s1] =	stream.strided.scatter [tilespmem:s28], [sflag:$0x3], $0x400, s2, s1, $0x38;
	[tilespmem:$0x16400] =	vst v63  }
0x2c: {  	s30 =	sadd.s32 $0x100, s6;
	s29 =	simm.s32 $0x11000  }
0x2d: {  	[hbm4b:s30+s1] =	stream.strided.scatter [tilespmem:s29], [sflag:$0x3], $0x400, s2, s1, $0x38;
	[tilespmem:$0x16400] =	vst v63  }
0x2e: {  	s3 =	sadd.s32 $0x140, s6;
	s30 =	simm.s32 $0x11400  }
0x2f: {  	[hbm4b:s3+s1] =	stream.strided.scatter [tilespmem:s30], [sflag:$0x3], $0x400, s2, s1, $0x38;
	[tilespmem:$0x16400] =	vst v63  }
0x30: {  	s5 =	sadd.s32 $0x180, s6;
	s11 =	simm.s32 $0x11800  }
0x31: {  	[hbm4b:s5+s1] =	stream.strided.scatter [tilespmem:s11], [sflag:$0x3], $0x400, s2, s1, $0x38;
	[tilespmem:$0x16400] =	vst v63  }
0x32: {  	s3 =	sadd.s32 $0x1C0, s6  }
0x33: {  	[hbm4b:s3+s1] =	stream.strided.scatter [tilespmem:s13], [sflag:$0x3], $0x400, s2, s1, $0x38;
	[tilespmem:$0x16400] =	vst v63  }
0x34: {  	s5 =	sadd.s32 $0x1000, s6  }
0x35: {  	[hbm4b:s5+s1] =	stream.strided.scatter [tilespmem:s14], [sflag:$0x3], $0x400, s2, s1, $0x38;
	[tilespmem:$0x16400] =	vst v63  }
0x36: {  	s3 =	sadd.s32 $0x1040, s6  }
0x37: {  	[hbm4b:s3+s1] =	stream.strided.scatter [tilespmem:s25], [sflag:$0x3], $0x400, s2, s1, $0x38;
	[tilespmem:$0x16400] =	vst v63  }
0x38: {  	s5 =	sadd.s32 $0x1080, s6  }
0x39: {  	[hbm4b:s5+s1] =	stream.strided.scatter [tilespmem:s12], [sflag:$0x3], $0x400, s2, s1, $0x38;
	[tilespmem:$0x16400] =	vst v63  }
0x3a: {  	s3 =	sadd.s32 $0x10C0, s6  }
0x3b: {  	[hbm4b:s3+s1] =	stream.strided.scatter [tilespmem:s18], [sflag:$0x3], $0x400, s2, s1, $0x38;
	[tilespmem:$0x16400] =	vst v63  }
0x3c: {  	s5 =	sadd.s32 $0x1100, s6;
	s3 =	simm.s32 $0x13000  }
0x3d: {  	[hbm4b:s5+s1] =	stream.strided.scatter [tilespmem:s3], [sflag:$0x3], $0x400, s2, s1, $0x38;
	[tilespmem:$0x16400] =	vst v63  }
0x3e: {  	s4 =	sadd.s32 $0x1140, s6;
	s5 =	simm.s32 $0x13400  }
0x3f: {  	[hbm4b:s4+s1] =	stream.strided.scatter [tilespmem:s5], [sflag:$0x3], $0x400, s2, s1, $0x38;
	[tilespmem:$0x16400] =	vst v63  }
0x40: {  	s4 =	sadd.s32 $0x1180, s6  }
0x41: {  	[hbm4b:s4+s1] =	stream.strided.scatter [tilespmem:s7], [sflag:$0x3], $0x400, s2, s1, $0x38;
	[tilespmem:$0x16400] =	vst v63  }
0x42: {  	s6 =	sadd.s32 $0x11C0, s6  }
0x43: {  	[hbm4b:s6+s1] =	stream.strided.scatter [tilespmem:s8], [sflag:$0x3], $0x400, s2, s1, $0x38;
	[tilespmem:$0x16400] =	vst v63  }
0x44: {  	s6 =	rddreg [dreg:$0x13]  }
0x45: {  	[hbm4b:s6+s1] =	stream.strided.scatter [tilespmem:s0], [sflag:$0x3], $0x400, s2, s1, $0x38;
	[tilespmem:$0x16400] =	vst v63  }
0x46: {  	s4 =	sadd.s32 $0x40, s6  }
0x47: {  	[hbm4b:s4+s1] =	stream.strided.scatter [tilespmem:s9], [sflag:$0x3], $0x400, s2, s1, $0x38;
	[tilespmem:$0x16400] =	vst v63  }
0x48: {  	s4 =	sadd.s32 $0x80, s6  }
0x49: {  	[hbm4b:s4+s1] =	stream.strided.scatter [tilespmem:s10], [sflag:$0x3], $0x400, s2, s1, $0x38;
	[tilespmem:$0x16400] =	vst v63  }
0x4a: {  	s4 =	sadd.s32 $0xC0, s6  }
0x4b: {  	[hbm4b:s4+s1] =	stream.strided.scatter [tilespmem:s28], [sflag:$0x3], $0x400, s2, s1, $0x38;
	[tilespmem:$0x16400] =	vst v63  }
0x4c: {  	s4 =	sadd.s32 $0x100, s6  }
0x4d: {  	[hbm4b:s4+s1] =	stream.strided.scatter [tilespmem:s29], [sflag:$0x3], $0x400, s2, s1, $0x38;
	[tilespmem:$0x16400] =	vst v63  }
0x4e: {  	s4 =	sadd.s32 $0x140, s6  }
0x4f: {  	[hbm4b:s4+s1] =	stream.strided.scatter [tilespmem:s30], [sflag:$0x3], $0x400, s2, s1, $0x38;
	[tilespmem:$0x16400] =	vst v63  }
0x50: {  	s4 =	sadd.s32 $0x180, s6  }
0x51: {  	[hbm4b:s4+s1] =	stream.strided.scatter [tilespmem:s11], [sflag:$0x3], $0x400, s2, s1, $0x38;
	[tilespmem:$0x16400] =	vst v63  }
0x52: {  	s4 =	sadd.s32 $0x1C0, s6  }
0x53: {  	[hbm4b:s4+s1] =	stream.strided.scatter [tilespmem:s13], [sflag:$0x3], $0x400, s2, s1, $0x38;
	[tilespmem:$0x16400] =	vst v63  }
0x54: {  	s4 =	sadd.s32 $0x1000, s6  }
0x55: {  	[hbm4b:s4+s1] =	stream.strided.scatter [tilespmem:s14], [sflag:$0x3], $0x400, s2, s1, $0x38;
	[tilespmem:$0x16400] =	vst v63  }
0x56: {  	s4 =	sadd.s32 $0x1040, s6  }
0x57: {  	[hbm4b:s4+s1] =	stream.strided.scatter [tilespmem:s25], [sflag:$0x3], $0x400, s2, s1, $0x38;
	[tilespmem:$0x16400] =	vst v63  }
0x58: {  	s4 =	sadd.s32 $0x1080, s6  }
0x59: {  	[hbm4b:s4+s1] =	stream.strided.scatter [tilespmem:s12], [sflag:$0x3], $0x400, s2, s1, $0x38;
	[tilespmem:$0x16400] =	vst v63  }
0x5a: {  	s4 =	sadd.s32 $0x10C0, s6  }
0x5b: {  	[hbm4b:s4+s1] =	stream.strided.scatter [tilespmem:s18], [sflag:$0x3], $0x400, s2, s1, $0x38;
	[tilespmem:$0x16400] =	vst v63  }
0x5c: {  	s4 =	sadd.s32 $0x1100, s6  }
0x5d: {  	[hbm4b:s4+s1] =	stream.strided.scatter [tilespmem:s3], [sflag:$0x3], $0x400, s2, s1, $0x38;
	[tilespmem:$0x16400] =	vst v63  }
0x5e: {  	s4 =	sadd.s32 $0x1140, s6  }
0x5f: {  	[hbm4b:s4+s1] =	stream.strided.scatter [tilespmem:s5], [sflag:$0x3], $0x400, s2, s1, $0x38;
	[tilespmem:$0x16400] =	vst v63  }
0x60: {  	s4 =	sadd.s32 $0x1180, s6  }
0x61: {  	[hbm4b:s4+s1] =	stream.strided.scatter [tilespmem:s7], [sflag:$0x3], $0x400, s2, s1, $0x38;
	[tilespmem:$0x16400] =	vst v63  }
0x62: {  	s6 =	sadd.s32 $0x11C0, s6  }
0x63: {  	[hbm4b:s6+s1] =	stream.strided.scatter [tilespmem:s8], [sflag:$0x3], $0x400, s2, s1, $0x38;
	[tilespmem:$0x16400] =	vst v63  }
0x64: {  	s6 =	rddreg [dreg:$0x14]  }
0x65: {  	[hbm4b:s6+s1] =	stream.strided.scatter [tilespmem:s0], [sflag:$0x3], $0x400, s2, s1, $0x38;
	[tilespmem:$0x16400] =	vst v63  }
0x66: {  	s4 =	sadd.s32 $0x40, s6  }
0x67: {  	[hbm4b:s4+s1] =	stream.strided.scatter [tilespmem:s9], [sflag:$0x3], $0x400, s2, s1, $0x38;
	[tilespmem:$0x16400] =	vst v63  }
0x68: {  	s4 =	sadd.s32 $0x80, s6  }
0x69: {  	[hbm4b:s4+s1] =	stream.strided.scatter [tilespmem:s10], [sflag:$0x3], $0x400, s2, s1, $0x38;
	[tilespmem:$0x16400] =	vst v63  }
0x6a: {  	s4 =	sadd.s32 $0xC0, s6  }
0x6b: {  	[hbm4b:s4+s1] =	stream.strided.scatter [tilespmem:s28], [sflag:$0x3], $0x400, s2, s1, $0x38;
	[tilespmem:$0x16400] =	vst v63  }
0x6c: {  	s4 =	sadd.s32 $0x100, s6  }
0x6d: {  	[hbm4b:s4+s1] =	stream.strided.scatter [tilespmem:s29], [sflag:$0x3], $0x400, s2, s1, $0x38;
	[tilespmem:$0x16400] =	vst v63  }
0x6e: {  	s4 =	sadd.s32 $0x140, s6  }
0x6f: {  	[hbm4b:s4+s1] =	stream.strided.scatter [tilespmem:s30], [sflag:$0x3], $0x400, s2, s1, $0x38;
	[tilespmem:$0x16400] =	vst v63  }
0x70: {  	s4 =	sadd.s32 $0x180, s6  }
0x71: {  	[hbm4b:s4+s1] =	stream.strided.scatter [tilespmem:s11], [sflag:$0x3], $0x400, s2, s1, $0x38;
	[tilespmem:$0x16400] =	vst v63  }
0x72: {  	s4 =	sadd.s32 $0x1C0, s6  }
0x73: {  	[hbm4b:s4+s1] =	stream.strided.scatter [tilespmem:s13], [sflag:$0x3], $0x400, s2, s1, $0x38;
	[tilespmem:$0x16400] =	vst v63  }
0x74: {  	s4 =	sadd.s32 $0x1000, s6  }
0x75: {  	[hbm4b:s4+s1] =	stream.strided.scatter [tilespmem:s14], [sflag:$0x3], $0x400, s2, s1, $0x38;
	[tilespmem:$0x16400] =	vst v63  }
0x76: {  	s4 =	sadd.s32 $0x1040, s6  }
0x77: {  	[hbm4b:s4+s1] =	stream.strided.scatter [tilespmem:s25], [sflag:$0x3], $0x400, s2, s1, $0x38;
	[tilespmem:$0x16400] =	vst v63  }
0x78: {  	s4 =	sadd.s32 $0x1080, s6  }
0x79: {  	[hbm4b:s4+s1] =	stream.strided.scatter [tilespmem:s12], [sflag:$0x3], $0x400, s2, s1, $0x38;
	[tilespmem:$0x16400] =	vst v63  }
0x7a: {  	s4 =	sadd.s32 $0x10C0, s6  }
0x7b: {  	[hbm4b:s4+s1] =	stream.strided.scatter [tilespmem:s18], [sflag:$0x3], $0x400, s2, s1, $0x38;
	[tilespmem:$0x16400] =	vst v63  }
0x7c: {  	s4 =	sadd.s32 $0x1100, s6  }
0x7d: {  	[hbm4b:s4+s1] =	stream.strided.scatter [tilespmem:s3], [sflag:$0x3], $0x400, s2, s1, $0x38;
	[tilespmem:$0x16400] =	vst v63  }
0x7e: {  	s4 =	sadd.s32 $0x1140, s6  }
0x7f: {  	[hbm4b:s4+s1] =	stream.strided.scatter [tilespmem:s5], [sflag:$0x3], $0x400, s2, s1, $0x38;
	[tilespmem:$0x16400] =	vst v63  }
0x80: {  	s4 =	sadd.s32 $0x1180, s6  }
0x81: {  	[hbm4b:s4+s1] =	stream.strided.scatter [tilespmem:s7], [sflag:$0x3], $0x400, s2, s1, $0x38;
	[tilespmem:$0x16400] =	vst v63  }
0x82: {  	s6 =	sadd.s32 $0x11C0, s6  }
0x83: {  	[hbm4b:s6+s1] =	stream.strided.scatter [tilespmem:s8], [sflag:$0x3], $0x400, s2, s1, $0x38;
	[tilespmem:$0x16400] =	vst v63  }
0x84: {  	s6 =	rddreg [dreg:$0x15]  }
0x85: {  	[hbm4b:s6+s1] =	stream.strided.scatter [tilespmem:s0], [sflag:$0x3], $0x400, s2, s1, $0x38;
	[tilespmem:$0x16400] =	vst v63  }
0x86: {  	s0 =	sadd.s32 $0x40, s6  }
0x87: {  	[hbm4b:s0+s1] =	stream.strided.scatter [tilespmem:s9], [sflag:$0x3], $0x400, s2, s1, $0x38;
	[tilespmem:$0x16400] =	vst v63  }
0x88: {  	s9 =	sadd.s32 $0x80, s6  }
0x89: {  	[hbm4b:s9+s1] =	stream.strided.scatter [tilespmem:s10], [sflag:$0x3], $0x400, s2, s1, $0x38;
	[tilespmem:$0x16400] =	vst v63  }
0x8a: {  	s10 =	sadd.s32 $0xC0, s6  }
0x8b: {  	[hbm4b:s10+s1] =	stream.strided.scatter [tilespmem:s28], [sflag:$0x3], $0x400, s2, s1, $0x38;
	[tilespmem:$0x16400] =	vst v63  }
0x8c: {  	s0 =	sadd.s32 $0x100, s6  }
0x8d: {  	[hbm4b:s0+s1] =	stream.strided.scatter [tilespmem:s29], [sflag:$0x3], $0x400, s2, s1, $0x38;
	[tilespmem:$0x16400] =	vst v63  }
0x8e: {  	s9 =	sadd.s32 $0x140, s6  }
0x8f: {  	[hbm4b:s9+s1] =	stream.strided.scatter [tilespmem:s30], [sflag:$0x3], $0x400, s2, s1, $0x38;
	[tilespmem:$0x16400] =	vst v63  }
0x90: {  	s10 =	sadd.s32 $0x180, s6  }
0x91: {  	[hbm4b:s10+s1] =	stream.strided.scatter [tilespmem:s11], [sflag:$0x3], $0x400, s2, s1, $0x38;
	[tilespmem:$0x16400] =	vst v63  }
0x92: {  	s28 =	sadd.s32 $0x1C0, s6  }
0x93: {  	[hbm4b:s28+s1] =	stream.strided.scatter [tilespmem:s13], [sflag:$0x3], $0x400, s2, s1, $0x38;
	[tilespmem:$0x16400] =	vst v63  }
0x94: {  	s29 =	sadd.s32 $0x1000, s6  }
0x95: {  	[hbm4b:s29+s1] =	stream.strided.scatter [tilespmem:s14], [sflag:$0x3], $0x400, s2, s1, $0x38;
	[tilespmem:$0x16400] =	vst v63  }
0x96: {  	s30 =	sadd.s32 $0x1040, s6  }
0x97: {  	[hbm4b:s30+s1] =	stream.strided.scatter [tilespmem:s25], [sflag:$0x3], $0x400, s2, s1, $0x38;
	[tilespmem:$0x16400] =	vst v63  }
0x98: {  	s0 =	sadd.s32 $0x1080, s6  }
0x99: {  	[hbm4b:s0+s1] =	stream.strided.scatter [tilespmem:s12], [sflag:$0x3], $0x400, s2, s1, $0x38;
	[tilespmem:$0x16400] =	vst v63  }
0x9a: {  	s9 =	sadd.s32 $0x10C0, s6  }
0x9b: {  	[hbm4b:s9+s1] =	stream.strided.scatter [tilespmem:s18], [sflag:$0x3], $0x400, s2, s1, $0x38;
	[tilespmem:$0x16400] =	vst v63  }
0x9c: {  	s10 =	sadd.s32 $0x1100, s6  }
0x9d: {  	[hbm4b:s10+s1] =	stream.strided.scatter [tilespmem:s3], [sflag:$0x3], $0x400, s2, s1, $0x38;
	[tilespmem:$0x16400] =	vst v63  }
0x9e: {  	s28 =	sadd.s32 $0x1140, s6  }
0x9f: {  	[hbm4b:s28+s1] =	stream.strided.scatter [tilespmem:s5], [sflag:$0x3], $0x400, s2, s1, $0x38;
	[tilespmem:$0x16400] =	vst v63  }
0xa0: {  	s11 =	simm.s32 $0x3;
	s29 =	sadd.s32 $0x1180, s6  }
0xa1: {  	[hbm4b:s29+s1] =	stream.strided.scatter [tilespmem:s7], [sflag:$0x3], $0x400, s2, s1, $0x38;
	[tilespmem:$0x16400] =	vst v63  }
0xa2: {  	s30 =	sadd.s32 $0x11C0, s6;
	s6 =	rddreg [dreg:$0x16];
	s5 =	simm.s32 $0x8000  }
0xa3: {  	[hbm4b:s30+s1] =	stream.strided.scatter [tilespmem:s8], [sflag:$0x3], $0x400, s2, s1, $0x38;
	[tilespmem:$0x16400] =	vst v63  }
.LBB2_3:
.Ltmp1:
0xa4: {  	(pc) =	sbr.rel @p0 .LBB2_5-.Ltmp1, $1  }
0xa5: {  	_ =	sdelay $0x3  }
0xa6: {  	s4 =	simm.s32 $0x0;
	s9 =	rddreg [dreg:$0x6];
	s0 =	simm.s32 $0x14000  }
0xa7: {  	[tilespmem:s0], [sflag:$0x3] =	stream.linear.gather [hbm4b:s9+s4], $0x2000, $0x38;
	[tilespmem:$0x16400] =	vst v63  }
0xa8: {  	_ =	swait.ge [sflag:s11], $0x2000  }
0xa9: {  	[sflag:s11] =	ssyncset.done $0x0  }
0xaa: {  	[sflag:s11] =	ssyncadd.s32 $0xFFFFE000  }
0xab: {  	v0 =	vld [tilespmem:$0x14380]  }
0xac: {  	v1 =	vld [tilespmem:$0x14390]  }
0xad: {  	v2 =	vld [tilespmem:$0x143A0]  }
0xae: {  	v3 =	vld [tilespmem:$0x143B0]  }
0xaf: {  	v4 =	vld [tilespmem:$0x143C0]  }
0xb0: {  	v61 =	vld [tilespmem:$0x143D0];
	[tilespmem:$0x16000] =	vst v0  }
0xb1: {  	v62 =	vld [tilespmem:$0x143E0];
	[tilespmem:$0x16010] =	vst v1  }
0xb2: {  	v63 =	vld [tilespmem:$0x143F0];
	[tilespmem:$0x16020] =	vst v2  }
0xb3: {  	v8 =	vld [tilespmem:$0x14780];
	[tilespmem:$0x16030] =	vst v3  }
0xb4: {  	v9 =	vld [tilespmem:$0x14790];
	[tilespmem:$0x16040] =	vst v4  }
0xb5: {  	v10 =	vld [tilespmem:$0x147A0];
	[tilespmem:$0x16050] =	vst v61  }
0xb6: {  	v11 =	vld [tilespmem:$0x147B0];
	[tilespmem:$0x16060] =	vst v62  }
0xb7: {  	v12 =	vld [tilespmem:$0x147C0];
	[tilespmem:$0x16070] =	vst v63  }
0xb8: {  	v13 =	vld [tilespmem:$0x147D0];
	[tilespmem:$0x16080] =	vst v8  }
0xb9: {  	v14 =	vld [tilespmem:$0x147E0];
	[tilespmem:$0x16090] =	vst v9  }
0xba: {  	v15 =	vld [tilespmem:$0x147F0];
	[tilespmem:$0x160A0] =	vst v10  }
0xbb: {  	v16 =	vld [tilespmem:$0x14B80];
	[tilespmem:$0x160B0] =	vst v11  }
0xbc: {  	v17 =	vld [tilespmem:$0x14B90];
	[tilespmem:$0x160C0] =	vst v12  }
0xbd: {  	v18 =	vld [tilespmem:$0x14BA0];
	[tilespmem:$0x160D0] =	vst v13  }
0xbe: {  	v19 =	vld [tilespmem:$0x14BB0];
	[tilespmem:$0x160E0] =	vst v14  }
0xbf: {  	v20 =	vld [tilespmem:$0x14BC0];
	[tilespmem:$0x160F0] =	vst v15  }
0xc0: {  	v21 =	vld [tilespmem:$0x14BD0];
	[tilespmem:$0x16100] =	vst v16  }
0xc1: {  	v22 =	vld [tilespmem:$0x14BE0];
	[tilespmem:$0x16110] =	vst v17  }
0xc2: {  	v23 =	vld [tilespmem:$0x14BF0];
	[tilespmem:$0x16120] =	vst v18  }
0xc3: {  	v24 =	vld [tilespmem:$0x14F80];
	[tilespmem:$0x16130] =	vst v19  }
0xc4: {  	v25 =	vld [tilespmem:$0x14F90];
	[tilespmem:$0x16140] =	vst v20  }
0xc5: {  	v26 =	vld [tilespmem:$0x14FA0];
	[tilespmem:$0x16150] =	vst v21  }
0xc6: {  	v27 =	vld [tilespmem:$0x14FB0];
	[tilespmem:$0x16160] =	vst v22  }
0xc7: {  	v28 =	vld [tilespmem:$0x14FC0];
	[tilespmem:$0x16170] =	vst v23  }
0xc8: {  	v29 =	vld [tilespmem:$0x14FD0];
	[tilespmem:$0x16180] =	vst v24  }
0xc9: {  	v30 =	vld [tilespmem:$0x14FE0];
	[tilespmem:$0x16190] =	vst v25  }
0xca: {  	v31 =	vld [tilespmem:$0x14FF0];
	[tilespmem:$0x161A0] =	vst v26  }
0xcb: {  	v32 =	vld [tilespmem:$0x15380];
	[tilespmem:$0x161B0] =	vst v27  }
0xcc: {  	v33 =	vld [tilespmem:$0x15390];
	[tilespmem:$0x161C0] =	vst v28  }
0xcd: {  	v34 =	vld [tilespmem:$0x153A0];
	[tilespmem:$0x161D0] =	vst v29  }
0xce: {  	v35 =	vld [tilespmem:$0x153B0];
	[tilespmem:$0x161E0] =	vst v30  }
0xcf: {  	v36 =	vld [tilespmem:$0x153C0];
	[tilespmem:$0x161F0] =	vst v31  }
0xd0: {  	v37 =	vld [tilespmem:$0x153D0];
	[tilespmem:$0x16200] =	vst v32  }
0xd1: {  	v38 =	vld [tilespmem:$0x153E0];
	[tilespmem:$0x16210] =	vst v33  }
0xd2: {  	v39 =	vld [tilespmem:$0x153F0];
	[tilespmem:$0x16220] =	vst v34  }
0xd3: {  	v40 =	vld [tilespmem:$0x15780];
	[tilespmem:$0x16230] =	vst v35  }
0xd4: {  	v41 =	vld [tilespmem:$0x15790];
	[tilespmem:$0x16240] =	vst v36  }
0xd5: {  	v42 =	vld [tilespmem:$0x157A0];
	[tilespmem:$0x16250] =	vst v37  }
0xd6: {  	v43 =	vld [tilespmem:$0x157B0];
	[tilespmem:$0x16260] =	vst v38  }
0xd7: {  	v44 =	vld [tilespmem:$0x157C0];
	[tilespmem:$0x16270] =	vst v39  }
0xd8: {  	v45 =	vld [tilespmem:$0x157D0];
	[tilespmem:$0x16280] =	vst v40  }
0xd9: {  	v46 =	vld [tilespmem:$0x157E0];
	[tilespmem:$0x16290] =	vst v41  }
0xda: {  	v47 =	vld [tilespmem:$0x157F0];
	[tilespmem:$0x162A0] =	vst v42  }
0xdb: {  	v48 =	vld [tilespmem:$0x15B80];
	[tilespmem:$0x162B0] =	vst v43  }
0xdc: {  	v49 =	vld [tilespmem:$0x15B90];
	[tilespmem:$0x162C0] =	vst v44  }
0xdd: {  	v50 =	vld [tilespmem:$0x15BA0];
	[tilespmem:$0x162D0] =	vst v45  }
0xde: {  	v51 =	vld [tilespmem:$0x15BB0];
	[tilespmem:$0x162E0] =	vst v46  }
0xdf: {  	v52 =	vld [tilespmem:$0x15BC0];
	[tilespmem:$0x162F0] =	vst v47  }
0xe0: {  	v53 =	vld [tilespmem:$0x15BD0];
	[tilespmem:$0x16300] =	vst v48  }
0xe1: {  	v54 =	vld [tilespmem:$0x15BE0];
	[tilespmem:$0x16310] =	vst v49  }
0xe2: {  	v55 =	vld [tilespmem:$0x15BF0];
	[tilespmem:$0x16320] =	vst v50  }
0xe3: {  	v56 =	vld [tilespmem:$0x15F80];
	[tilespmem:$0x16330] =	vst v51  }
0xe4: {  	v57 =	vld [tilespmem:$0x15F90];
	[tilespmem:$0x16340] =	vst v52  }
0xe5: {  	v58 =	vld [tilespmem:$0x15FA0];
	[tilespmem:$0x16350] =	vst v53  }
0xe6: {  	v59 =	vld [tilespmem:$0x15FB0];
	[tilespmem:$0x16360] =	vst v54  }
0xe7: {  	v60 =	vld [tilespmem:$0x15FC0];
	[tilespmem:$0x16370] =	vst v55  }
0xe8: {  	[tilespmem:$0x16380] =	vst v56;
	v61 =	vld [tilespmem:$0x15FD0]  }
0xe9: {  	[tilespmem:$0x16390] =	vst v57;
	v62 =	vld [tilespmem:$0x15FE0]  }
0xea: {  	[tilespmem:$0x163A0] =	vst v58;
	v63 =	vld [tilespmem:$0x15FF0]  }
0xeb: {  	[tilespmem:$0x163B0] =	vst v59  }
0xec: {  	[tilespmem:$0x163C0] =	vst v60  }
0xed: {  	[tilespmem:$0x163D0] =	vst v61  }
0xee: {  	[tilespmem:$0x163E0] =	vst v62  }
0xef: {  	s10 =	simm.s32 $0x200;
	s3 =	simm.s32 $0x16000;
	s9 =	rddreg [dreg:$0x3];
	[tilespmem:$0x163F0] =	vst v63  }
0xf0: {  	[hbm4b:s9+s1] =	stream.strided.scatter [tilespmem:s3], [sflag:$0x3], $0x400, s10, s1, $0x38;
	[tilespmem:$0x16400] =	vst v63  }
0xf1: {  	s28 =	rddreg [dreg:$0x7]  }
0xf2: {  	[hbm4b:s28+s1] =	stream.strided.scatter [tilespmem:s3], [sflag:$0x3], $0x400, s10, s1, $0x38;
	[tilespmem:$0x16400] =	vst v63  }
0xf3: {  	s29 =	rddreg [dreg:$0x8]  }
0xf4: {  	[hbm4b:s29+s1] =	stream.strided.scatter [tilespmem:s3], [sflag:$0x3], $0x400, s10, s1, $0x38;
	[tilespmem:$0x16400] =	vst v63  }
0xf5: {  	s30 =	rddreg [dreg:$0x9]  }
0xf6: {  	[hbm4b:s30+s1] =	stream.strided.scatter [tilespmem:s3], [sflag:$0x3], $0x400, s10, s1, $0x38;
	[tilespmem:$0x16400] =	vst v63  }
.LBB2_5:
0xf7: {  	s4 =	simm.s32 $0x0  }
0xf8: {  	[tilespmem:s4], [sflag:$0x1] =	stream.linear.gather [hbm4b:s31+s4], $0x8000, $0x38;
	[tilespmem:$0x16400] =	vst v63  }
0xf9: {  	_ =	swait.ge [sflag:s16], $0x8000  }
0xfa: {  	[sflag:s16] =	ssyncset.done $0x0  }
0xfb: {  	s9 =	rddreg [dreg:$0xa];
	[sflag:s16] =	ssyncadd.s32 $0xFFFF8000  }
0xfc: {  	[tilespmem:s5], [sflag:$0x1] =	stream.linear.gather [hbm4b:s9+s4], $0x8000, $0x38;
	[tilespmem:$0x16400] =	vst v63  }
0xfd: {  	s30 =	simm.s32 $0x0  }
0xfe: {  	[hbm4b:s15+s1] =	stream.strided.scatter [tilespmem:s30], [sflag:$0x2], $0x400, s2, s1, $0x38;
	[tilespmem:$0x16400] =	vst v63  }
0xff: {  	s0 =	simm.s32 $0x400;
	s3 =	sadd.s32 $0x40, s15  }
0x100: {  	[hbm4b:s3+s1] =	stream.strided.scatter [tilespmem:s0], [sflag:$0x2], $0x400, s2, s1, $0x38;
	[tilespmem:$0x16400] =	vst v63  }
0x101: {  	s10 =	simm.s32 $0x800;
	s30 =	sadd.s32 $0x80, s15  }
0x102: {  	[hbm4b:s30+s1] =	stream.strided.scatter [tilespmem:s10], [sflag:$0x2], $0x400, s2, s1, $0x38;
	[tilespmem:$0x16400] =	vst v63  }
0x103: {  	s29 =	sadd.s32 $0x1C0, s15;
	s0 =	simm.s32 $0xC00;
	s3 =	sadd.s32 $0xC0, s15  }
0x104: {  	[hbm4b:s3+s1] =	stream.strided.scatter [tilespmem:s0], [sflag:$0x2], $0x400, s2, s1, $0x38;
	[tilespmem:$0x16400] =	vst v63  }
0x105: {  	s28 =	sadd.s32 $0x1000, s15;
	s10 =	simm.s32 $0x1000;
	s30 =	sadd.s32 $0x100, s15  }
0x106: {  	[hbm4b:s30+s1] =	stream.strided.scatter [tilespmem:s10], [sflag:$0x2], $0x400, s2, s1, $0x38;
	[tilespmem:$0x16400] =	vst v63  }
0x107: {  	s4 =	simm.s32 $0x8000;
	s0 =	simm.s32 $0x1400;
	s3 =	sadd.s32 $0x140, s15  }
0x108: {  	[hbm4b:s3+s1] =	stream.strided.scatter [tilespmem:s0], [sflag:$0x2], $0x400, s2, s1, $0x38;
	[tilespmem:$0x16400] =	vst v63  }
0x109: {  	s9 =	simm.s32 $0x1C00;
	s10 =	simm.s32 $0x1800;
	s30 =	sadd.s32 $0x180, s15  }
0x10a: {  	[hbm4b:s30+s1] =	stream.strided.scatter [tilespmem:s10], [sflag:$0x2], $0x400, s2, s1, $0x38;
	[tilespmem:$0x16400] =	vst v63  }
.LBB2_6:
0x10b: {  	[hbm4b:s29+s1] =	stream.strided.scatter [tilespmem:s9], [sflag:$0x2], $0x400, s2, s1, $0x38;
	[tilespmem:$0x16400] =	vst v63  }
0x10c: {  	s9 =	sshra.s32 s4, $0x2;
	p2 =	sne.s32 s4, $0x18000;
	s4 =	sadd.s32 $0x8000, s4  }
0x10d: {  	[hbm4b:s28+s1] =	stream.strided.scatter [tilespmem:s9], [sflag:$0x2], $0x400, s2, s1, $0x38;
	[tilespmem:$0x16400] =	vst v63  }
0x10e: {  	s30 =	sadd.s32 $0x40, s28;
	s29 =	sadd.s32 $0x400, s9  }
0x10f: {  	[hbm4b:s30+s1] =	stream.strided.scatter [tilespmem:s29], [sflag:$0x2], $0x400, s2, s1, $0x38;
	[tilespmem:$0x16400] =	vst v63  }
0x110: {  	s29 =	sadd.s32 $0x800, s9;
	s30 =	sadd.s32 $0x80, s28  }
0x111: {  	[hbm4b:s30+s1] =	stream.strided.scatter [tilespmem:s29], [sflag:$0x2], $0x400, s2, s1, $0x38;
	[tilespmem:$0x16400] =	vst v63  }
0x112: {  	s29 =	sadd.s32 $0xC00, s9;
	s30 =	sadd.s32 $0xC0, s28  }
0x113: {  	[hbm4b:s30+s1] =	stream.strided.scatter [tilespmem:s29], [sflag:$0x2], $0x400, s2, s1, $0x38;
	[tilespmem:$0x16400] =	vst v63  }
0x114: {  	s29 =	sadd.s32 $0x1000, s9;
	s30 =	sadd.s32 $0x100, s28  }
0x115: {  	[hbm4b:s30+s1] =	stream.strided.scatter [tilespmem:s29], [sflag:$0x2], $0x400, s2, s1, $0x38;
	[tilespmem:$0x16400] =	vst v63  }
.Ltmp2:
0x116: {  	s29 =	sadd.s32 $0x1400, s9;
	s30 =	sadd.s32 $0x140, s28;
	(pc) =	sbr.rel @p2 .LBB2_6-.Ltmp2, $4  }
0x117: {  	[hbm4b:s30+s1] =	stream.strided.scatter [tilespmem:s29], [sflag:$0x2], $0x400, s2, s1, $0x38;
	[tilespmem:$0x16400] =	vst v63  }
0x118: {  	s29 =	sadd.s32 $0x1800, s9;
	s30 =	sadd.s32 $0x180, s28  }
0x119: {  	[hbm4b:s30+s1] =	stream.strided.scatter [tilespmem:s29], [sflag:$0x2], $0x400, s2, s1, $0x38;
	[tilespmem:$0x16400] =	vst v63  }
0x11a: {  	s9 =	sadd.s32 $0x1C00, s9;
	s29 =	sadd.s32 $0x1C0, s28;
	s28 =	sadd.s32 $0x1000, s28  }
0x11b: {  	[hbm4b:s29+s1] =	stream.strided.scatter [tilespmem:s9], [sflag:$0x2], $0x400, s2, s1, $0x38;
	[tilespmem:$0x16400] =	vst v63  }
0x11c: {  	_ =	swait.ge [sflag:s16], $0x8000  }
0x11d: {  	[sflag:s16] =	ssyncset.done $0x0  }
0x11e: {  	[sflag:s16] =	ssyncadd.s32 $0xFFFF8000  }
0x11f: {  	_ =	swait.ge [sflag:s26], $0x8000  }
0x120: {  	[sflag:s26] =	ssyncset.done $0x0  }
0x121: {  	s4 =	simm.s32 $0x0;
	s3 =	rddreg [dreg:$0xb];
	[sflag:s26] =	ssyncadd.s32 $0xFFFF8000  }
0x122: {  	[tilespmem:s4], [sflag:$0x1] =	stream.linear.gather [hbm4b:s3+s4], $0x8000, $0x38;
	[tilespmem:$0x16400] =	vst v63  }
0x123: {  	s10 =	simm.s32 $0x8000  }
0x124: {  	[hbm4b:s17+s1] =	stream.strided.scatter [tilespmem:s10], [sflag:$0x2], $0x400, s2, s1, $0x38;
	[tilespmem:$0x16400] =	vst v63  }
0x125: {  	s0 =	simm.s32 $0x8400;
	s3 =	sadd.s32 $0x40, s17  }
0x126: {  	[hbm4b:s3+s1] =	stream.strided.scatter [tilespmem:s0], [sflag:$0x2], $0x400, s2, s1, $0x38;
	[tilespmem:$0x16400] =	vst v63  }
0x127: {  	s9 =	simm.s32 $0x8800;
	s10 =	sadd.s32 $0x80, s17  }
0x128: {  	[hbm4b:s10+s1] =	stream.strided.scatter [tilespmem:s9], [sflag:$0x2], $0x400, s2, s1, $0x38;
	[tilespmem:$0x16400] =	vst v63  }
0x129: {  	s0 =	simm.s32 $0x8C00;
	s3 =	sadd.s32 $0xC0, s17  }
0x12a: {  	[hbm4b:s3+s1] =	stream.strided.scatter [tilespmem:s0], [sflag:$0x2], $0x400, s2, s1, $0x38;
	[tilespmem:$0x16400] =	vst v63  }
0x12b: {  	s9 =	simm.s32 $0x9000;
	s10 =	sadd.s32 $0x100, s17  }
0x12c: {  	[hbm4b:s10+s1] =	stream.strided.scatter [tilespmem:s9], [sflag:$0x2], $0x400, s2, s1, $0x38;
	[tilespmem:$0x16400] =	vst v63  }
0x12d: {  	s28 =	simm.s32 $0x2000;
	s0 =	simm.s32 $0x9400;
	s3 =	sadd.s32 $0x140, s17  }
0x12e: {  	[hbm4b:s3+s1] =	stream.strided.scatter [tilespmem:s0], [sflag:$0x2], $0x400, s2, s1, $0x38;
	[tilespmem:$0x16400] =	vst v63  }
0x12f: {  	s29 =	simm.s32 $0x10000;
	s9 =	simm.s32 $0x9800;
	s10 =	sadd.s32 $0x180, s17  }
0x130: {  	[hbm4b:s10+s1] =	stream.strided.scatter [tilespmem:s9], [sflag:$0x2], $0x400, s2, s1, $0x38;
	[tilespmem:$0x16400] =	vst v63  }
0x131: {  	s30 =	sadd.s32 $0x1C0, s17;
	s4 =	sadd.s32 $0x1000, s17;
	s9 =	simm.s32 $0x9C00  }
.LBB2_8:
0x132: {  	[hbm4b:s30+s1] =	stream.strided.scatter [tilespmem:s9], [sflag:$0x2], $0x400, s2, s1, $0x38;
	[tilespmem:$0x16400] =	vst v63  }
0x133: {  	s9 =	smov.u32 s28;
	s28 =	smov.u32 s29  }
0x134: {  	s10 =	sadd.s32 $0x8000, s29;
	s28 =	sshra.s32 s28, $0x2;
	s30 =	sadd.s32 $0x8000, s9  }
0x135: {  	[hbm4b:s4+s1] =	stream.strided.scatter [tilespmem:s30], [sflag:$0x2], $0x400, s2, s1, $0x38;
	[tilespmem:$0x16400] =	vst v63  }
0x136: {  	p2 =	sne.s32 s29, $0x18000;
	s29 =	sadd.s32 $0x8400, s9;
	s30 =	sadd.s32 $0x40, s4  }
0x137: {  	[hbm4b:s30+s1] =	stream.strided.scatter [tilespmem:s29], [sflag:$0x2], $0x400, s2, s1, $0x38;
	[tilespmem:$0x16400] =	vst v63  }
0x138: {  	s29 =	sadd.s32 $0x8800, s9;
	s30 =	sadd.s32 $0x80, s4  }
0x139: {  	[hbm4b:s30+s1] =	stream.strided.scatter [tilespmem:s29], [sflag:$0x2], $0x400, s2, s1, $0x38;
	[tilespmem:$0x16400] =	vst v63  }
0x13a: {  	s29 =	sadd.s32 $0x8C00, s9;
	s30 =	sadd.s32 $0xC0, s4  }
0x13b: {  	[hbm4b:s30+s1] =	stream.strided.scatter [tilespmem:s29], [sflag:$0x2], $0x400, s2, s1, $0x38;
	[tilespmem:$0x16400] =	vst v63  }
0x13c: {  	s29 =	sadd.s32 $0x9000, s9;
	s30 =	sadd.s32 $0x100, s4  }
0x13d: {  	[hbm4b:s30+s1] =	stream.strided.scatter [tilespmem:s29], [sflag:$0x2], $0x400, s2, s1, $0x38;
	[tilespmem:$0x16400] =	vst v63  }
.Ltmp3:
0x13e: {  	s29 =	sadd.s32 $0x9400, s9;
	s30 =	sadd.s32 $0x140, s4;
	(pc) =	sbr.rel @p2 .LBB2_8-.Ltmp3, $4  }
0x13f: {  	[hbm4b:s30+s1] =	stream.strided.scatter [tilespmem:s29], [sflag:$0x2], $0x400, s2, s1, $0x38;
	[tilespmem:$0x16400] =	vst v63  }
0x140: {  	s29 =	sadd.s32 $0x9800, s9;
	s30 =	sadd.s32 $0x180, s4;
	s9 =	sadd.s32 $0x9C00, s9  }
0x141: {  	[hbm4b:s30+s1] =	stream.strided.scatter [tilespmem:s29], [sflag:$0x2], $0x400, s2, s1, $0x38;
	[tilespmem:$0x16400] =	vst v63  }
0x142: {  	s30 =	sadd.s32 $0x1C0, s4;
	s4 =	sadd.s32 $0x1000, s4;
	s29 =	smov.u32 s10  }
0x143: {  	[hbm4b:s30+s1] =	stream.strided.scatter [tilespmem:s9], [sflag:$0x2], $0x400, s2, s1, $0x38;
	[tilespmem:$0x16400] =	vst v63  }
0x144: {  	s0 =	sadd.s32 $0x8000, s28  }
0x145: {  	[hbm4b:s4+s1] =	stream.strided.scatter [tilespmem:s0], [sflag:$0x2], $0x400, s2, s1, $0x38;
	[tilespmem:$0x16400] =	vst v63  }
0x146: {  	s3 =	sadd.s32 $0x8400, s28;
	s10 =	sadd.s32 $0x40, s4  }
0x147: {  	[hbm4b:s10+s1] =	stream.strided.scatter [tilespmem:s3], [sflag:$0x2], $0x400, s2, s1, $0x38;
	[tilespmem:$0x16400] =	vst v63  }
0x148: {  	s30 =	sadd.s32 $0x80, s4;
	s10 =	sadd.s32 $0x8800, s28  }
0x149: {  	[hbm4b:s30+s1] =	stream.strided.scatter [tilespmem:s10], [sflag:$0x2], $0x400, s2, s1, $0x38;
	[tilespmem:$0x16400] =	vst v63  }
0x14a: {  	s0 =	sadd.s32 $0x8C00, s28;
	s3 =	sadd.s32 $0xC0, s4  }
0x14b: {  	[hbm4b:s3+s1] =	stream.strided.scatter [tilespmem:s0], [sflag:$0x2], $0x400, s2, s1, $0x38;
	[tilespmem:$0x16400] =	vst v63  }
0x14c: {  	s10 =	sadd.s32 $0x9000, s28;
	s30 =	sadd.s32 $0x100, s4  }
0x14d: {  	[hbm4b:s30+s1] =	stream.strided.scatter [tilespmem:s10], [sflag:$0x2], $0x400, s2, s1, $0x38;
	[tilespmem:$0x16400] =	vst v63  }
0x14e: {  	s0 =	sadd.s32 $0x9400, s28;
	s3 =	sadd.s32 $0x140, s4  }
0x14f: {  	[hbm4b:s3+s1] =	stream.strided.scatter [tilespmem:s0], [sflag:$0x2], $0x400, s2, s1, $0x38;
	[tilespmem:$0x16400] =	vst v63  }
0x150: {  	s10 =	sadd.s32 $0x9800, s28;
	s30 =	sadd.s32 $0x180, s4  }
0x151: {  	[hbm4b:s30+s1] =	stream.strided.scatter [tilespmem:s10], [sflag:$0x2], $0x400, s2, s1, $0x38;
	[tilespmem:$0x16400] =	vst v63  }
0x152: {  	s0 =	sadd.s32 $0x9C00, s28;
	s3 =	sadd.s32 $0x1C0, s4  }
0x153: {  	[hbm4b:s3+s1] =	stream.strided.scatter [tilespmem:s0], [sflag:$0x2], $0x400, s2, s1, $0x38;
	[tilespmem:$0x16400] =	vst v63  }
0x154: {  	_ =	swait.ge [sflag:s16], $0x8000  }
0x155: {  	[sflag:s16] =	ssyncset.done $0x0  }
0x156: {  	[sflag:s16] =	ssyncadd.s32 $0xFFFF8000  }
0x157: {  	_ =	swait.ge [sflag:s26], $0x8000  }
0x158: {  	[sflag:s26] =	ssyncset.done $0x0  }
0x159: {  	s9 =	simm.s32 $0x0;
	s10 =	rddreg [dreg:$0xc];
	[sflag:s26] =	ssyncadd.s32 $0xFFFF8000  }
0x15a: {  	[tilespmem:s5], [sflag:$0x1] =	stream.linear.gather [hbm4b:s10+s9], $0x8000, $0x38;
	[tilespmem:$0x16400] =	vst v63  }
0x15b: {  	s30 =	simm.s32 $0x0  }
0x15c: {  	[hbm4b:s19+s1] =	stream.strided.scatter [tilespmem:s30], [sflag:$0x2], $0x400, s2, s1, $0x38;
	[tilespmem:$0x16400] =	vst v63  }
0x15d: {  	s0 =	simm.s32 $0x400;
	s3 =	sadd.s32 $0x40, s19  }
0x15e: {  	[hbm4b:s3+s1] =	stream.strided.scatter [tilespmem:s0], [sflag:$0x2], $0x400, s2, s1, $0x38;
	[tilespmem:$0x16400] =	vst v63  }
0x15f: {  	s10 =	simm.s32 $0x800;
	s30 =	sadd.s32 $0x80, s19  }
0x160: {  	[hbm4b:s30+s1] =	stream.strided.scatter [tilespmem:s10], [sflag:$0x2], $0x400, s2, s1, $0x38;
	[tilespmem:$0x16400] =	vst v63  }
0x161: {  	s29 =	sadd.s32 $0x1C0, s19;
	s0 =	simm.s32 $0xC00;
	s3 =	sadd.s32 $0xC0, s19  }
0x162: {  	[hbm4b:s3+s1] =	stream.strided.scatter [tilespmem:s0], [sflag:$0x2], $0x400, s2, s1, $0x38;
	[tilespmem:$0x16400] =	vst v63  }
0x163: {  	s4 =	simm.s32 $0x8000;
	s10 =	simm.s32 $0x1000;
	s30 =	sadd.s32 $0x100, s19  }
0x164: {  	[hbm4b:s30+s1] =	stream.strided.scatter [tilespmem:s10], [sflag:$0x2], $0x400, s2, s1, $0x38;
	[tilespmem:$0x16400] =	vst v63  }
0x165: {  	s28 =	sadd.s32 $0x1000, s19;
	s0 =	simm.s32 $0x1400;
	s3 =	sadd.s32 $0x140, s19  }
0x166: {  	[hbm4b:s3+s1] =	stream.strided.scatter [tilespmem:s0], [sflag:$0x2], $0x400, s2, s1, $0x38;
	[tilespmem:$0x16400] =	vst v63  }
0x167: {  	s9 =	simm.s32 $0x1C00;
	s10 =	simm.s32 $0x1800;
	s30 =	sadd.s32 $0x180, s19  }
0x168: {  	[hbm4b:s30+s1] =	stream.strided.scatter [tilespmem:s10], [sflag:$0x2], $0x400, s2, s1, $0x38;
	[tilespmem:$0x16400] =	vst v63  }
.LBB2_10:
0x169: {  	[hbm4b:s29+s1] =	stream.strided.scatter [tilespmem:s9], [sflag:$0x2], $0x400, s2, s1, $0x38;
	[tilespmem:$0x16400] =	vst v63  }
0x16a: {  	s9 =	sshra.s32 s4, $0x2;
	p2 =	sne.s32 s4, $0x18000;
	s4 =	sadd.s32 $0x8000, s4  }
0x16b: {  	[hbm4b:s28+s1] =	stream.strided.scatter [tilespmem:s9], [sflag:$0x2], $0x400, s2, s1, $0x38;
	[tilespmem:$0x16400] =	vst v63  }
0x16c: {  	s29 =	sadd.s32 $0x40, s28;
	s10 =	sadd.s32 $0x400, s9  }
0x16d: {  	[hbm4b:s29+s1] =	stream.strided.scatter [tilespmem:s10], [sflag:$0x2], $0x400, s2, s1, $0x38;
	[tilespmem:$0x16400] =	vst v63  }
0x16e: {  	s10 =	sadd.s32 $0x800, s9;
	s29 =	sadd.s32 $0x80, s28  }
0x16f: {  	[hbm4b:s29+s1] =	stream.strided.scatter [tilespmem:s10], [sflag:$0x2], $0x400, s2, s1, $0x38;
	[tilespmem:$0x16400] =	vst v63  }
0x170: {  	s10 =	sadd.s32 $0xC00, s9;
	s29 =	sadd.s32 $0xC0, s28  }
0x171: {  	[hbm4b:s29+s1] =	stream.strided.scatter [tilespmem:s10], [sflag:$0x2], $0x400, s2, s1, $0x38;
	[tilespmem:$0x16400] =	vst v63  }
0x172: {  	s10 =	sadd.s32 $0x1000, s9;
	s29 =	sadd.s32 $0x100, s28  }
0x173: {  	[hbm4b:s29+s1] =	stream.strided.scatter [tilespmem:s10], [sflag:$0x2], $0x400, s2, s1, $0x38;
	[tilespmem:$0x16400] =	vst v63  }
.Ltmp4:
0x174: {  	s10 =	sadd.s32 $0x1400, s9;
	s29 =	sadd.s32 $0x140, s28;
	(pc) =	sbr.rel @p2 .LBB2_10-.Ltmp4, $4  }
0x175: {  	[hbm4b:s29+s1] =	stream.strided.scatter [tilespmem:s10], [sflag:$0x2], $0x400, s2, s1, $0x38;
	[tilespmem:$0x16400] =	vst v63  }
0x176: {  	s10 =	sadd.s32 $0x1800, s9;
	s29 =	sadd.s32 $0x180, s28  }
0x177: {  	[hbm4b:s29+s1] =	stream.strided.scatter [tilespmem:s10], [sflag:$0x2], $0x400, s2, s1, $0x38;
	[tilespmem:$0x16400] =	vst v63  }
0x178: {  	s9 =	sadd.s32 $0x1C00, s9;
	s29 =	sadd.s32 $0x1C0, s28;
	s28 =	sadd.s32 $0x1000, s28  }
0x179: {  	[hbm4b:s29+s1] =	stream.strided.scatter [tilespmem:s9], [sflag:$0x2], $0x400, s2, s1, $0x38;
	[tilespmem:$0x16400] =	vst v63  }
0x17a: {  	_ =	swait.ge [sflag:s16], $0x8000  }
0x17b: {  	[sflag:s16] =	ssyncset.done $0x0  }
0x17c: {  	[sflag:s16] =	ssyncadd.s32 $0xFFFF8000  }
0x17d: {  	_ =	swait.ge [sflag:s26], $0x8000  }
0x17e: {  	[sflag:s26] =	ssyncset.done $0x0  }
0x17f: {  	s4 =	simm.s32 $0x0;
	s3 =	rddreg [dreg:$0xe];
	[sflag:s26] =	ssyncadd.s32 $0xFFFF8000  }
0x180: {  	[tilespmem:s4], [sflag:$0x1] =	stream.linear.gather [hbm4b:s3+s4], $0x8000, $0x38;
	[tilespmem:$0x16400] =	vst v63  }
0x181: {  	s10 =	simm.s32 $0x8000  }
0x182: {  	[hbm4b:s20+s1] =	stream.strided.scatter [tilespmem:s10], [sflag:$0x2], $0x400, s2, s1, $0x38;
	[tilespmem:$0x16400] =	vst v63  }
0x183: {  	s0 =	simm.s32 $0x8400;
	s3 =	sadd.s32 $0x40, s20  }
0x184: {  	[hbm4b:s3+s1] =	stream.strided.scatter [tilespmem:s0], [sflag:$0x2], $0x400, s2, s1, $0x38;
	[tilespmem:$0x16400] =	vst v63  }
0x185: {  	s9 =	simm.s32 $0x8800;
	s10 =	sadd.s32 $0x80, s20  }
0x186: {  	[hbm4b:s10+s1] =	stream.strided.scatter [tilespmem:s9], [sflag:$0x2], $0x400, s2, s1, $0x38;
	[tilespmem:$0x16400] =	vst v63  }
0x187: {  	s0 =	simm.s32 $0x8C00;
	s3 =	sadd.s32 $0xC0, s20  }
0x188: {  	[hbm4b:s3+s1] =	stream.strided.scatter [tilespmem:s0], [sflag:$0x2], $0x400, s2, s1, $0x38;
	[tilespmem:$0x16400] =	vst v63  }
0x189: {  	s9 =	simm.s32 $0x9000;
	s10 =	sadd.s32 $0x100, s20  }
0x18a: {  	[hbm4b:s10+s1] =	stream.strided.scatter [tilespmem:s9], [sflag:$0x2], $0x400, s2, s1, $0x38;
	[tilespmem:$0x16400] =	vst v63  }
0x18b: {  	s29 =	simm.s32 $0x10000;
	s0 =	simm.s32 $0x9400;
	s3 =	sadd.s32 $0x140, s20  }
0x18c: {  	[hbm4b:s3+s1] =	stream.strided.scatter [tilespmem:s0], [sflag:$0x2], $0x400, s2, s1, $0x38;
	[tilespmem:$0x16400] =	vst v63  }
0x18d: {  	s30 =	sadd.s32 $0x1C0, s20;
	s9 =	simm.s32 $0x9800;
	s10 =	sadd.s32 $0x180, s20  }
0x18e: {  	[hbm4b:s10+s1] =	stream.strided.scatter [tilespmem:s9], [sflag:$0x2], $0x400, s2, s1, $0x38;
	[tilespmem:$0x16400] =	vst v63  }
0x18f: {  	s28 =	sadd.s32 $0x1000, s20;
	s4 =	simm.s32 $0x2000;
	s9 =	simm.s32 $0x9C00  }
.LBB2_12:
0x190: {  	[hbm4b:s30+s1] =	stream.strided.scatter [tilespmem:s9], [sflag:$0x2], $0x400, s2, s1, $0x38;
	[tilespmem:$0x16400] =	vst v63  }
0x191: {  	s9 =	smov.u32 s4;
	s4 =	smov.u32 s29  }
0x192: {  	s10 =	sadd.s32 $0x8000, s29;
	s4 =	sshra.s32 s4, $0x2;
	s30 =	sadd.s32 $0x8000, s9  }
0x193: {  	[hbm4b:s28+s1] =	stream.strided.scatter [tilespmem:s30], [sflag:$0x2], $0x400, s2, s1, $0x38;
	[tilespmem:$0x16400] =	vst v63  }
0x194: {  	p2 =	sne.s32 s29, $0x18000;
	s29 =	sadd.s32 $0x8400, s9;
	s30 =	sadd.s32 $0x40, s28  }
0x195: {  	[hbm4b:s30+s1] =	stream.strided.scatter [tilespmem:s29], [sflag:$0x2], $0x400, s2, s1, $0x38;
	[tilespmem:$0x16400] =	vst v63  }
0x196: {  	s29 =	sadd.s32 $0x8800, s9;
	s30 =	sadd.s32 $0x80, s28  }
0x197: {  	[hbm4b:s30+s1] =	stream.strided.scatter [tilespmem:s29], [sflag:$0x2], $0x400, s2, s1, $0x38;
	[tilespmem:$0x16400] =	vst v63  }
0x198: {  	s29 =	sadd.s32 $0x8C00, s9;
	s30 =	sadd.s32 $0xC0, s28  }
0x199: {  	[hbm4b:s30+s1] =	stream.strided.scatter [tilespmem:s29], [sflag:$0x2], $0x400, s2, s1, $0x38;
	[tilespmem:$0x16400] =	vst v63  }
0x19a: {  	s29 =	sadd.s32 $0x9000, s9;
	s30 =	sadd.s32 $0x100, s28  }
0x19b: {  	[hbm4b:s30+s1] =	stream.strided.scatter [tilespmem:s29], [sflag:$0x2], $0x400, s2, s1, $0x38;
	[tilespmem:$0x16400] =	vst v63  }
.Ltmp5:
0x19c: {  	s29 =	sadd.s32 $0x9400, s9;
	s30 =	sadd.s32 $0x140, s28;
	(pc) =	sbr.rel @p2 .LBB2_12-.Ltmp5, $4  }
0x19d: {  	[hbm4b:s30+s1] =	stream.strided.scatter [tilespmem:s29], [sflag:$0x2], $0x400, s2, s1, $0x38;
	[tilespmem:$0x16400] =	vst v63  }
0x19e: {  	s29 =	sadd.s32 $0x9800, s9;
	s30 =	sadd.s32 $0x180, s28;
	s9 =	sadd.s32 $0x9C00, s9  }
0x19f: {  	[hbm4b:s30+s1] =	stream.strided.scatter [tilespmem:s29], [sflag:$0x2], $0x400, s2, s1, $0x38;
	[tilespmem:$0x16400] =	vst v63  }
0x1a0: {  	s30 =	sadd.s32 $0x1C0, s28;
	s28 =	sadd.s32 $0x1000, s28;
	s29 =	smov.u32 s10  }
0x1a1: {  	[hbm4b:s30+s1] =	stream.strided.scatter [tilespmem:s9], [sflag:$0x2], $0x400, s2, s1, $0x38;
	[tilespmem:$0x16400] =	vst v63  }
0x1a2: {  	s0 =	sadd.s32 $0x8000, s4  }
0x1a3: {  	[hbm4b:s28+s1] =	stream.strided.scatter [tilespmem:s0], [sflag:$0x2], $0x400, s2, s1, $0x38;
	[tilespmem:$0x16400] =	vst v63  }
0x1a4: {  	s3 =	sadd.s32 $0x8400, s4;
	s10 =	sadd.s32 $0x40, s28  }
0x1a5: {  	[hbm4b:s10+s1] =	stream.strided.scatter [tilespmem:s3], [sflag:$0x2], $0x400, s2, s1, $0x38;
	[tilespmem:$0x16400] =	vst v63  }
0x1a6: {  	s30 =	sadd.s32 $0x80, s28;
	s10 =	sadd.s32 $0x8800, s4  }
0x1a7: {  	[hbm4b:s30+s1] =	stream.strided.scatter [tilespmem:s10], [sflag:$0x2], $0x400, s2, s1, $0x38;
	[tilespmem:$0x16400] =	vst v63  }
0x1a8: {  	s0 =	sadd.s32 $0x8C00, s4;
	s3 =	sadd.s32 $0xC0, s28  }
0x1a9: {  	[hbm4b:s3+s1] =	stream.strided.scatter [tilespmem:s0], [sflag:$0x2], $0x400, s2, s1, $0x38;
	[tilespmem:$0x16400] =	vst v63  }
0x1aa: {  	s10 =	sadd.s32 $0x9000, s4;
	s30 =	sadd.s32 $0x100, s28  }
0x1ab: {  	[hbm4b:s30+s1] =	stream.strided.scatter [tilespmem:s10], [sflag:$0x2], $0x400, s2, s1, $0x38;
	[tilespmem:$0x16400] =	vst v63  }
0x1ac: {  	s0 =	sadd.s32 $0x9400, s4;
	s3 =	sadd.s32 $0x140, s28  }
0x1ad: {  	[hbm4b:s3+s1] =	stream.strided.scatter [tilespmem:s0], [sflag:$0x2], $0x400, s2, s1, $0x38;
	[tilespmem:$0x16400] =	vst v63  }
0x1ae: {  	s10 =	sadd.s32 $0x9800, s4;
	s30 =	sadd.s32 $0x180, s28  }
0x1af: {  	[hbm4b:s30+s1] =	stream.strided.scatter [tilespmem:s10], [sflag:$0x2], $0x400, s2, s1, $0x38;
	[tilespmem:$0x16400] =	vst v63  }
0x1b0: {  	s0 =	sadd.s32 $0x9C00, s4;
	s3 =	sadd.s32 $0x1C0, s28  }
0x1b1: {  	[hbm4b:s3+s1] =	stream.strided.scatter [tilespmem:s0], [sflag:$0x2], $0x400, s2, s1, $0x38;
	[tilespmem:$0x16400] =	vst v63  }
0x1b2: {  	_ =	swait.ge [sflag:s16], $0x8000  }
0x1b3: {  	[sflag:s16] =	ssyncset.done $0x0  }
0x1b4: {  	[sflag:s16] =	ssyncadd.s32 $0xFFFF8000  }
0x1b5: {  	_ =	swait.ge [sflag:s26], $0x8000  }
0x1b6: {  	[sflag:s26] =	ssyncset.done $0x0  }
0x1b7: {  	s9 =	simm.s32 $0x0;
	s10 =	rddreg [dreg:$0xf];
	[sflag:s26] =	ssyncadd.s32 $0xFFFF8000  }
0x1b8: {  	[tilespmem:s5], [sflag:$0x1] =	stream.linear.gather [hbm4b:s10+s9], $0x8000, $0x38;
	[tilespmem:$0x16400] =	vst v63  }
0x1b9: {  	s30 =	simm.s32 $0x0  }
0x1ba: {  	[hbm4b:s21+s1] =	stream.strided.scatter [tilespmem:s30], [sflag:$0x2], $0x400, s2, s1, $0x38;
	[tilespmem:$0x16400] =	vst v63  }
0x1bb: {  	s0 =	simm.s32 $0x400;
	s3 =	sadd.s32 $0x40, s21  }
0x1bc: {  	[hbm4b:s3+s1] =	stream.strided.scatter [tilespmem:s0], [sflag:$0x2], $0x400, s2, s1, $0x38;
	[tilespmem:$0x16400] =	vst v63  }
0x1bd: {  	s10 =	simm.s32 $0x800;
	s30 =	sadd.s32 $0x80, s21  }
0x1be: {  	[hbm4b:s30+s1] =	stream.strided.scatter [tilespmem:s10], [sflag:$0x2], $0x400, s2, s1, $0x38;
	[tilespmem:$0x16400] =	vst v63  }
0x1bf: {  	s29 =	sadd.s32 $0x1C0, s21;
	s0 =	simm.s32 $0xC00;
	s3 =	sadd.s32 $0xC0, s21  }
0x1c0: {  	[hbm4b:s3+s1] =	stream.strided.scatter [tilespmem:s0], [sflag:$0x2], $0x400, s2, s1, $0x38;
	[tilespmem:$0x16400] =	vst v63  }
0x1c1: {  	s4 =	simm.s32 $0x8000;
	s10 =	simm.s32 $0x1000;
	s30 =	sadd.s32 $0x100, s21  }
0x1c2: {  	[hbm4b:s30+s1] =	stream.strided.scatter [tilespmem:s10], [sflag:$0x2], $0x400, s2, s1, $0x38;
	[tilespmem:$0x16400] =	vst v63  }
0x1c3: {  	s28 =	sadd.s32 $0x1000, s21;
	s0 =	simm.s32 $0x1400;
	s3 =	sadd.s32 $0x140, s21  }
0x1c4: {  	[hbm4b:s3+s1] =	stream.strided.scatter [tilespmem:s0], [sflag:$0x2], $0x400, s2, s1, $0x38;
	[tilespmem:$0x16400] =	vst v63  }
0x1c5: {  	s9 =	simm.s32 $0x1C00;
	s10 =	simm.s32 $0x1800;
	s30 =	sadd.s32 $0x180, s21  }
0x1c6: {  	[hbm4b:s30+s1] =	stream.strided.scatter [tilespmem:s10], [sflag:$0x2], $0x400, s2, s1, $0x38;
	[tilespmem:$0x16400] =	vst v63  }
.LBB2_14:
0x1c7: {  	[hbm4b:s29+s1] =	stream.strided.scatter [tilespmem:s9], [sflag:$0x2], $0x400, s2, s1, $0x38;
	[tilespmem:$0x16400] =	vst v63  }
0x1c8: {  	s9 =	sshra.s32 s4, $0x2;
	p2 =	sne.s32 s4, $0x18000;
	s4 =	sadd.s32 $0x8000, s4  }
0x1c9: {  	[hbm4b:s28+s1] =	stream.strided.scatter [tilespmem:s9], [sflag:$0x2], $0x400, s2, s1, $0x38;
	[tilespmem:$0x16400] =	vst v63  }
0x1ca: {  	s29 =	sadd.s32 $0x40, s28;
	s10 =	sadd.s32 $0x400, s9  }
0x1cb: {  	[hbm4b:s29+s1] =	stream.strided.scatter [tilespmem:s10], [sflag:$0x2], $0x400, s2, s1, $0x38;
	[tilespmem:$0x16400] =	vst v63  }
0x1cc: {  	s10 =	sadd.s32 $0x800, s9;
	s29 =	sadd.s32 $0x80, s28  }
0x1cd: {  	[hbm4b:s29+s1] =	stream.strided.scatter [tilespmem:s10], [sflag:$0x2], $0x400, s2, s1, $0x38;
	[tilespmem:$0x16400] =	vst v63  }
0x1ce: {  	s10 =	sadd.s32 $0xC00, s9;
	s29 =	sadd.s32 $0xC0, s28  }
0x1cf: {  	[hbm4b:s29+s1] =	stream.strided.scatter [tilespmem:s10], [sflag:$0x2], $0x400, s2, s1, $0x38;
	[tilespmem:$0x16400] =	vst v63  }
0x1d0: {  	s10 =	sadd.s32 $0x1000, s9;
	s29 =	sadd.s32 $0x100, s28  }
0x1d1: {  	[hbm4b:s29+s1] =	stream.strided.scatter [tilespmem:s10], [sflag:$0x2], $0x400, s2, s1, $0x38;
	[tilespmem:$0x16400] =	vst v63  }
.Ltmp6:
0x1d2: {  	s10 =	sadd.s32 $0x1400, s9;
	s29 =	sadd.s32 $0x140, s28;
	(pc) =	sbr.rel @p2 .LBB2_14-.Ltmp6, $4  }
0x1d3: {  	[hbm4b:s29+s1] =	stream.strided.scatter [tilespmem:s10], [sflag:$0x2], $0x400, s2, s1, $0x38;
	[tilespmem:$0x16400] =	vst v63  }
0x1d4: {  	s10 =	sadd.s32 $0x1800, s9;
	s29 =	sadd.s32 $0x180, s28  }
0x1d5: {  	[hbm4b:s29+s1] =	stream.strided.scatter [tilespmem:s10], [sflag:$0x2], $0x400, s2, s1, $0x38;
	[tilespmem:$0x16400] =	vst v63  }
0x1d6: {  	s9 =	sadd.s32 $0x1C00, s9;
	s29 =	sadd.s32 $0x1C0, s28;
	s28 =	sadd.s32 $0x1000, s28  }
0x1d7: {  	[hbm4b:s29+s1] =	stream.strided.scatter [tilespmem:s9], [sflag:$0x2], $0x400, s2, s1, $0x38;
	[tilespmem:$0x16400] =	vst v63  }
0x1d8: {  	_ =	swait.ge [sflag:s16], $0x8000  }
0x1d9: {  	[sflag:s16] =	ssyncset.done $0x0  }
0x1da: {  	[sflag:s16] =	ssyncadd.s32 $0xFFFF8000  }
0x1db: {  	_ =	swait.ge [sflag:s26], $0x8000  }
0x1dc: {  	[sflag:s26] =	ssyncset.done $0x0  }
0x1dd: {  	s4 =	simm.s32 $0x0;
	s3 =	rddreg [dreg:$0x10];
	[sflag:s26] =	ssyncadd.s32 $0xFFFF8000  }
0x1de: {  	[tilespmem:s4], [sflag:$0x1] =	stream.linear.gather [hbm4b:s3+s4], $0x8000, $0x38;
	[tilespmem:$0x16400] =	vst v63  }
0x1df: {  	s10 =	simm.s32 $0x8000  }
0x1e0: {  	[hbm4b:s22+s1] =	stream.strided.scatter [tilespmem:s10], [sflag:$0x2], $0x400, s2, s1, $0x38;
	[tilespmem:$0x16400] =	vst v63  }
0x1e1: {  	s0 =	simm.s32 $0x8400;
	s3 =	sadd.s32 $0x40, s22  }
0x1e2: {  	[hbm4b:s3+s1] =	stream.strided.scatter [tilespmem:s0], [sflag:$0x2], $0x400, s2, s1, $0x38;
	[tilespmem:$0x16400] =	vst v63  }
0x1e3: {  	s9 =	simm.s32 $0x8800;
	s10 =	sadd.s32 $0x80, s22  }
0x1e4: {  	[hbm4b:s10+s1] =	stream.strided.scatter [tilespmem:s9], [sflag:$0x2], $0x400, s2, s1, $0x38;
	[tilespmem:$0x16400] =	vst v63  }
0x1e5: {  	s0 =	simm.s32 $0x8C00;
	s3 =	sadd.s32 $0xC0, s22  }
0x1e6: {  	[hbm4b:s3+s1] =	stream.strided.scatter [tilespmem:s0], [sflag:$0x2], $0x400, s2, s1, $0x38;
	[tilespmem:$0x16400] =	vst v63  }
0x1e7: {  	s9 =	simm.s32 $0x9000;
	s10 =	sadd.s32 $0x100, s22  }
0x1e8: {  	[hbm4b:s10+s1] =	stream.strided.scatter [tilespmem:s9], [sflag:$0x2], $0x400, s2, s1, $0x38;
	[tilespmem:$0x16400] =	vst v63  }
0x1e9: {  	s29 =	simm.s32 $0x10000;
	s0 =	simm.s32 $0x9400;
	s3 =	sadd.s32 $0x140, s22  }
0x1ea: {  	[hbm4b:s3+s1] =	stream.strided.scatter [tilespmem:s0], [sflag:$0x2], $0x400, s2, s1, $0x38;
	[tilespmem:$0x16400] =	vst v63  }
0x1eb: {  	s30 =	sadd.s32 $0x1C0, s22;
	s9 =	simm.s32 $0x9800;
	s10 =	sadd.s32 $0x180, s22  }
0x1ec: {  	[hbm4b:s10+s1] =	stream.strided.scatter [tilespmem:s9], [sflag:$0x2], $0x400, s2, s1, $0x38;
	[tilespmem:$0x16400] =	vst v63  }
0x1ed: {  	s28 =	sadd.s32 $0x1000, s22;
	s4 =	simm.s32 $0x2000;
	s9 =	simm.s32 $0x9C00  }
.LBB2_16:
0x1ee: {  	[hbm4b:s30+s1] =	stream.strided.scatter [tilespmem:s9], [sflag:$0x2], $0x400, s2, s1, $0x38;
	[tilespmem:$0x16400] =	vst v63  }
0x1ef: {  	s9 =	smov.u32 s4;
	s4 =	smov.u32 s29  }
0x1f0: {  	s10 =	sadd.s32 $0x8000, s29;
	s4 =	sshra.s32 s4, $0x2;
	s30 =	sadd.s32 $0x8000, s9  }
0x1f1: {  	[hbm4b:s28+s1] =	stream.strided.scatter [tilespmem:s30], [sflag:$0x2], $0x400, s2, s1, $0x38;
	[tilespmem:$0x16400] =	vst v63  }
0x1f2: {  	p2 =	sne.s32 s29, $0x18000;
	s29 =	sadd.s32 $0x8400, s9;
	s30 =	sadd.s32 $0x40, s28  }
0x1f3: {  	[hbm4b:s30+s1] =	stream.strided.scatter [tilespmem:s29], [sflag:$0x2], $0x400, s2, s1, $0x38;
	[tilespmem:$0x16400] =	vst v63  }
0x1f4: {  	s29 =	sadd.s32 $0x8800, s9;
	s30 =	sadd.s32 $0x80, s28  }
0x1f5: {  	[hbm4b:s30+s1] =	stream.strided.scatter [tilespmem:s29], [sflag:$0x2], $0x400, s2, s1, $0x38;
	[tilespmem:$0x16400] =	vst v63  }
0x1f6: {  	s29 =	sadd.s32 $0x8C00, s9;
	s30 =	sadd.s32 $0xC0, s28  }
0x1f7: {  	[hbm4b:s30+s1] =	stream.strided.scatter [tilespmem:s29], [sflag:$0x2], $0x400, s2, s1, $0x38;
	[tilespmem:$0x16400] =	vst v63  }
0x1f8: {  	s29 =	sadd.s32 $0x9000, s9;
	s30 =	sadd.s32 $0x100, s28  }
0x1f9: {  	[hbm4b:s30+s1] =	stream.strided.scatter [tilespmem:s29], [sflag:$0x2], $0x400, s2, s1, $0x38;
	[tilespmem:$0x16400] =	vst v63  }
.Ltmp7:
0x1fa: {  	s29 =	sadd.s32 $0x9400, s9;
	s30 =	sadd.s32 $0x140, s28;
	(pc) =	sbr.rel @p2 .LBB2_16-.Ltmp7, $4  }
0x1fb: {  	[hbm4b:s30+s1] =	stream.strided.scatter [tilespmem:s29], [sflag:$0x2], $0x400, s2, s1, $0x38;
	[tilespmem:$0x16400] =	vst v63  }
0x1fc: {  	s29 =	sadd.s32 $0x9800, s9;
	s30 =	sadd.s32 $0x180, s28;
	s9 =	sadd.s32 $0x9C00, s9  }
0x1fd: {  	[hbm4b:s30+s1] =	stream.strided.scatter [tilespmem:s29], [sflag:$0x2], $0x400, s2, s1, $0x38;
	[tilespmem:$0x16400] =	vst v63  }
0x1fe: {  	s30 =	sadd.s32 $0x1C0, s28;
	s28 =	sadd.s32 $0x1000, s28;
	s29 =	smov.u32 s10  }
0x1ff: {  	[hbm4b:s30+s1] =	stream.strided.scatter [tilespmem:s9], [sflag:$0x2], $0x400, s2, s1, $0x38;
	[tilespmem:$0x16400] =	vst v63  }
0x200: {  	s0 =	sadd.s32 $0x8000, s4  }
0x201: {  	[hbm4b:s28+s1] =	stream.strided.scatter [tilespmem:s0], [sflag:$0x2], $0x400, s2, s1, $0x38;
	[tilespmem:$0x16400] =	vst v63  }
0x202: {  	s3 =	sadd.s32 $0x8400, s4;
	s10 =	sadd.s32 $0x40, s28  }
0x203: {  	[hbm4b:s10+s1] =	stream.strided.scatter [tilespmem:s3], [sflag:$0x2], $0x400, s2, s1, $0x38;
	[tilespmem:$0x16400] =	vst v63  }
0x204: {  	s30 =	sadd.s32 $0x80, s28;
	s10 =	sadd.s32 $0x8800, s4  }
0x205: {  	[hbm4b:s30+s1] =	stream.strided.scatter [tilespmem:s10], [sflag:$0x2], $0x400, s2, s1, $0x38;
	[tilespmem:$0x16400] =	vst v63  }
0x206: {  	s0 =	sadd.s32 $0x8C00, s4;
	s3 =	sadd.s32 $0xC0, s28  }
0x207: {  	[hbm4b:s3+s1] =	stream.strided.scatter [tilespmem:s0], [sflag:$0x2], $0x400, s2, s1, $0x38;
	[tilespmem:$0x16400] =	vst v63  }
0x208: {  	s10 =	sadd.s32 $0x9000, s4;
	s30 =	sadd.s32 $0x100, s28  }
0x209: {  	[hbm4b:s30+s1] =	stream.strided.scatter [tilespmem:s10], [sflag:$0x2], $0x400, s2, s1, $0x38;
	[tilespmem:$0x16400] =	vst v63  }
0x20a: {  	s0 =	sadd.s32 $0x9400, s4;
	s3 =	sadd.s32 $0x140, s28  }
0x20b: {  	[hbm4b:s3+s1] =	stream.strided.scatter [tilespmem:s0], [sflag:$0x2], $0x400, s2, s1, $0x38;
	[tilespmem:$0x16400] =	vst v63  }
0x20c: {  	s10 =	sadd.s32 $0x9800, s4;
	s30 =	sadd.s32 $0x180, s28  }
0x20d: {  	[hbm4b:s30+s1] =	stream.strided.scatter [tilespmem:s10], [sflag:$0x2], $0x400, s2, s1, $0x38;
	[tilespmem:$0x16400] =	vst v63  }
0x20e: {  	s0 =	sadd.s32 $0x9C00, s4;
	s3 =	sadd.s32 $0x1C0, s28  }
0x20f: {  	[hbm4b:s3+s1] =	stream.strided.scatter [tilespmem:s0], [sflag:$0x2], $0x400, s2, s1, $0x38;
	[tilespmem:$0x16400] =	vst v63  }
0x210: {  	_ =	swait.ge [sflag:s16], $0x8000  }
0x211: {  	[sflag:s16] =	ssyncset.done $0x0  }
0x212: {  	[sflag:s16] =	ssyncadd.s32 $0xFFFF8000  }
0x213: {  	_ =	swait.ge [sflag:s26], $0x8000  }
0x214: {  	[sflag:s26] =	ssyncset.done $0x0  }
0x215: {  	s9 =	simm.s32 $0x0;
	s10 =	rddreg [dreg:$0x11];
	[sflag:s26] =	ssyncadd.s32 $0xFFFF8000  }
0x216: {  	[tilespmem:s5], [sflag:$0x1] =	stream.linear.gather [hbm4b:s10+s9], $0x8000, $0x38;
	[tilespmem:$0x16400] =	vst v63  }
0x217: {  	s30 =	simm.s32 $0x0  }
0x218: {  	[hbm4b:s23+s1] =	stream.strided.scatter [tilespmem:s30], [sflag:$0x2], $0x400, s2, s1, $0x38;
	[tilespmem:$0x16400] =	vst v63  }
0x219: {  	s0 =	simm.s32 $0x400;
	s3 =	sadd.s32 $0x40, s23  }
0x21a: {  	[hbm4b:s3+s1] =	stream.strided.scatter [tilespmem:s0], [sflag:$0x2], $0x400, s2, s1, $0x38;
	[tilespmem:$0x16400] =	vst v63  }
0x21b: {  	s10 =	simm.s32 $0x800;
	s30 =	sadd.s32 $0x80, s23  }
0x21c: {  	[hbm4b:s30+s1] =	stream.strided.scatter [tilespmem:s10], [sflag:$0x2], $0x400, s2, s1, $0x38;
	[tilespmem:$0x16400] =	vst v63  }
0x21d: {  	s29 =	sadd.s32 $0x1C0, s23;
	s0 =	simm.s32 $0xC00;
	s3 =	sadd.s32 $0xC0, s23  }
0x21e: {  	[hbm4b:s3+s1] =	stream.strided.scatter [tilespmem:s0], [sflag:$0x2], $0x400, s2, s1, $0x38;
	[tilespmem:$0x16400] =	vst v63  }
0x21f: {  	s4 =	simm.s32 $0x8000;
	s10 =	simm.s32 $0x1000;
	s30 =	sadd.s32 $0x100, s23  }
0x220: {  	[hbm4b:s30+s1] =	stream.strided.scatter [tilespmem:s10], [sflag:$0x2], $0x400, s2, s1, $0x38;
	[tilespmem:$0x16400] =	vst v63  }
0x221: {  	s28 =	sadd.s32 $0x1000, s23;
	s0 =	simm.s32 $0x1400;
	s3 =	sadd.s32 $0x140, s23  }
0x222: {  	[hbm4b:s3+s1] =	stream.strided.scatter [tilespmem:s0], [sflag:$0x2], $0x400, s2, s1, $0x38;
	[tilespmem:$0x16400] =	vst v63  }
0x223: {  	s9 =	simm.s32 $0x1C00;
	s10 =	simm.s32 $0x1800;
	s30 =	sadd.s32 $0x180, s23  }
0x224: {  	[hbm4b:s30+s1] =	stream.strided.scatter [tilespmem:s10], [sflag:$0x2], $0x400, s2, s1, $0x38;
	[tilespmem:$0x16400] =	vst v63  }
.LBB2_18:
0x225: {  	[hbm4b:s29+s1] =	stream.strided.scatter [tilespmem:s9], [sflag:$0x2], $0x400, s2, s1, $0x38;
	[tilespmem:$0x16400] =	vst v63  }
0x226: {  	s9 =	sshra.s32 s4, $0x2;
	p2 =	sne.s32 s4, $0x18000;
	s4 =	sadd.s32 $0x8000, s4  }
0x227: {  	[hbm4b:s28+s1] =	stream.strided.scatter [tilespmem:s9], [sflag:$0x2], $0x400, s2, s1, $0x38;
	[tilespmem:$0x16400] =	vst v63  }
0x228: {  	s29 =	sadd.s32 $0x40, s28;
	s10 =	sadd.s32 $0x400, s9  }
0x229: {  	[hbm4b:s29+s1] =	stream.strided.scatter [tilespmem:s10], [sflag:$0x2], $0x400, s2, s1, $0x38;
	[tilespmem:$0x16400] =	vst v63  }
0x22a: {  	s10 =	sadd.s32 $0x800, s9;
	s29 =	sadd.s32 $0x80, s28  }
0x22b: {  	[hbm4b:s29+s1] =	stream.strided.scatter [tilespmem:s10], [sflag:$0x2], $0x400, s2, s1, $0x38;
	[tilespmem:$0x16400] =	vst v63  }
0x22c: {  	s10 =	sadd.s32 $0xC00, s9;
	s29 =	sadd.s32 $0xC0, s28  }
0x22d: {  	[hbm4b:s29+s1] =	stream.strided.scatter [tilespmem:s10], [sflag:$0x2], $0x400, s2, s1, $0x38;
	[tilespmem:$0x16400] =	vst v63  }
0x22e: {  	s10 =	sadd.s32 $0x1000, s9;
	s29 =	sadd.s32 $0x100, s28  }
0x22f: {  	[hbm4b:s29+s1] =	stream.strided.scatter [tilespmem:s10], [sflag:$0x2], $0x400, s2, s1, $0x38;
	[tilespmem:$0x16400] =	vst v63  }
.Ltmp8:
0x230: {  	s10 =	sadd.s32 $0x1400, s9;
	s29 =	sadd.s32 $0x140, s28;
	(pc) =	sbr.rel @p2 .LBB2_18-.Ltmp8, $4  }
0x231: {  	[hbm4b:s29+s1] =	stream.strided.scatter [tilespmem:s10], [sflag:$0x2], $0x400, s2, s1, $0x38;
	[tilespmem:$0x16400] =	vst v63  }
0x232: {  	s10 =	sadd.s32 $0x1800, s9;
	s29 =	sadd.s32 $0x180, s28  }
0x233: {  	[hbm4b:s29+s1] =	stream.strided.scatter [tilespmem:s10], [sflag:$0x2], $0x400, s2, s1, $0x38;
	[tilespmem:$0x16400] =	vst v63  }
0x234: {  	s9 =	sadd.s32 $0x1C00, s9;
	s29 =	sadd.s32 $0x1C0, s28;
	s28 =	sadd.s32 $0x1000, s28  }
0x235: {  	[hbm4b:s29+s1] =	stream.strided.scatter [tilespmem:s9], [sflag:$0x2], $0x400, s2, s1, $0x38;
	[tilespmem:$0x16400] =	vst v63  }
0x236: {  	_ =	swait.ge [sflag:s16], $0x8000  }
0x237: {  	[sflag:s16] =	ssyncset.done $0x0  }
0x238: {  	[sflag:s16] =	ssyncadd.s32 $0xFFFF8000  }
0x239: {  	_ =	swait.ge [sflag:s26], $0x8000  }
0x23a: {  	[sflag:s26] =	ssyncset.done $0x0  }
0x23b: {  	s4 =	simm.s32 $0x8000;
	[sflag:s26] =	ssyncadd.s32 $0xFFFF8000  }
0x23c: {  	[hbm4b:s24+s1] =	stream.strided.scatter [tilespmem:s4], [sflag:$0x2], $0x400, s2, s1, $0x38;
	[tilespmem:$0x16400] =	vst v63  }
0x23d: {  	s0 =	simm.s32 $0x8400;
	s3 =	sadd.s32 $0x40, s24  }
0x23e: {  	[hbm4b:s3+s1] =	stream.strided.scatter [tilespmem:s0], [sflag:$0x2], $0x400, s2, s1, $0x38;
	[tilespmem:$0x16400] =	vst v63  }
0x23f: {  	s9 =	simm.s32 $0x8800;
	s10 =	sadd.s32 $0x80, s24  }
0x240: {  	[hbm4b:s10+s1] =	stream.strided.scatter [tilespmem:s9], [sflag:$0x2], $0x400, s2, s1, $0x38;
	[tilespmem:$0x16400] =	vst v63  }
0x241: {  	s0 =	simm.s32 $0x8C00;
	s3 =	sadd.s32 $0xC0, s24  }
0x242: {  	[hbm4b:s3+s1] =	stream.strided.scatter [tilespmem:s0], [sflag:$0x2], $0x400, s2, s1, $0x38;
	[tilespmem:$0x16400] =	vst v63  }
0x243: {  	s9 =	simm.s32 $0x9000;
	s10 =	sadd.s32 $0x100, s24  }
0x244: {  	[hbm4b:s10+s1] =	stream.strided.scatter [tilespmem:s9], [sflag:$0x2], $0x400, s2, s1, $0x38;
	[tilespmem:$0x16400] =	vst v63  }
0x245: {  	s29 =	simm.s32 $0x10000;
	s0 =	simm.s32 $0x9400;
	s3 =	sadd.s32 $0x140, s24  }
0x246: {  	[hbm4b:s3+s1] =	stream.strided.scatter [tilespmem:s0], [sflag:$0x2], $0x400, s2, s1, $0x38;
	[tilespmem:$0x16400] =	vst v63  }
0x247: {  	s30 =	sadd.s32 $0x1C0, s24;
	s9 =	simm.s32 $0x9800;
	s10 =	sadd.s32 $0x180, s24  }
0x248: {  	[hbm4b:s10+s1] =	stream.strided.scatter [tilespmem:s9], [sflag:$0x2], $0x400, s2, s1, $0x38;
	[tilespmem:$0x16400] =	vst v63  }
0x249: {  	s28 =	sadd.s32 $0x1000, s24;
	s4 =	simm.s32 $0x2000;
	s9 =	simm.s32 $0x9C00  }
.LBB2_20:
0x24a: {  	[hbm4b:s30+s1] =	stream.strided.scatter [tilespmem:s9], [sflag:$0x2], $0x400, s2, s1, $0x38;
	[tilespmem:$0x16400] =	vst v63  }
0x24b: {  	s9 =	smov.u32 s4;
	s4 =	smov.u32 s29  }
0x24c: {  	s10 =	sadd.s32 $0x8000, s29;
	s4 =	sshra.s32 s4, $0x2;
	s30 =	sadd.s32 $0x8000, s9  }
0x24d: {  	[hbm4b:s28+s1] =	stream.strided.scatter [tilespmem:s30], [sflag:$0x2], $0x400, s2, s1, $0x38;
	[tilespmem:$0x16400] =	vst v63  }
0x24e: {  	p2 =	sne.s32 s29, $0x18000;
	s29 =	sadd.s32 $0x8400, s9;
	s30 =	sadd.s32 $0x40, s28  }
0x24f: {  	[hbm4b:s30+s1] =	stream.strided.scatter [tilespmem:s29], [sflag:$0x2], $0x400, s2, s1, $0x38;
	[tilespmem:$0x16400] =	vst v63  }
0x250: {  	s29 =	sadd.s32 $0x8800, s9;
	s30 =	sadd.s32 $0x80, s28  }
0x251: {  	[hbm4b:s30+s1] =	stream.strided.scatter [tilespmem:s29], [sflag:$0x2], $0x400, s2, s1, $0x38;
	[tilespmem:$0x16400] =	vst v63  }
0x252: {  	s29 =	sadd.s32 $0x8C00, s9;
	s30 =	sadd.s32 $0xC0, s28  }
0x253: {  	[hbm4b:s30+s1] =	stream.strided.scatter [tilespmem:s29], [sflag:$0x2], $0x400, s2, s1, $0x38;
	[tilespmem:$0x16400] =	vst v63  }
0x254: {  	s29 =	sadd.s32 $0x9000, s9;
	s30 =	sadd.s32 $0x100, s28  }
0x255: {  	[hbm4b:s30+s1] =	stream.strided.scatter [tilespmem:s29], [sflag:$0x2], $0x400, s2, s1, $0x38;
	[tilespmem:$0x16400] =	vst v63  }
.Ltmp9:
0x256: {  	s29 =	sadd.s32 $0x9400, s9;
	s30 =	sadd.s32 $0x140, s28;
	(pc) =	sbr.rel @p2 .LBB2_20-.Ltmp9, $4  }
0x257: {  	[hbm4b:s30+s1] =	stream.strided.scatter [tilespmem:s29], [sflag:$0x2], $0x400, s2, s1, $0x38;
	[tilespmem:$0x16400] =	vst v63  }
0x258: {  	s29 =	sadd.s32 $0x9800, s9;
	s30 =	sadd.s32 $0x180, s28;
	s9 =	sadd.s32 $0x9C00, s9  }
0x259: {  	[hbm4b:s30+s1] =	stream.strided.scatter [tilespmem:s29], [sflag:$0x2], $0x400, s2, s1, $0x38;
	[tilespmem:$0x16400] =	vst v63  }
0x25a: {  	s30 =	sadd.s32 $0x1C0, s28;
	s28 =	sadd.s32 $0x1000, s28;
	s29 =	smov.u32 s10  }
0x25b: {  	[hbm4b:s30+s1] =	stream.strided.scatter [tilespmem:s9], [sflag:$0x2], $0x400, s2, s1, $0x38;
	[tilespmem:$0x16400] =	vst v63  }
0x25c: {  	s29 =	sadd.s32 $0x8000, s4  }
0x25d: {  	[hbm4b:s28+s1] =	stream.strided.scatter [tilespmem:s29], [sflag:$0x2], $0x400, s2, s1, $0x38;
	[tilespmem:$0x16400] =	vst v63  }
0x25e: {  	s30 =	sadd.s32 $0x8400, s4;
	s10 =	sadd.s32 $0x40, s28  }
0x25f: {  	[hbm4b:s10+s1] =	stream.strided.scatter [tilespmem:s30], [sflag:$0x2], $0x400, s2, s1, $0x38;
	[tilespmem:$0x16400] =	vst v63  }
0x260: {  	s0 =	sadd.s32 $0x8800, s4;
	s3 =	sadd.s32 $0x80, s28  }
0x261: {  	[hbm4b:s3+s1] =	stream.strided.scatter [tilespmem:s0], [sflag:$0x2], $0x400, s2, s1, $0x38;
	[tilespmem:$0x16400] =	vst v63  }
0x262: {  	s29 =	sadd.s32 $0x8C00, s4;
	s30 =	sadd.s32 $0xC0, s28  }
0x263: {  	[hbm4b:s30+s1] =	stream.strided.scatter [tilespmem:s29], [sflag:$0x2], $0x400, s2, s1, $0x38;
	[tilespmem:$0x16400] =	vst v63  }
0x264: {  	s0 =	sadd.s32 $0x9000, s4;
	s3 =	sadd.s32 $0x100, s28  }
0x265: {  	[hbm4b:s3+s1] =	stream.strided.scatter [tilespmem:s0], [sflag:$0x2], $0x400, s2, s1, $0x38;
	[tilespmem:$0x16400] =	vst v63  }
0x266: {  	s29 =	sadd.s32 $0x9400, s4;
	s30 =	sadd.s32 $0x140, s28  }
0x267: {  	[hbm4b:s30+s1] =	stream.strided.scatter [tilespmem:s29], [sflag:$0x2], $0x400, s2, s1, $0x38;
	[tilespmem:$0x16400] =	vst v63  }
0x268: {  	s0 =	sadd.s32 $0x9800, s4;
	s3 =	sadd.s32 $0x180, s28  }
0x269: {  	[hbm4b:s3+s1] =	stream.strided.scatter [tilespmem:s0], [sflag:$0x2], $0x400, s2, s1, $0x38;
	[tilespmem:$0x16400] =	vst v63  }
0x26a: {  	s10 =	sadd.s32 $0x9C00, s4;
	s29 =	sadd.s32 $0x1C0, s28  }
0x26b: {  	[hbm4b:s29+s1] =	stream.strided.scatter [tilespmem:s10], [sflag:$0x2], $0x400, s2, s1, $0x38;
	[tilespmem:$0x16400] =	vst v63  }
0x26c: {  	_ =	swait.ge [sflag:s26], $0x8000  }
0x26d: {  	[sflag:s26] =	ssyncset.done $0x0  }
0x26e: {  	s4 =	simm.s32 @!p1 $0x3;
	[sflag:s26] =	ssyncadd.s32 $0xFFFF8000  }
0x26f: {  	_ =	swait.ge @!p1 [sflag:s4], $0x4000  }
0x270: {  	[sflag:s4] =	ssyncset.done @!p1 $0x0  }
0x271: {  	[sflag:s4] =	ssyncadd.s32 @!p1 $0xFFFFC000  }
0x272: {  	_ =	swait.ge @!p1 [sflag:s4], $0x4000  }
0x273: {  	[sflag:s4] =	ssyncset.done @!p1 $0x0  }
0x274: {  	[sflag:s4] =	ssyncadd.s32 @!p1 $0xFFFFC000  }
0x275: {  	_ =	swait.ge @!p1 [sflag:s4], $0x4000  }
0x276: {  	[sflag:s4] =	ssyncset.done @!p1 $0x0  }
0x277: {  	[sflag:s4] =	ssyncadd.s32 @!p1 $0xFFFFC000  }
0x278: {  	_ =	swait.ge @!p1 [sflag:s4], $0x4000  }
0x279: {  	[sflag:s4] =	ssyncset.done @!p1 $0x0  }
0x27a: {  	[sflag:s4] =	ssyncadd.s32 @!p1 $0xFFFFC000;
	s4 =	simm.s32 @!p0 $0x3  }
0x27b: {  	_ =	swait.ge @!p0 [sflag:s4], $0x400  }
0x27c: {  	[sflag:s4] =	ssyncset.done @!p0 $0x0  }
0x27d: {  	[sflag:s4] =	ssyncadd.s32 @!p0 $0xFFFFFC00  }
0x27e: {  	_ =	swait.ge @!p0 [sflag:s4], $0x400  }
0x27f: {  	[sflag:s4] =	ssyncset.done @!p0 $0x0  }
0x280: {  	[sflag:s4] =	ssyncadd.s32 @!p0 $0xFFFFFC00  }
0x281: {  	_ =	swait.ge @!p0 [sflag:s4], $0x400  }
0x282: {  	[sflag:s4] =	ssyncset.done @!p0 $0x0  }
0x283: {  	[sflag:s4] =	ssyncadd.s32 @!p0 $0xFFFFFC00  }
0x284: {  	_ =	swait.ge @!p0 [sflag:s4], $0x400  }
0x285: {  	s6 =	sadd.s32 $0x1, s6;
	s30 =	rddreg [dreg:$0xd]  }
0x286: {  	p2 =	sne.s32 s6, s30  }
.Ltmp10:
0x287: {  	_ = 	snop;
	(pc) =	sbr.rel @p2 .LBB2_1-.Ltmp10, $3  }
0x288: {  	_ =	sdelay $0x1  }
0x289: {  	[sflag:s4] =	ssyncset.done @!p0 $0x0  }
0x28a: {  	[sflag:s4] =	ssyncadd.s32 @!p0 $0xFFFFFC00  }
0x28b: {  	_ =	sfence.sel $0x180000  }
0x28c: {  	[bflag:$0x0] =	sbarrier.arrive $0xFFFF  }
0x28d: {  	_ =	strace $0x90000047  }
0x28e: {  	s0 =	stileid.u32;
	[bflag:$0x2] =	sbarrier.arrive $0xFFFF  }
0x28f: {  	p0 =	sne.s32 s0, $0x0;
	s0 =	rddreg [dreg:$0x4]  }
0x290: {  	s0 =	sadd.s32 @!p0 $0x100000, s0  }
0x291: {  	[sflag:s0] =	ssyncadd.tile.s32 @!p0 $0x1;
	_ =	shalt  }
.Lfunc_end2:
_tile_overlayer_lowered:
.L_overlay_start_2:
0x292: {  	(tag) =	ssettag $0x2  }
0x293: {  	s0 =	rddreg [dreg:$0x0];
	s2 =	stileid.u32  }
0x294: {  	s1 =	rddreg [dreg:$0x1];
	p0 =	sne.s32 s2, $0x0  }
0x295: {  	s3 =	rddreg [dreg:$0x2];
	[bflag:$0x3] =	sbarrier.arrive $0xFFFF;
	s2 =	simm.s32 @!p0 $0x1C04  }
0x296: {  	[timem:s3], [sflag:s2] =	dma.local @!p0 [hbm:s0], s1  }
0x297: {  	s0 =	simm.s32 @!p0 $0x4  }
0x298: {  	_ =	swait.ge @!p0 [sflag:s0], s1  }
0x299: {  	s1 =	ssub.s32 @!p0 $0x0, s1;
	[sflag:s0] =	ssyncset.done @!p0 $0x0  }
0x29a: {  	[sflag:s0] =	ssyncadd.s32 @!p0 s1  }
0x29b: {  	[bflag:$0x3] =	sbarrier.arrive $0xFFFF  }
0x29c: {  	_ =	shalt  }

</sc_bundles>
